<compile_context>
chip_gen: v7x
topology: tpu7x:2x2x1
jax: 0.10.2.dev20260603
libtpu: 0.0.44.dev20260713+nightly
codegen_flags: <defaults>
</compile_context>

<pallas_src>
import functools

import jax
import jax.numpy as jnp
from jax import lax
from jax.experimental import pallas as pl
from jax.experimental.pallas import tpu as pltpu
from jax.experimental.pallas import tpu_sc as plsc

THRESH = 0.2
MIN_KEPT_FRAC = 0.01
ABS_THRESH = 0.8472978603872037

N = 8 * 512 * 512
OUT_ROWS = N // 128

HROWS, HCOLS = 72, 128
H = HROWS * HCOLS
NBUCKETS = 8192
BUCKET_SHIFT = 17
TRASH = NBUCKETS

NTILES = 32
HALF_N = N // 2
PER_TILE = HALF_N // NTILES
CHUNK = 8192

K_KEPT = int(MIN_KEPT_FRAC * N)

PACK = 4096.0


_SOFTPLUS_COEFFS = (
    0.6931471710278221,
    -0.4999994142888598,
    0.12499137715952302,
    5.171521911596488e-05,
    -0.005358852851406005,
    0.0002188750327285275,
    0.000211068980896383,
)


def _elemwise_body(s_ref, t_ref, id_ref):
    s = s_ref[0]
    t = t_ref[0]
    a = jnp.abs(s)
    sp = jnp.float32(_SOFTPLUS_COEFFS[-1])
    for coef in _SOFTPLUS_COEFFS[-2::-1]:
        sp = sp * a + jnp.float32(coef)
    loss = jnp.maximum(s, 0.0) - s * t + sp
    mask = a < ABS_THRESH
    bits = lax.bitcast_convert_type(a, jnp.int32)
    bucket = jnp.minimum(lax.shift_right_logical(bits, BUCKET_SHIFT), NBUCKETS - 1)
    lq = (loss * 65536.0 + 0.5).astype(jnp.int32)
    word = lax.shift_left(jnp.where(mask, bucket, TRASH), 17)
    id_ref[...] = word | jnp.where(mask, lq, 0)


NCHUNK = PER_TILE // CHUNK


def _hist_body(word_hbm, hist_out, w_v0, w_v1, hist_h, sem0, sem1):
    c = lax.axis_index("c")
    s = lax.axis_index("s")
    wid = s * 2 + c
    base = wid * PER_TILE

    zeros16 = jnp.zeros((16,), jnp.float32)

    word_bufs = (w_v0, w_v1)
    sems = (sem0, sem1)

    def issue(ci, b):
        off = base + ci * CHUNK
        pltpu.async_copy(word_hbm.at[pl.ds(off, CHUNK)], word_bufs[b], sems[b])

    def drain(ci, b):
        off = base + ci * CHUNK
        pltpu.make_async_copy(word_hbm.at[pl.ds(off, CHUNK)], word_bufs[b], sems[b]).wait()

    def process(b):
        w_v = word_bufs[b]

        @pl.loop(0, CHUNK // 64)
        def _vec(j):
            for u in range(4):
                o = (j * 4 + u) * 16
                w = w_v[pl.ds(o, 16)]
                idx = lax.shift_right_logical(w, 17)
                lq = w & 0x1FFFF
                v = lq.astype(jnp.float32) * (1.0 / 65536.0) + PACK
                plsc.addupdate_scatter(hist_h, [idx], v)

    issue(0, 0)
    issue(1, 1)

    @pl.loop(0, H // 16)
    def _zero(i):
        hist_h[pl.ds(i * 16, 16)] = zeros16

    @pl.loop(0, NCHUNK - 2, step=2)
    def _outer(ci):
        for b in range(2):
            drain(ci + b, b)
            process(b)
            issue(ci + b + 2, b)

    drain(NCHUNK - 2, 0)
    process(0)
    drain(NCHUNK - 1, 1)
    process(1)

    pltpu.sync_copy(hist_h, hist_out.at[pl.ds(wid * H, H)])


def _masked_roll_add(x, sh, axis, pos):
    return x + jnp.where(pos >= sh, pltpu.roll(x, sh, axis), 0.0)


def _select_body(hist0_ref, hist1_ref, out_ref):
    acc_c = jnp.zeros((HROWS, HCOLS), jnp.float32)
    acc_s = jnp.zeros((HROWS, HCOLS), jnp.float32)
    for hist_ref in (hist0_ref, hist1_ref):
        for w in range(NTILES):
            x = hist_ref[pl.ds(w * HROWS, HROWS), :]
            c = jnp.floor(x * (1.0 / PACK))
            acc_c += c
            acc_s += x - PACK * c

    lane = lax.broadcasted_iota(jnp.int32, (HROWS, HCOLS), 1)
    row = lax.broadcasted_iota(jnp.int32, (HROWS, HCOLS), 0)
    valid = (row * HCOLS + lane) < NBUCKETS
    cnt = jnp.where(valid, acc_c, 0.0)
    lsum = jnp.where(valid, acc_s, 0.0)

    x = cnt
    for sh in (1, 2, 4, 8, 16, 32, 64):
        x = _masked_roll_add(x, sh, 1, lane)
    rowt = jnp.broadcast_to(x[:, HCOLS - 1:HCOLS], (HROWS, HCOLS))
    z = rowt
    for sh in (1, 2, 4, 8, 16, 32, 64):
        z = _masked_roll_add(z, sh, 0, row)
    excl = (x + (z - rowt)) - cnt

    total = jnp.sum(cnt)
    k = jnp.minimum(jnp.float32(K_KEPT), total)
    take = jnp.clip(k - excl, 0.0, cnt)
    num = jnp.sum(lsum * take / jnp.maximum(cnt, 1.0))
    out_ref[...] = jnp.reshape(num / jnp.maximum(k, 1.0), (1, 1))


def _make_elemwise(img_off):
    return pl.pallas_call(
        _elemwise_body,
        grid=(16,),
        in_specs=[
            pl.BlockSpec((1, 512, 128), lambda i: (i // 4 + img_off, 0, i % 4)),
            pl.BlockSpec((1, 512, 128), lambda i: (i // 4 + img_off, 0, i % 4)),
        ],
        out_specs=pl.BlockSpec((512, 128), lambda i: (i, 0)),
        out_shape=jax.ShapeDtypeStruct((OUT_ROWS // 2, 128), jnp.int32),
    )


def _make_hist():
    mesh = plsc.VectorSubcoreMesh(core_axis_name="c", subcore_axis_name="s")
    return pl.kernel(
        _hist_body,
        out_type=jax.ShapeDtypeStruct((NTILES * H,), jnp.float32),
        mesh=mesh,
        scratch_types=[
            pltpu.VMEM((CHUNK,), jnp.int32),
            pltpu.VMEM((CHUNK,), jnp.int32),
            pltpu.VMEM((H,), jnp.float32),
            pltpu.SemaphoreType.DMA,
            pltpu.SemaphoreType.DMA,
        ],
        compiler_params=pltpu.CompilerParams(needs_layout_passes=False),
    )


def _make_select():
    return pl.pallas_call(
        _select_body,
        out_shape=jax.ShapeDtypeStruct((1, 1), jnp.float32),
    )


def kernel(score, target):
    elem0 = _make_elemwise(0)
    elem1 = _make_elemwise(4)
    hist_call = _make_hist()
    words0 = elem0(score, target)
    hist0 = hist_call(words0.reshape(HALF_N))
    words1 = elem1(score, target)
    hist1 = hist_call(words1.reshape(HALF_N))
    out = _make_select()(
        hist0.reshape(NTILES * HROWS, HCOLS),
        hist1.reshape(NTILES * HROWS, HCOLS),
    )
    return out.reshape(())

# --- scband reference (transcript-rebuilt; emitter-appended) ---
"""Pipeline reference for scband-ohem-bce-45638322487454 (READ-ONLY COPY).

The authoritative reference and input builder live on the scoring server;
editing this copy changes nothing except your own understanding.
"""

import jax, jax.numpy as jnp
import numpy as np

THRESH = 0.2
MIN_KEPT_FRAC = 0.01


def setup_inputs(seed: int = 0) -> dict:
    key = jax.random.key(seed)
    k1, k2 = jax.random.split(key)
    score = jax.random.normal(k1, (8, 512, 512), dtype=jnp.float32)
    target = jax.random.uniform(k2, (8, 512, 512), dtype=jnp.float32)
    return {"score": score, "target": target}


def _bce_with_logits(x, t):
    # numerically stable BCEWithLogitsLoss, reduction='none', no weight
    return jnp.maximum(x, 0.0) - x * t + jnp.log1p(jnp.exp(-jnp.abs(x)))


def reference(score, target):
    s = score.reshape(-1)
    t = target.reshape(-1)
    n = s.shape[0]
    pred = jnp.abs(jax.nn.sigmoid(s) - 0.5)
    mask = pred < THRESH
    pixel_losses = _bce_with_logits(s, t)
    # sort masked preds ascending; unmasked pushed to the end via +inf (stable argsort)
    pred_masked = jnp.where(mask, pred, jnp.inf)
    order = jnp.argsort(pred_masked)
    losses_sorted = pixel_losses[order]
    min_kept = int(MIN_KEPT_FRAC * n)
    min_ix = jnp.minimum(jnp.asarray(min_kept, dtype=jnp.int32), mask.sum().astype(jnp.int32))
    keep = (jnp.arange(n) < min_ix).astype(losses_sorted.dtype)
    denom = jnp.maximum(min_ix, 1).astype(losses_sorted.dtype)
    return jnp.sum(losses_sorted * keep) / denom

if __name__ == "__main__":
    import jax
    _d = setup_inputs()
    print(jax.jit(kernel)(*tuple(_d.values())))

</pallas_src>

<mosaic_0001>
#map = affine_map<(d0, d1) -> (0)>
module attributes {stable_mosaic.version = 14 : i64} {
  func.func @_hist_body(%arg0: i32, %arg1: i32, %arg2: memref<1048576xi32, #tpu.memory_space<hbm>>, %arg3: memref<294912xf32, #tpu.memory_space<hbm>>, %arg4: memref<8192xi32, #tpu.memory_space<vmem>>, %arg5: memref<8192xi32, #tpu.memory_space<vmem>>, %arg6: memref<9216xf32, #tpu.memory_space<vmem>>, %arg7: memref<!tpu.dma_semaphore, #tpu.memory_space<semaphore_mem>>, %arg8: memref<!tpu.dma_semaphore, #tpu.memory_space<semaphore_mem>>) attributes {dimension_semantics = [#tpu.dimension_semantics<core_parallel>, #tpu.dimension_semantics<subcore_parallel>], iteration_bounds = array<i64: 2, 16>, scalar_prefetch = 0 : i64, scratch_operands = 5 : i64, tpu.core_type = #tpu.core_type<sc_vector_subcore>, window_params = [{transform_indices = #map}, {transform_indices = #map}]} {
    %mul3A = arith.constant 2 : i32
    %mul3A_0 = arith.muli %arg1, %mul3A : i32
    %add3A = arith.addi %mul3A_0, %arg0 : i32
    %mul3A_1 = arith.constant 32768 : i32
    %mul3A_2 = arith.muli %add3A, %mul3A_1 : i32
    %broadcast_in_dim3A = arith.constant 0.000000e+00 : f32
    %broadcast_in_dim3A_3 = vector.broadcast %broadcast_in_dim3A : f32 to vector<16xf32>
    %add3A_4 = arith.constant 0 : i32
    %add3A_5 = arith.addi %mul3A_2, %add3A_4 : i32
    %dma_start3A = tpu.memref_slice %arg2[%add3A_5] : memref<1048576xi32, #tpu.memory_space<hbm>> -> memref<8192xi32, #tpu.memory_space<hbm>>
    %dma_start3A_6 = tpu.memref_slice %arg2[%add3A_5] : memref<1048576xi32, #tpu.memory_space<hbm>> -> memref<8192xi32, #tpu.memory_space<hbm>>
    tpu.enqueue_dma source(%dma_start3A_6 : memref<8192xi32, #tpu.memory_space<hbm>>) target(%arg4 : memref<8192xi32, #tpu.memory_space<vmem>>) target_semaphore(%arg7 : memref<!tpu.dma_semaphore, #tpu.memory_space<semaphore_mem>>)
    %add3A_7 = arith.constant 8192 : i32
    %add3A_8 = arith.addi %mul3A_2, %add3A_7 : i32
    %dma_start3A_9 = tpu.memref_slice %arg2[%add3A_8] : memref<1048576xi32, #tpu.memory_space<hbm>> -> memref<8192xi32, #tpu.memory_space<hbm>>
    %dma_start3A_10 = tpu.memref_slice %arg2[%add3A_8] : memref<1048576xi32, #tpu.memory_space<hbm>> -> memref<8192xi32, #tpu.memory_space<hbm>>
    tpu.enqueue_dma source(%dma_start3A_10 : memref<8192xi32, #tpu.memory_space<hbm>>) target(%arg5 : memref<8192xi32, #tpu.memory_space<vmem>>) target_semaphore(%arg8 : memref<!tpu.dma_semaphore, #tpu.memory_space<semaphore_mem>>)
    %scan3A = arith.constant 0 : i32
    %scan3A_11 = arith.constant 576 : i32
    %scan3A_12 = arith.addi %scan3A, %scan3A_11 : i32
    %scan3A_13 = arith.constant 1 : i32
    scf.for %scan3A_82 = %scan3A to %scan3A_12 step %scan3A_13  : i32 {
      %mul3A_83 = arith.constant 1 : i32
      %mul3A_84 = arith.muli %scan3A_82, %mul3A_83 : i32
      %add3A_85 = arith.constant 0 : i32
      %add3A_86 = arith.addi %add3A_85, %mul3A_84 : i32
      %mul3A_87 = arith.constant 16 : i32
      %mul3A_88 = arith.muli %add3A_86, %mul3A_87 : i32
      %swap3A = arith.index_cast %mul3A_88 : i32 to index
      %swap3A_89 = tpu.vector_load %arg6[%swap3A] {strides = array<i32>} : memref<9216xf32, #tpu.memory_space<vmem>>, vector<16xf32>,
      tpu.vector_store %arg6[%swap3A], %broadcast_in_dim3A_3 {strides = array<i32>} : memref<9216xf32, #tpu.memory_space<vmem>>, vector<16xf32>,
    }
    %scan3A_14 = arith.constant 576 : i32
    %scan3A_15 = arith.constant 0 : i32
    %mul3A_16 = arith.constant 2 : i32
    %mul3A_17 = arith.muli %scan3A_15, %mul3A_16 : i32
    %add3A_18 = arith.constant 0 : i32
    %add3A_19 = arith.addi %add3A_18, %mul3A_17 : i32
    %add3A_20 = arith.constant 0 : i32
    %add3A_21 = arith.addi %add3A_19, %add3A_20 : i32
    %mul3A_22 = arith.constant 8192 : i32
    %mul3A_23 = arith.muli %add3A_21, %mul3A_22 : i32
    %add3A_24 = arith.addi %mul3A_2, %mul3A_23 : i32
    %dma_wait3A = tpu.memref_slice %arg2[%add3A_24] : memref<1048576xi32, #tpu.memory_space<hbm>> -> memref<8192xi32, #tpu.memory_space<hbm>>
    %dma_wait3A_25 = tpu.memref_slice %arg2[%add3A_24] : memref<1048576xi32, #tpu.memory_space<hbm>> -> memref<8192xi32, #tpu.memory_space<hbm>>
    tpu.wait_dma2 semaphore(%arg7 : memref<!tpu.dma_semaphore, #tpu.memory_space<semaphore_mem>>) src(%dma_wait3A_25 : memref<8192xi32, #tpu.memory_space<hbm>>) dst(%arg4 : memref<8192xi32, #tpu.memory_space<vmem>>)
    %scan3A_26 = arith.constant 0 : i32
    %scan3A_27 = arith.constant 128 : i32
    %scan3A_28 = arith.addi %scan3A_26, %scan3A_27 : i32
    %scan3A_29 = arith.constant 1 : i32
    scf.for %scan3A_82 = %scan3A_26 to %scan3A_28 step %scan3A_29  : i32 {
      %mul3A_83 = arith.constant 1 : i32
      %mul3A_84 = arith.muli %scan3A_82, %mul3A_83 : i32
      %add3A_85 = arith.constant 0 : i32
      %add3A_86 = arith.addi %add3A_85, %mul3A_84 : i32
      %mul3A_87 = arith.constant 4 : i32
      %mul3A_88 = arith.muli %add3A_86, %mul3A_87 : i32
      %add3A_89 = arith.constant 0 : i32
      %add3A_90 = arith.addi %mul3A_88, %add3A_89 : i32
      %mul3A_91 = arith.constant 16 : i32
      %mul3A_92 = arith.muli %add3A_90, %mul3A_91 : i32
      %get3A = arith.index_cast %mul3A_92 : i32 to index
      %get3A_93 = tpu.vector_load %arg4[%get3A] {strides = array<i32>} : memref<8192xi32, #tpu.memory_space<vmem>>, vector<16xi32>,
      %shift_right_logical3A = arith.constant 17 : i32
      %shift_right_logical3A_94 = vector.broadcast %shift_right_logical3A : i32 to vector<16xi32>
      %shift_right_logical3A_95 = arith.shrui %get3A_93, %shift_right_logical3A_94 : vector<16xi32>
      %and3A = arith.constant 131071 : i32
      %and3A_96 = vector.broadcast %and3A : i32 to vector<16xi32>
      %and3A_97 = arith.andi %get3A_93, %and3A_96 : vector<16xi32>
      %convert_element_type3A = arith.sitofp %and3A_97 : vector<16xi32> to vector<16xf32>
      %mul3A_98 = arith.constant 1.52587891E-5 : f32
      %mul3A_99 = vector.broadcast %mul3A_98 : f32 to vector<16xf32>
      %mul3A_100 = arith.mulf %convert_element_type3A, %mul3A_99 : vector<16xf32>
      %add3A_101 = arith.constant 4.096000e+03 : f32
      %add3A_102 = vector.broadcast %add3A_101 : f32 to vector<16xf32>
      %add3A_103 = arith.addf %mul3A_100, %add3A_102 : vector<16xf32>
      tpu.vector_store_idx %arg6[%shift_right_logical3A_95], %add3A_103 {add = true} : memref<9216xf32, #tpu.memory_space<vmem>>[vector<16xi32>], vector<16xf32>,
      %mul3A_104 = arith.constant 4 : i32
      %mul3A_105 = arith.muli %add3A_86, %mul3A_104 : i32
      %add3A_106 = arith.constant 1 : i32
      %add3A_107 = arith.addi %mul3A_105, %add3A_106 : i32
      %mul3A_108 = arith.constant 16 : i32
      %mul3A_109 = arith.muli %add3A_107, %mul3A_108 : i32
      %get3A_110 = arith.index_cast %mul3A_109 : i32 to index
      %get3A_111 = tpu.vector_load %arg4[%get3A_110] {strides = array<i32>} : memref<8192xi32, #tpu.memory_space<vmem>>, vector<16xi32>,
      %shift_right_logical3A_112 = arith.constant 17 : i32
      %shift_right_logical3A_113 = vector.broadcast %shift_right_logical3A_112 : i32 to vector<16xi32>
      %shift_right_logical3A_114 = arith.shrui %get3A_111, %shift_right_logical3A_113 : vector<16xi32>
      %and3A_115 = arith.constant 131071 : i32
      %and3A_116 = vector.broadcast %and3A_115 : i32 to vector<16xi32>
      %and3A_117 = arith.andi %get3A_111, %and3A_116 : vector<16xi32>
      %convert_element_type3A_118 = arith.sitofp %and3A_117 : vector<16xi32> to vector<16xf32>
      %mul3A_119 = arith.constant 1.52587891E-5 : f32
      %mul3A_120 = vector.broadcast %mul3A_119 : f32 to vector<16xf32>
      %mul3A_121 = arith.mulf %convert_element_type3A_118, %mul3A_120 : vector<16xf32>
      %add3A_122 = arith.constant 4.096000e+03 : f32
      %add3A_123 = vector.broadcast %add3A_122 : f32 to vector<16xf32>
      %add3A_124 = arith.addf %mul3A_121, %add3A_123 : vector<16xf32>
      tpu.vector_store_idx %arg6[%shift_right_logical3A_114], %add3A_124 {add = true} : memref<9216xf32, #tpu.memory_space<vmem>>[vector<16xi32>], vector<16xf32>,
      %mul3A_125 = arith.constant 4 : i32
      %mul3A_126 = arith.muli %add3A_86, %mul3A_125 : i32
      %add3A_127 = arith.constant 2 : i32
      %add3A_128 = arith.addi %mul3A_126, %add3A_127 : i32
      %mul3A_129 = arith.constant 16 : i32
      %mul3A_130 = arith.muli %add3A_128, %mul3A_129 : i32
      %get3A_131 = arith.index_cast %mul3A_130 : i32 to index
      %get3A_132 = tpu.vector_load %arg4[%get3A_131] {strides = array<i32>} : memref<8192xi32, #tpu.memory_space<vmem>>, vector<16xi32>,
      %shift_right_logical3A_133 = arith.constant 17 : i32
      %shift_right_logical3A_134 = vector.broadcast %shift_right_logical3A_133 : i32 to vector<16xi32>
      %shift_right_logical3A_135 = arith.shrui %get3A_132, %shift_right_logical3A_134 : vector<16xi32>
      %and3A_136 = arith.constant 131071 : i32
      %and3A_137 = vector.broadcast %and3A_136 : i32 to vector<16xi32>
      %and3A_138 = arith.andi %get3A_132, %and3A_137 : vector<16xi32>
      %convert_element_type3A_139 = arith.sitofp %and3A_138 : vector<16xi32> to vector<16xf32>
      %mul3A_140 = arith.constant 1.52587891E-5 : f32
      %mul3A_141 = vector.broadcast %mul3A_140 : f32 to vector<16xf32>
      %mul3A_142 = arith.mulf %convert_element_type3A_139, %mul3A_141 : vector<16xf32>
      %add3A_143 = arith.constant 4.096000e+03 : f32
      %add3A_144 = vector.broadcast %add3A_143 : f32 to vector<16xf32>
      %add3A_145 = arith.addf %mul3A_142, %add3A_144 : vector<16xf32>
      tpu.vector_store_idx %arg6[%shift_right_logical3A_135], %add3A_145 {add = true} : memref<9216xf32, #tpu.memory_space<vmem>>[vector<16xi32>], vector<16xf32>,
      %mul3A_146 = arith.constant 4 : i32
      %mul3A_147 = arith.muli %add3A_86, %mul3A_146 : i32
      %add3A_148 = arith.constant 3 : i32
      %add3A_149 = arith.addi %mul3A_147, %add3A_148 : i32
      %mul3A_150 = arith.constant 16 : i32
      %mul3A_151 = arith.muli %add3A_149, %mul3A_150 : i32
      %get3A_152 = arith.index_cast %mul3A_151 : i32 to index
      %get3A_153 = tpu.vector_load %arg4[%get3A_152] {strides = array<i32>} : memref<8192xi32, #tpu.memory_space<vmem>>, vector<16xi32>,
      %shift_right_logical3A_154 = arith.constant 17 : i32
      %shift_right_logical3A_155 = vector.broadcast %shift_right_logical3A_154 : i32 to vector<16xi32>
      %shift_right_logical3A_156 = arith.shrui %get3A_153, %shift_right_logical3A_155 : vector<16xi32>
      %and3A_157 = arith.constant 131071 : i32
      %and3A_158 = vector.broadcast %and3A_157 : i32 to vector<16xi32>
      %and3A_159 = arith.andi %get3A_153, %and3A_158 : vector<16xi32>
      %convert_element_type3A_160 = arith.sitofp %and3A_159 : vector<16xi32> to vector<16xf32>
      %mul3A_161 = arith.constant 1.52587891E-5 : f32
      %mul3A_162 = vector.broadcast %mul3A_161 : f32 to vector<16xf32>
      %mul3A_163 = arith.mulf %convert_element_type3A_160, %mul3A_162 : vector<16xf32>
      %add3A_164 = arith.constant 4.096000e+03 : f32
      %add3A_165 = vector.broadcast %add3A_164 : f32 to vector<16xf32>
      %add3A_166 = arith.addf %mul3A_163, %add3A_165 : vector<16xf32>
      tpu.vector_store_idx %arg6[%shift_right_logical3A_156], %add3A_166 {add = true} : memref<9216xf32, #tpu.memory_space<vmem>>[vector<16xi32>], vector<16xf32>,
    }
    %scan3A_30 = arith.constant 128 : i32
    %add3A_31 = arith.constant 0 : i32
    %add3A_32 = arith.addi %add3A_19, %add3A_31 : i32
    %add3A_33 = arith.constant 2 : i32
    %add3A_34 = arith.addi %add3A_32, %add3A_33 : i32
    %mul3A_35 = arith.constant 8192 : i32
    %mul3A_36 = arith.muli %add3A_34, %mul3A_35 : i32
    %add3A_37 = arith.addi %mul3A_2, %mul3A_36 : i32
    %dma_start3A_38 = tpu.memref_slice %arg2[%add3A_37] : memref<1048576xi32, #tpu.memory_space<hbm>> -> memref<8192xi32, #tpu.memory_space<hbm>>
    %dma_start3A_39 = tpu.memref_slice %arg2[%add3A_37] : memref<1048576xi32, #tpu.memory_space<hbm>> -> memref<8192xi32, #tpu.memory_space<hbm>>
    tpu.enqueue_dma source(%dma_start3A_39 : memref<8192xi32, #tpu.memory_space<hbm>>) target(%arg4 : memref<8192xi32, #tpu.memory_space<vmem>>) target_semaphore(%arg7 : memref<!tpu.dma_semaphore, #tpu.memory_space<semaphore_mem>>)
    %add3A_40 = arith.constant 1 : i32
    %add3A_41 = arith.addi %add3A_19, %add3A_40 : i32
    %mul3A_42 = arith.constant 8192 : i32
    %mul3A_43 = arith.muli %add3A_41, %mul3A_42 : i32
    %add3A_44 = arith.addi %mul3A_2, %mul3A_43 : i32
    %dma_wait3A_45 = tpu.memref_slice %arg2[%add3A_44] : memref<1048576xi32, #tpu.memory_space<hbm>> -> memref<8192xi32, #tpu.memory_space<hbm>>
    %dma_wait3A_46 = tpu.memref_slice %arg2[%add3A_44] : memref<1048576xi32, #tpu.memory_space<hbm>> -> memref<8192xi32, #tpu.memory_space<hbm>>
    tpu.wait_dma2 semaphore(%arg8 : memref<!tpu.dma_semaphore, #tpu.memory_space<semaphore_mem>>) src(%dma_wait3A_46 : memref<8192xi32, #tpu.memory_space<hbm>>) dst(%arg5 : memref<8192xi32, #tpu.memory_space<vmem>>)
    %scan3A_47 = arith.constant 0 : i32
    %scan3A_48 = arith.constant 128 : i32
    %scan3A_49 = arith.addi %scan3A_47, %scan3A_48 : i32
    %scan3A_50 = arith.constant 1 : i32
    scf.for %scan3A_82 = %scan3A_47 to %scan3A_49 step %scan3A_50  : i32 {
      %mul3A_83 = arith.constant 1 : i32
      %mul3A_84 = arith.muli %scan3A_82, %mul3A_83 : i32
      %add3A_85 = arith.constant 0 : i32
      %add3A_86 = arith.addi %add3A_85, %mul3A_84 : i32
      %mul3A_87 = arith.constant 4 : i32
      %mul3A_88 = arith.muli %add3A_86, %mul3A_87 : i32
      %add3A_89 = arith.constant 0 : i32
      %add3A_90 = arith.addi %mul3A_88, %add3A_89 : i32
      %mul3A_91 = arith.constant 16 : i32
      %mul3A_92 = arith.muli %add3A_90, %mul3A_91 : i32
      %get3A = arith.index_cast %mul3A_92 : i32 to index
      %get3A_93 = tpu.vector_load %arg5[%get3A] {strides = array<i32>} : memref<8192xi32, #tpu.memory_space<vmem>>, vector<16xi32>,
      %shift_right_logical3A = arith.constant 17 : i32
      %shift_right_logical3A_94 = vector.broadcast %shift_right_logical3A : i32 to vector<16xi32>
      %shift_right_logical3A_95 = arith.shrui %get3A_93, %shift_right_logical3A_94 : vector<16xi32>
      %and3A = arith.constant 131071 : i32
      %and3A_96 = vector.broadcast %and3A : i32 to vector<16xi32>
      %and3A_97 = arith.andi %get3A_93, %and3A_96 : vector<16xi32>
      %convert_element_type3A = arith.sitofp %and3A_97 : vector<16xi32> to vector<16xf32>
      %mul3A_98 = arith.constant 1.52587891E-5 : f32
      %mul3A_99 = vector.broadcast %mul3A_98 : f32 to vector<16xf32>
      %mul3A_100 = arith.mulf %convert_element_type3A, %mul3A_99 : vector<16xf32>
      %add3A_101 = arith.constant 4.096000e+03 : f32
      %add3A_102 = vector.broadcast %add3A_101 : f32 to vector<16xf32>
      %add3A_103 = arith.addf %mul3A_100, %add3A_102 : vector<16xf32>
      tpu.vector_store_idx %arg6[%shift_right_logical3A_95], %add3A_103 {add = true} : memref<9216xf32, #tpu.memory_space<vmem>>[vector<16xi32>], vector<16xf32>,
      %mul3A_104 = arith.constant 4 : i32
      %mul3A_105 = arith.muli %add3A_86, %mul3A_104 : i32
      %add3A_106 = arith.constant 1 : i32
      %add3A_107 = arith.addi %mul3A_105, %add3A_106 : i32
      %mul3A_108 = arith.constant 16 : i32
      %mul3A_109 = arith.muli %add3A_107, %mul3A_108 : i32
      %get3A_110 = arith.index_cast %mul3A_109 : i32 to index
      %get3A_111 = tpu.vector_load %arg5[%get3A_110] {strides = array<i32>} : memref<8192xi32, #tpu.memory_space<vmem>>, vector<16xi32>,
      %shift_right_logical3A_112 = arith.constant 17 : i32
      %shift_right_logical3A_113 = vector.broadcast %shift_right_logical3A_112 : i32 to vector<16xi32>
      %shift_right_logical3A_114 = arith.shrui %get3A_111, %shift_right_logical3A_113 : vector<16xi32>
      %and3A_115 = arith.constant 131071 : i32
      %and3A_116 = vector.broadcast %and3A_115 : i32 to vector<16xi32>
      %and3A_117 = arith.andi %get3A_111, %and3A_116 : vector<16xi32>
      %convert_element_type3A_118 = arith.sitofp %and3A_117 : vector<16xi32> to vector<16xf32>
      %mul3A_119 = arith.constant 1.52587891E-5 : f32
      %mul3A_120 = vector.broadcast %mul3A_119 : f32 to vector<16xf32>
      %mul3A_121 = arith.mulf %convert_element_type3A_118, %mul3A_120 : vector<16xf32>
      %add3A_122 = arith.constant 4.096000e+03 : f32
      %add3A_123 = vector.broadcast %add3A_122 : f32 to vector<16xf32>
      %add3A_124 = arith.addf %mul3A_121, %add3A_123 : vector<16xf32>
      tpu.vector_store_idx %arg6[%shift_right_logical3A_114], %add3A_124 {add = true} : memref<9216xf32, #tpu.memory_space<vmem>>[vector<16xi32>], vector<16xf32>,
      %mul3A_125 = arith.constant 4 : i32
      %mul3A_126 = arith.muli %add3A_86, %mul3A_125 : i32
      %add3A_127 = arith.constant 2 : i32
      %add3A_128 = arith.addi %mul3A_126, %add3A_127 : i32
      %mul3A_129 = arith.constant 16 : i32
      %mul3A_130 = arith.muli %add3A_128, %mul3A_129 : i32
      %get3A_131 = arith.index_cast %mul3A_130 : i32 to index
      %get3A_132 = tpu.vector_load %arg5[%get3A_131] {strides = array<i32>} : memref<8192xi32, #tpu.memory_space<vmem>>, vector<16xi32>,
      %shift_right_logical3A_133 = arith.constant 17 : i32
      %shift_right_logical3A_134 = vector.broadcast %shift_right_logical3A_133 : i32 to vector<16xi32>
      %shift_right_logical3A_135 = arith.shrui %get3A_132, %shift_right_logical3A_134 : vector<16xi32>
      %and3A_136 = arith.constant 131071 : i32
      %and3A_137 = vector.broadcast %and3A_136 : i32 to vector<16xi32>
      %and3A_138 = arith.andi %get3A_132, %and3A_137 : vector<16xi32>
      %convert_element_type3A_139 = arith.sitofp %and3A_138 : vector<16xi32> to vector<16xf32>
      %mul3A_140 = arith.constant 1.52587891E-5 : f32
      %mul3A_141 = vector.broadcast %mul3A_140 : f32 to vector<16xf32>
      %mul3A_142 = arith.mulf %convert_element_type3A_139, %mul3A_141 : vector<16xf32>
      %add3A_143 = arith.constant 4.096000e+03 : f32
      %add3A_144 = vector.broadcast %add3A_143 : f32 to vector<16xf32>
      %add3A_145 = arith.addf %mul3A_142, %add3A_144 : vector<16xf32>
      tpu.vector_store_idx %arg6[%shift_right_logical3A_135], %add3A_145 {add = true} : memref<9216xf32, #tpu.memory_space<vmem>>[vector<16xi32>], vector<16xf32>,
      %mul3A_146 = arith.constant 4 : i32
      %mul3A_147 = arith.muli %add3A_86, %mul3A_146 : i32
      %add3A_148 = arith.constant 3 : i32
      %add3A_149 = arith.addi %mul3A_147, %add3A_148 : i32
      %mul3A_150 = arith.constant 16 : i32
      %mul3A_151 = arith.muli %add3A_149, %mul3A_150 : i32
      %get3A_152 = arith.index_cast %mul3A_151 : i32 to index
      %get3A_153 = tpu.vector_load %arg5[%get3A_152] {strides = array<i32>} : memref<8192xi32, #tpu.memory_space<vmem>>, vector<16xi32>,
      %shift_right_logical3A_154 = arith.constant 17 : i32
      %shift_right_logical3A_155 = vector.broadcast %shift_right_logical3A_154 : i32 to vector<16xi32>
      %shift_right_logical3A_156 = arith.shrui %get3A_153, %shift_right_logical3A_155 : vector<16xi32>
      %and3A_157 = arith.constant 131071 : i32
      %and3A_158 = vector.broadcast %and3A_157 : i32 to vector<16xi32>
      %and3A_159 = arith.andi %get3A_153, %and3A_158 : vector<16xi32>
      %convert_element_type3A_160 = arith.sitofp %and3A_159 : vector<16xi32> to vector<16xf32>
      %mul3A_161 = arith.constant 1.52587891E-5 : f32
      %mul3A_162 = vector.broadcast %mul3A_161 : f32 to vector<16xf32>
      %mul3A_163 = arith.mulf %convert_element_type3A_160, %mul3A_162 : vector<16xf32>
      %add3A_164 = arith.constant 4.096000e+03 : f32
      %add3A_165 = vector.broadcast %add3A_164 : f32 to vector<16xf32>
      %add3A_166 = arith.addf %mul3A_163, %add3A_165 : vector<16xf32>
      tpu.vector_store_idx %arg6[%shift_right_logical3A_156], %add3A_166 {add = true} : memref<9216xf32, #tpu.memory_space<vmem>>[vector<16xi32>], vector<16xf32>,
    }
    %scan3A_51 = arith.constant 128 : i32
    %add3A_52 = arith.constant 1 : i32
    %add3A_53 = arith.addi %add3A_19, %add3A_52 : i32
    %add3A_54 = arith.constant 2 : i32
    %add3A_55 = arith.addi %add3A_53, %add3A_54 : i32
    %mul3A_56 = arith.constant 8192 : i32
    %mul3A_57 = arith.muli %add3A_55, %mul3A_56 : i32
    %add3A_58 = arith.addi %mul3A_2, %mul3A_57 : i32
    %dma_start3A_59 = tpu.memref_slice %arg2[%add3A_58] : memref<1048576xi32, #tpu.memory_space<hbm>> -> memref<8192xi32, #tpu.memory_space<hbm>>
    %dma_start3A_60 = tpu.memref_slice %arg2[%add3A_58] : memref<1048576xi32, #tpu.memory_space<hbm>> -> memref<8192xi32, #tpu.memory_space<hbm>>
    tpu.enqueue_dma source(%dma_start3A_60 : memref<8192xi32, #tpu.memory_space<hbm>>) target(%arg5 : memref<8192xi32, #tpu.memory_space<vmem>>) target_semaphore(%arg8 : memref<!tpu.dma_semaphore, #tpu.memory_space<semaphore_mem>>)
    %scan3A_61 = arith.constant 1 : i32
    %add3A_62 = arith.constant 16384 : i32
    %add3A_63 = arith.addi %mul3A_2, %add3A_62 : i32
    %dma_wait3A_64 = tpu.memref_slice %arg2[%add3A_63] : memref<1048576xi32, #tpu.memory_space<hbm>> -> memref<8192xi32, #tpu.memory_space<hbm>>
    %dma_wait3A_65 = tpu.memref_slice %arg2[%add3A_63] : memref<1048576xi32, #tpu.memory_space<hbm>> -> memref<8192xi32, #tpu.memory_space<hbm>>
    tpu.wait_dma2 semaphore(%arg7 : memref<!tpu.dma_semaphore, #tpu.memory_space<semaphore_mem>>) src(%dma_wait3A_65 : memref<8192xi32, #tpu.memory_space<hbm>>) dst(%arg4 : memref<8192xi32, #tpu.memory_space<vmem>>)
    %scan3A_66 = arith.constant 0 : i32
    %scan3A_67 = arith.constant 128 : i32
    %scan3A_68 = arith.addi %scan3A_66, %scan3A_67 : i32
    %scan3A_69 = arith.constant 1 : i32
    scf.for %scan3A_82 = %scan3A_66 to %scan3A_68 step %scan3A_69  : i32 {
      %mul3A_83 = arith.constant 1 : i32
      %mul3A_84 = arith.muli %scan3A_82, %mul3A_83 : i32
      %add3A_85 = arith.constant 0 : i32
      %add3A_86 = arith.addi %add3A_85, %mul3A_84 : i32
      %mul3A_87 = arith.constant 4 : i32
      %mul3A_88 = arith.muli %add3A_86, %mul3A_87 : i32
      %add3A_89 = arith.constant 0 : i32
      %add3A_90 = arith.addi %mul3A_88, %add3A_89 : i32
      %mul3A_91 = arith.constant 16 : i32
      %mul3A_92 = arith.muli %add3A_90, %mul3A_91 : i32
      %get3A = arith.index_cast %mul3A_92 : i32 to index
      %get3A_93 = tpu.vector_load %arg4[%get3A] {strides = array<i32>} : memref<8192xi32, #tpu.memory_space<vmem>>, vector<16xi32>,
      %shift_right_logical3A = arith.constant 17 : i32
      %shift_right_logical3A_94 = vector.broadcast %shift_right_logical3A : i32 to vector<16xi32>
      %shift_right_logical3A_95 = arith.shrui %get3A_93, %shift_right_logical3A_94 : vector<16xi32>
      %and3A = arith.constant 131071 : i32
      %and3A_96 = vector.broadcast %and3A : i32 to vector<16xi32>
      %and3A_97 = arith.andi %get3A_93, %and3A_96 : vector<16xi32>
      %convert_element_type3A = arith.sitofp %and3A_97 : vector<16xi32> to vector<16xf32>
      %mul3A_98 = arith.constant 1.52587891E-5 : f32
      %mul3A_99 = vector.broadcast %mul3A_98 : f32 to vector<16xf32>
      %mul3A_100 = arith.mulf %convert_element_type3A, %mul3A_99 : vector<16xf32>
      %add3A_101 = arith.constant 4.096000e+03 : f32
      %add3A_102 = vector.broadcast %add3A_101 : f32 to vector<16xf32>
      %add3A_103 = arith.addf %mul3A_100, %add3A_102 : vector<16xf32>
      tpu.vector_store_idx %arg6[%shift_right_logical3A_95], %add3A_103 {add = true} : memref<9216xf32, #tpu.memory_space<vmem>>[vector<16xi32>], vector<16xf32>,
      %mul3A_104 = arith.constant 4 : i32
      %mul3A_105 = arith.muli %add3A_86, %mul3A_104 : i32
      %add3A_106 = arith.constant 1 : i32
      %add3A_107 = arith.addi %mul3A_105, %add3A_106 : i32
      %mul3A_108 = arith.constant 16 : i32
      %mul3A_109 = arith.muli %add3A_107, %mul3A_108 : i32
      %get3A_110 = arith.index_cast %mul3A_109 : i32 to index
      %get3A_111 = tpu.vector_load %arg4[%get3A_110] {strides = array<i32>} : memref<8192xi32, #tpu.memory_space<vmem>>, vector<16xi32>,
      %shift_right_logical3A_112 = arith.constant 17 : i32
      %shift_right_logical3A_113 = vector.broadcast %shift_right_logical3A_112 : i32 to vector<16xi32>
      %shift_right_logical3A_114 = arith.shrui %get3A_111, %shift_right_logical3A_113 : vector<16xi32>
      %and3A_115 = arith.constant 131071 : i32
      %and3A_116 = vector.broadcast %and3A_115 : i32 to vector<16xi32>
      %and3A_117 = arith.andi %get3A_111, %and3A_116 : vector<16xi32>
      %convert_element_type3A_118 = arith.sitofp %and3A_117 : vector<16xi32> to vector<16xf32>
      %mul3A_119 = arith.constant 1.52587891E-5 : f32
      %mul3A_120 = vector.broadcast %mul3A_119 : f32 to vector<16xf32>
      %mul3A_121 = arith.mulf %convert_element_type3A_118, %mul3A_120 : vector<16xf32>
      %add3A_122 = arith.constant 4.096000e+03 : f32
      %add3A_123 = vector.broadcast %add3A_122 : f32 to vector<16xf32>
      %add3A_124 = arith.addf %mul3A_121, %add3A_123 : vector<16xf32>
      tpu.vector_store_idx %arg6[%shift_right_logical3A_114], %add3A_124 {add = true} : memref<9216xf32, #tpu.memory_space<vmem>>[vector<16xi32>], vector<16xf32>,
      %mul3A_125 = arith.constant 4 : i32
      %mul3A_126 = arith.muli %add3A_86, %mul3A_125 : i32
      %add3A_127 = arith.constant 2 : i32
      %add3A_128 = arith.addi %mul3A_126, %add3A_127 : i32
      %mul3A_129 = arith.constant 16 : i32
      %mul3A_130 = arith.muli %add3A_128, %mul3A_129 : i32
      %get3A_131 = arith.index_cast %mul3A_130 : i32 to index
      %get3A_132 = tpu.vector_load %arg4[%get3A_131] {strides = array<i32>} : memref<8192xi32, #tpu.memory_space<vmem>>, vector<16xi32>,
      %shift_right_logical3A_133 = arith.constant 17 : i32
      %shift_right_logical3A_134 = vector.broadcast %shift_right_logical3A_133 : i32 to vector<16xi32>
      %shift_right_logical3A_135 = arith.shrui %get3A_132, %shift_right_logical3A_134 : vector<16xi32>
      %and3A_136 = arith.constant 131071 : i32
      %and3A_137 = vector.broadcast %and3A_136 : i32 to vector<16xi32>
      %and3A_138 = arith.andi %get3A_132, %and3A_137 : vector<16xi32>
      %convert_element_type3A_139 = arith.sitofp %and3A_138 : vector<16xi32> to vector<16xf32>
      %mul3A_140 = arith.constant 1.52587891E-5 : f32
      %mul3A_141 = vector.broadcast %mul3A_140 : f32 to vector<16xf32>
      %mul3A_142 = arith.mulf %convert_element_type3A_139, %mul3A_141 : vector<16xf32>
      %add3A_143 = arith.constant 4.096000e+03 : f32
      %add3A_144 = vector.broadcast %add3A_143 : f32 to vector<16xf32>
      %add3A_145 = arith.addf %mul3A_142, %add3A_144 : vector<16xf32>
      tpu.vector_store_idx %arg6[%shift_right_logical3A_135], %add3A_145 {add = true} : memref<9216xf32, #tpu.memory_space<vmem>>[vector<16xi32>], vector<16xf32>,
      %mul3A_146 = arith.constant 4 : i32
      %mul3A_147 = arith.muli %add3A_86, %mul3A_146 : i32
      %add3A_148 = arith.constant 3 : i32
      %add3A_149 = arith.addi %mul3A_147, %add3A_148 : i32
      %mul3A_150 = arith.constant 16 : i32
      %mul3A_151 = arith.muli %add3A_149, %mul3A_150 : i32
      %get3A_152 = arith.index_cast %mul3A_151 : i32 to index
      %get3A_153 = tpu.vector_load %arg4[%get3A_152] {strides = array<i32>} : memref<8192xi32, #tpu.memory_space<vmem>>, vector<16xi32>,
      %shift_right_logical3A_154 = arith.constant 17 : i32
      %shift_right_logical3A_155 = vector.broadcast %shift_right_logical3A_154 : i32 to vector<16xi32>
      %shift_right_logical3A_156 = arith.shrui %get3A_153, %shift_right_logical3A_155 : vector<16xi32>
      %and3A_157 = arith.constant 131071 : i32
      %and3A_158 = vector.broadcast %and3A_157 : i32 to vector<16xi32>
      %and3A_159 = arith.andi %get3A_153, %and3A_158 : vector<16xi32>
      %convert_element_type3A_160 = arith.sitofp %and3A_159 : vector<16xi32> to vector<16xf32>
      %mul3A_161 = arith.constant 1.52587891E-5 : f32
      %mul3A_162 = vector.broadcast %mul3A_161 : f32 to vector<16xf32>
      %mul3A_163 = arith.mulf %convert_element_type3A_160, %mul3A_162 : vector<16xf32>
      %add3A_164 = arith.constant 4.096000e+03 : f32
      %add3A_165 = vector.broadcast %add3A_164 : f32 to vector<16xf32>
      %add3A_166 = arith.addf %mul3A_163, %add3A_165 : vector<16xf32>
      tpu.vector_store_idx %arg6[%shift_right_logical3A_156], %add3A_166 {add = true} : memref<9216xf32, #tpu.memory_space<vmem>>[vector<16xi32>], vector<16xf32>,
    }
    %scan3A_70 = arith.constant 128 : i32
    %add3A_71 = arith.constant 24576 : i32
    %add3A_72 = arith.addi %mul3A_2, %add3A_71 : i32
    %dma_wait3A_73 = tpu.memref_slice %arg2[%add3A_72] : memref<1048576xi32, #tpu.memory_space<hbm>> -> memref<8192xi32, #tpu.memory_space<hbm>>
    %dma_wait3A_74 = tpu.memref_slice %arg2[%add3A_72] : memref<1048576xi32, #tpu.memory_space<hbm>> -> memref<8192xi32, #tpu.memory_space<hbm>>
    tpu.wait_dma2 semaphore(%arg8 : memref<!tpu.dma_semaphore, #tpu.memory_space<semaphore_mem>>) src(%dma_wait3A_74 : memref<8192xi32, #tpu.memory_space<hbm>>) dst(%arg5 : memref<8192xi32, #tpu.memory_space<vmem>>)
    %scan3A_75 = arith.constant 0 : i32
    %scan3A_76 = arith.constant 128 : i32
    %scan3A_77 = arith.addi %scan3A_75, %scan3A_76 : i32
    %scan3A_78 = arith.constant 1 : i32
    scf.for %scan3A_82 = %scan3A_75 to %scan3A_77 step %scan3A_78  : i32 {
      %mul3A_83 = arith.constant 1 : i32
      %mul3A_84 = arith.muli %scan3A_82, %mul3A_83 : i32
      %add3A_85 = arith.constant 0 : i32
      %add3A_86 = arith.addi %add3A_85, %mul3A_84 : i32
      %mul3A_87 = arith.constant 4 : i32
      %mul3A_88 = arith.muli %add3A_86, %mul3A_87 : i32
      %add3A_89 = arith.constant 0 : i32
      %add3A_90 = arith.addi %mul3A_88, %add3A_89 : i32
      %mul3A_91 = arith.constant 16 : i32
      %mul3A_92 = arith.muli %add3A_90, %mul3A_91 : i32
      %get3A = arith.index_cast %mul3A_92 : i32 to index
      %get3A_93 = tpu.vector_load %arg5[%get3A] {strides = array<i32>} : memref<8192xi32, #tpu.memory_space<vmem>>, vector<16xi32>,
      %shift_right_logical3A = arith.constant 17 : i32
      %shift_right_logical3A_94 = vector.broadcast %shift_right_logical3A : i32 to vector<16xi32>
      %shift_right_logical3A_95 = arith.shrui %get3A_93, %shift_right_logical3A_94 : vector<16xi32>
      %and3A = arith.constant 131071 : i32
      %and3A_96 = vector.broadcast %and3A : i32 to vector<16xi32>
      %and3A_97 = arith.andi %get3A_93, %and3A_96 : vector<16xi32>
      %convert_element_type3A = arith.sitofp %and3A_97 : vector<16xi32> to vector<16xf32>
      %mul3A_98 = arith.constant 1.52587891E-5 : f32
      %mul3A_99 = vector.broadcast %mul3A_98 : f32 to vector<16xf32>
      %mul3A_100 = arith.mulf %convert_element_type3A, %mul3A_99 : vector<16xf32>
      %add3A_101 = arith.constant 4.096000e+03 : f32
      %add3A_102 = vector.broadcast %add3A_101 : f32 to vector<16xf32>
      %add3A_103 = arith.addf %mul3A_100, %add3A_102 : vector<16xf32>
      tpu.vector_store_idx %arg6[%shift_right_logical3A_95], %add3A_103 {add = true} : memref<9216xf32, #tpu.memory_space<vmem>>[vector<16xi32>], vector<16xf32>,
      %mul3A_104 = arith.constant 4 : i32
      %mul3A_105 = arith.muli %add3A_86, %mul3A_104 : i32
      %add3A_106 = arith.constant 1 : i32
      %add3A_107 = arith.addi %mul3A_105, %add3A_106 : i32
      %mul3A_108 = arith.constant 16 : i32
      %mul3A_109 = arith.muli %add3A_107, %mul3A_108 : i32
      %get3A_110 = arith.index_cast %mul3A_109 : i32 to index
      %get3A_111 = tpu.vector_load %arg5[%get3A_110] {strides = array<i32>} : memref<8192xi32, #tpu.memory_space<vmem>>, vector<16xi32>,
      %shift_right_logical3A_112 = arith.constant 17 : i32
      %shift_right_logical3A_113 = vector.broadcast %shift_right_logical3A_112 : i32 to vector<16xi32>
      %shift_right_logical3A_114 = arith.shrui %get3A_111, %shift_right_logical3A_113 : vector<16xi32>
      %and3A_115 = arith.constant 131071 : i32
      %and3A_116 = vector.broadcast %and3A_115 : i32 to vector<16xi32>
      %and3A_117 = arith.andi %get3A_111, %and3A_116 : vector<16xi32>
      %convert_element_type3A_118 = arith.sitofp %and3A_117 : vector<16xi32> to vector<16xf32>
      %mul3A_119 = arith.constant 1.52587891E-5 : f32
      %mul3A_120 = vector.broadcast %mul3A_119 : f32 to vector<16xf32>
      %mul3A_121 = arith.mulf %convert_element_type3A_118, %mul3A_120 : vector<16xf32>
      %add3A_122 = arith.constant 4.096000e+03 : f32
      %add3A_123 = vector.broadcast %add3A_122 : f32 to vector<16xf32>
      %add3A_124 = arith.addf %mul3A_121, %add3A_123 : vector<16xf32>
      tpu.vector_store_idx %arg6[%shift_right_logical3A_114], %add3A_124 {add = true} : memref<9216xf32, #tpu.memory_space<vmem>>[vector<16xi32>], vector<16xf32>,
      %mul3A_125 = arith.constant 4 : i32
      %mul3A_126 = arith.muli %add3A_86, %mul3A_125 : i32
      %add3A_127 = arith.constant 2 : i32
      %add3A_128 = arith.addi %mul3A_126, %add3A_127 : i32
      %mul3A_129 = arith.constant 16 : i32
      %mul3A_130 = arith.muli %add3A_128, %mul3A_129 : i32
      %get3A_131 = arith.index_cast %mul3A_130 : i32 to index
      %get3A_132 = tpu.vector_load %arg5[%get3A_131] {strides = array<i32>} : memref<8192xi32, #tpu.memory_space<vmem>>, vector<16xi32>,
      %shift_right_logical3A_133 = arith.constant 17 : i32
      %shift_right_logical3A_134 = vector.broadcast %shift_right_logical3A_133 : i32 to vector<16xi32>
      %shift_right_logical3A_135 = arith.shrui %get3A_132, %shift_right_logical3A_134 : vector<16xi32>
      %and3A_136 = arith.constant 131071 : i32
      %and3A_137 = vector.broadcast %and3A_136 : i32 to vector<16xi32>
      %and3A_138 = arith.andi %get3A_132, %and3A_137 : vector<16xi32>
      %convert_element_type3A_139 = arith.sitofp %and3A_138 : vector<16xi32> to vector<16xf32>
      %mul3A_140 = arith.constant 1.52587891E-5 : f32
      %mul3A_141 = vector.broadcast %mul3A_140 : f32 to vector<16xf32>
      %mul3A_142 = arith.mulf %convert_element_type3A_139, %mul3A_141 : vector<16xf32>
      %add3A_143 = arith.constant 4.096000e+03 : f32
      %add3A_144 = vector.broadcast %add3A_143 : f32 to vector<16xf32>
      %add3A_145 = arith.addf %mul3A_142, %add3A_144 : vector<16xf32>
      tpu.vector_store_idx %arg6[%shift_right_logical3A_135], %add3A_145 {add = true} : memref<9216xf32, #tpu.memory_space<vmem>>[vector<16xi32>], vector<16xf32>,
      %mul3A_146 = arith.constant 4 : i32
      %mul3A_147 = arith.muli %add3A_86, %mul3A_146 : i32
      %add3A_148 = arith.constant 3 : i32
      %add3A_149 = arith.addi %mul3A_147, %add3A_148 : i32
      %mul3A_150 = arith.constant 16 : i32
      %mul3A_151 = arith.muli %add3A_149, %mul3A_150 : i32
      %get3A_152 = arith.index_cast %mul3A_151 : i32 to index
      %get3A_153 = tpu.vector_load %arg5[%get3A_152] {strides = array<i32>} : memref<8192xi32, #tpu.memory_space<vmem>>, vector<16xi32>,
      %shift_right_logical3A_154 = arith.constant 17 : i32
      %shift_right_logical3A_155 = vector.broadcast %shift_right_logical3A_154 : i32 to vector<16xi32>
      %shift_right_logical3A_156 = arith.shrui %get3A_153, %shift_right_logical3A_155 : vector<16xi32>
      %and3A_157 = arith.constant 131071 : i32
      %and3A_158 = vector.broadcast %and3A_157 : i32 to vector<16xi32>
      %and3A_159 = arith.andi %get3A_153, %and3A_158 : vector<16xi32>
      %convert_element_type3A_160 = arith.sitofp %and3A_159 : vector<16xi32> to vector<16xf32>
      %mul3A_161 = arith.constant 1.52587891E-5 : f32
      %mul3A_162 = vector.broadcast %mul3A_161 : f32 to vector<16xf32>
      %mul3A_163 = arith.mulf %convert_element_type3A_160, %mul3A_162 : vector<16xf32>
      %add3A_164 = arith.constant 4.096000e+03 : f32
      %add3A_165 = vector.broadcast %add3A_164 : f32 to vector<16xf32>
      %add3A_166 = arith.addf %mul3A_163, %add3A_165 : vector<16xf32>
      tpu.vector_store_idx %arg6[%shift_right_logical3A_156], %add3A_166 {add = true} : memref<9216xf32, #tpu.memory_space<vmem>>[vector<16xi32>], vector<16xf32>,
    }
    %scan3A_79 = arith.constant 128 : i32
    %mul3A_80 = arith.constant 9216 : i32
    %mul3A_81 = arith.muli %add3A, %mul3A_80 : i32
    "tpu.region"() ({
      %run_scoped3A = tpu.sem_alloc : memref<!tpu.dma_semaphore, #tpu.memory_space<semaphore_mem>>
      %dma_start3A_82 = tpu.memref_slice %arg3[%mul3A_81] : memref<294912xf32, #tpu.memory_space<hbm>> -> memref<9216xf32, #tpu.memory_space<hbm>>
      %dma_start3A_83 = tpu.memref_slice %arg3[%mul3A_81] : memref<294912xf32, #tpu.memory_space<hbm>> -> memref<9216xf32, #tpu.memory_space<hbm>>
      tpu.enqueue_dma source(%arg6 : memref<9216xf32, #tpu.memory_space<vmem>>) target(%dma_start3A_83 : memref<9216xf32, #tpu.memory_space<hbm>>) target_semaphore(%run_scoped3A : memref<!tpu.dma_semaphore, #tpu.memory_space<semaphore_mem>>)
      %dma_wait3A_84 = tpu.memref_slice %arg3[%mul3A_81] : memref<294912xf32, #tpu.memory_space<hbm>> -> memref<9216xf32, #tpu.memory_space<hbm>>
      %dma_wait3A_85 = tpu.memref_slice %arg3[%mul3A_81] : memref<294912xf32, #tpu.memory_space<hbm>> -> memref<9216xf32, #tpu.memory_space<hbm>>
      tpu.wait_dma2 semaphore(%run_scoped3A : memref<!tpu.dma_semaphore, #tpu.memory_space<semaphore_mem>>) src(%arg6 : memref<9216xf32, #tpu.memory_space<vmem>>) dst(%dma_wait3A_85 : memref<9216xf32, #tpu.memory_space<hbm>>)
      tpu.yield
    }) : () -> ()
    return
  }
}

#map = affine_map<(d0, d1) -> (0)>
module attributes {stable_mosaic.version = 14 : i64} {
  func.func @_hist_body(%arg0: i32, %arg1: i32, %arg2: memref<1048576xi32, #tpu.memory_space<hbm>>, %arg3: memref<294912xf32, #tpu.memory_space<hbm>>, %arg4: memref<8192xi32, #tpu.memory_space<vmem>>, %arg5: memref<8192xi32, #tpu.memory_space<vmem>>, %arg6: memref<9216xf32, #tpu.memory_space<vmem>>, %arg7: memref<!tpu.dma_semaphore, #tpu.memory_space<semaphore_mem>>, %arg8: memref<!tpu.dma_semaphore, #tpu.memory_space<semaphore_mem>>) attributes {dimension_semantics = [#tpu.dimension_semantics<core_parallel>, #tpu.dimension_semantics<subcore_parallel>], iteration_bounds = array<i64: 2, 16>, scalar_prefetch = 0 : i64, scratch_operands = 5 : i64, tpu.core_type = #tpu.core_type<sc_vector_subcore>, window_params = [{transform_indices = #map}, {transform_indices = #map}]} {
    %mul3A = arith.constant 2 : i32
    %mul3A_0 = arith.muli %arg1, %mul3A : i32
    %add3A = arith.addi %mul3A_0, %arg0 : i32
    %mul3A_1 = arith.constant 32768 : i32
    %mul3A_2 = arith.muli %add3A, %mul3A_1 : i32
    %broadcast_in_dim3A = arith.constant 0.000000e+00 : f32
    %broadcast_in_dim3A_3 = vector.broadcast %broadcast_in_dim3A : f32 to vector<16xf32>
    %add3A_4 = arith.constant 0 : i32
    %add3A_5 = arith.addi %mul3A_2, %add3A_4 : i32
    %dma_start3A = tpu.memref_slice %arg2[%add3A_5] : memref<1048576xi32, #tpu.memory_space<hbm>> -> memref<8192xi32, #tpu.memory_space<hbm>>
    %dma_start3A_6 = tpu.memref_slice %arg2[%add3A_5] : memref<1048576xi32, #tpu.memory_space<hbm>> -> memref<8192xi32, #tpu.memory_space<hbm>>
    tpu.enqueue_dma source(%dma_start3A_6 : memref<8192xi32, #tpu.memory_space<hbm>>) target(%arg4 : memref<8192xi32, #tpu.memory_space<vmem>>) target_semaphore(%arg7 : memref<!tpu.dma_semaphore, #tpu.memory_space<semaphore_mem>>)
    %add3A_7 = arith.constant 8192 : i32
    %add3A_8 = arith.addi %mul3A_2, %add3A_7 : i32
    %dma_start3A_9 = tpu.memref_slice %arg2[%add3A_8] : memref<1048576xi32, #tpu.memory_space<hbm>> -> memref<8192xi32, #tpu.memory_space<hbm>>
    %dma_start3A_10 = tpu.memref_slice %arg2[%add3A_8] : memref<1048576xi32, #tpu.memory_space<hbm>> -> memref<8192xi32, #tpu.memory_space<hbm>>
    tpu.enqueue_dma source(%dma_start3A_10 : memref<8192xi32, #tpu.memory_space<hbm>>) target(%arg5 : memref<8192xi32, #tpu.memory_space<vmem>>) target_semaphore(%arg8 : memref<!tpu.dma_semaphore, #tpu.memory_space<semaphore_mem>>)
    %scan3A = arith.constant 0 : i32
    %scan3A_11 = arith.constant 576 : i32
    %scan3A_12 = arith.addi %scan3A, %scan3A_11 : i32
    %scan3A_13 = arith.constant 1 : i32
    scf.for %scan3A_82 = %scan3A to %scan3A_12 step %scan3A_13  : i32 {
      %mul3A_83 = arith.constant 1 : i32
      %mul3A_84 = arith.muli %scan3A_82, %mul3A_83 : i32
      %add3A_85 = arith.constant 0 : i32
      %add3A_86 = arith.addi %add3A_85, %mul3A_84 : i32
      %mul3A_87 = arith.constant 16 : i32
      %mul3A_88 = arith.muli %add3A_86, %mul3A_87 : i32
      %swap3A = arith.index_cast %mul3A_88 : i32 to index
      %swap3A_89 = tpu.vector_load %arg6[%swap3A] {strides = array<i32>} : memref<9216xf32, #tpu.memory_space<vmem>>, vector<16xf32>,
      tpu.vector_store %arg6[%swap3A], %broadcast_in_dim3A_3 {strides = array<i32>} : memref<9216xf32, #tpu.memory_space<vmem>>, vector<16xf32>,
    }
    %scan3A_14 = arith.constant 576 : i32
    %scan3A_15 = arith.constant 0 : i32
    %mul3A_16 = arith.constant 2 : i32
    %mul3A_17 = arith.muli %scan3A_15, %mul3A_16 : i32
    %add3A_18 = arith.constant 0 : i32
    %add3A_19 = arith.addi %add3A_18, %mul3A_17 : i32
    %add3A_20 = arith.constant 0 : i32
    %add3A_21 = arith.addi %add3A_19, %add3A_20 : i32
    %mul3A_22 = arith.constant 8192 : i32
    %mul3A_23 = arith.muli %add3A_21, %mul3A_22 : i32
    %add3A_24 = arith.addi %mul3A_2, %mul3A_23 : i32
    %dma_wait3A = tpu.memref_slice %arg2[%add3A_24] : memref<1048576xi32, #tpu.memory_space<hbm>> -> memref<8192xi32, #tpu.memory_space<hbm>>
    %dma_wait3A_25 = tpu.memref_slice %arg2[%add3A_24] : memref<1048576xi32, #tpu.memory_space<hbm>> -> memref<8192xi32, #tpu.memory_space<hbm>>
    tpu.wait_dma2 semaphore(%arg7 : memref<!tpu.dma_semaphore, #tpu.memory_space<semaphore_mem>>) src(%dma_wait3A_25 : memref<8192xi32, #tpu.memory_space<hbm>>) dst(%arg4 : memref<8192xi32, #tpu.memory_space<vmem>>)
    %scan3A_26 = arith.constant 0 : i32
    %scan3A_27 = arith.constant 128 : i32
    %scan3A_28 = arith.addi %scan3A_26, %scan3A_27 : i32
    %scan3A_29 = arith.constant 1 : i32
    scf.for %scan3A_82 = %scan3A_26 to %scan3A_28 step %scan3A_29  : i32 {
      %mul3A_83 = arith.constant 1 : i32
      %mul3A_84 = arith.muli %scan3A_82, %mul3A_83 : i32
      %add3A_85 = arith.constant 0 : i32
      %add3A_86 = arith.addi %add3A_85, %mul3A_84 : i32
      %mul3A_87 = arith.constant 4 : i32
      %mul3A_88 = arith.muli %add3A_86, %mul3A_87 : i32
      %add3A_89 = arith.constant 0 : i32
      %add3A_90 = arith.addi %mul3A_88, %add3A_89 : i32
      %mul3A_91 = arith.constant 16 : i32
      %mul3A_92 = arith.muli %add3A_90, %mul3A_91 : i32
      %get3A = arith.index_cast %mul3A_92 : i32 to index
      %get3A_93 = tpu.vector_load %arg4[%get3A] {strides = array<i32>} : memref<8192xi32, #tpu.memory_space<vmem>>, vector<16xi32>,
      %shift_right_logical3A = arith.constant 17 : i32
      %shift_right_logical3A_94 = vector.broadcast %shift_right_logical3A : i32 to vector<16xi32>
      %shift_right_logical3A_95 = arith.shrui %get3A_93, %shift_right_logical3A_94 : vector<16xi32>
      %and3A = arith.constant 131071 : i32
      %and3A_96 = vector.broadcast %and3A : i32 to vector<16xi32>
      %and3A_97 = arith.andi %get3A_93, %and3A_96 : vector<16xi32>
      %convert_element_type3A = arith.sitofp %and3A_97 : vector<16xi32> to vector<16xf32>
      %mul3A_98 = arith.constant 1.52587891E-5 : f32
      %mul3A_99 = vector.broadcast %mul3A_98 : f32 to vector<16xf32>
      %mul3A_100 = arith.mulf %convert_element_type3A, %mul3A_99 : vector<16xf32>
      %add3A_101 = arith.constant 4.096000e+03 : f32
      %add3A_102 = vector.broadcast %add3A_101 : f32 to vector<16xf32>
      %add3A_103 = arith.addf %mul3A_100, %add3A_102 : vector<16xf32>
      tpu.vector_store_idx %arg6[%shift_right_logical3A_95], %add3A_103 {add = true} : memref<9216xf32, #tpu.memory_space<vmem>>[vector<16xi32>], vector<16xf32>,
      %mul3A_104 = arith.constant 4 : i32
      %mul3A_105 = arith.muli %add3A_86, %mul3A_104 : i32
      %add3A_106 = arith.constant 1 : i32
      %add3A_107 = arith.addi %mul3A_105, %add3A_106 : i32
      %mul3A_108 = arith.constant 16 : i32
      %mul3A_109 = arith.muli %add3A_107, %mul3A_108 : i32
      %get3A_110 = arith.index_cast %mul3A_109 : i32 to index
      %get3A_111 = tpu.vector_load %arg4[%get3A_110] {strides = array<i32>} : memref<8192xi32, #tpu.memory_space<vmem>>, vector<16xi32>,
      %shift_right_logical3A_112 = arith.constant 17 : i32
      %shift_right_logical3A_113 = vector.broadcast %shift_right_logical3A_112 : i32 to vector<16xi32>
      %shift_right_logical3A_114 = arith.shrui %get3A_111, %shift_right_logical3A_113 : vector<16xi32>
      %and3A_115 = arith.constant 131071 : i32
      %and3A_116 = vector.broadcast %and3A_115 : i32 to vector<16xi32>
      %and3A_117 = arith.andi %get3A_111, %and3A_116 : vector<16xi32>
      %convert_element_type3A_118 = arith.sitofp %and3A_117 : vector<16xi32> to vector<16xf32>
      %mul3A_119 = arith.constant 1.52587891E-5 : f32
      %mul3A_120 = vector.broadcast %mul3A_119 : f32 to vector<16xf32>
      %mul3A_121 = arith.mulf %convert_element_type3A_118, %mul3A_120 : vector<16xf32>
      %add3A_122 = arith.constant 4.096000e+03 : f32
      %add3A_123 = vector.broadcast %add3A_122 : f32 to vector<16xf32>
      %add3A_124 = arith.addf %mul3A_121, %add3A_123 : vector<16xf32>
      tpu.vector_store_idx %arg6[%shift_right_logical3A_114], %add3A_124 {add = true} : memref<9216xf32, #tpu.memory_space<vmem>>[vector<16xi32>], vector<16xf32>,
      %mul3A_125 = arith.constant 4 : i32
      %mul3A_126 = arith.muli %add3A_86, %mul3A_125 : i32
      %add3A_127 = arith.constant 2 : i32
      %add3A_128 = arith.addi %mul3A_126, %add3A_127 : i32
      %mul3A_129 = arith.constant 16 : i32
      %mul3A_130 = arith.muli %add3A_128, %mul3A_129 : i32
      %get3A_131 = arith.index_cast %mul3A_130 : i32 to index
      %get3A_132 = tpu.vector_load %arg4[%get3A_131] {strides = array<i32>} : memref<8192xi32, #tpu.memory_space<vmem>>, vector<16xi32>,
      %shift_right_logical3A_133 = arith.constant 17 : i32
      %shift_right_logical3A_134 = vector.broadcast %shift_right_logical3A_133 : i32 to vector<16xi32>
      %shift_right_logical3A_135 = arith.shrui %get3A_132, %shift_right_logical3A_134 : vector<16xi32>
      %and3A_136 = arith.constant 131071 : i32
      %and3A_137 = vector.broadcast %and3A_136 : i32 to vector<16xi32>
      %and3A_138 = arith.andi %get3A_132, %and3A_137 : vector<16xi32>
      %convert_element_type3A_139 = arith.sitofp %and3A_138 : vector<16xi32> to vector<16xf32>
      %mul3A_140 = arith.constant 1.52587891E-5 : f32
      %mul3A_141 = vector.broadcast %mul3A_140 : f32 to vector<16xf32>
      %mul3A_142 = arith.mulf %convert_element_type3A_139, %mul3A_141 : vector<16xf32>
      %add3A_143 = arith.constant 4.096000e+03 : f32
      %add3A_144 = vector.broadcast %add3A_143 : f32 to vector<16xf32>
      %add3A_145 = arith.addf %mul3A_142, %add3A_144 : vector<16xf32>
      tpu.vector_store_idx %arg6[%shift_right_logical3A_135], %add3A_145 {add = true} : memref<9216xf32, #tpu.memory_space<vmem>>[vector<16xi32>], vector<16xf32>,
      %mul3A_146 = arith.constant 4 : i32
      %mul3A_147 = arith.muli %add3A_86, %mul3A_146 : i32
      %add3A_148 = arith.constant 3 : i32
      %add3A_149 = arith.addi %mul3A_147, %add3A_148 : i32
      %mul3A_150 = arith.constant 16 : i32
      %mul3A_151 = arith.muli %add3A_149, %mul3A_150 : i32
      %get3A_152 = arith.index_cast %mul3A_151 : i32 to index
      %get3A_153 = tpu.vector_load %arg4[%get3A_152] {strides = array<i32>} : memref<8192xi32, #tpu.memory_space<vmem>>, vector<16xi32>,
      %shift_right_logical3A_154 = arith.constant 17 : i32
      %shift_right_logical3A_155 = vector.broadcast %shift_right_logical3A_154 : i32 to vector<16xi32>
      %shift_right_logical3A_156 = arith.shrui %get3A_153, %shift_right_logical3A_155 : vector<16xi32>
      %and3A_157 = arith.constant 131071 : i32
      %and3A_158 = vector.broadcast %and3A_157 : i32 to vector<16xi32>
      %and3A_159 = arith.andi %get3A_153, %and3A_158 : vector<16xi32>
      %convert_element_type3A_160 = arith.sitofp %and3A_159 : vector<16xi32> to vector<16xf32>
      %mul3A_161 = arith.constant 1.52587891E-5 : f32
      %mul3A_162 = vector.broadcast %mul3A_161 : f32 to vector<16xf32>
      %mul3A_163 = arith.mulf %convert_element_type3A_160, %mul3A_162 : vector<16xf32>
      %add3A_164 = arith.constant 4.096000e+03 : f32
      %add3A_165 = vector.broadcast %add3A_164 : f32 to vector<16xf32>
      %add3A_166 = arith.addf %mul3A_163, %add3A_165 : vector<16xf32>
      tpu.vector_store_idx %arg6[%shift_right_logical3A_156], %add3A_166 {add = true} : memref<9216xf32, #tpu.memory_space<vmem>>[vector<16xi32>], vector<16xf32>,
    }
    %scan3A_30 = arith.constant 128 : i32
    %add3A_31 = arith.constant 0 : i32
    %add3A_32 = arith.addi %add3A_19, %add3A_31 : i32
    %add3A_33 = arith.constant 2 : i32
    %add3A_34 = arith.addi %add3A_32, %add3A_33 : i32
    %mul3A_35 = arith.constant 8192 : i32
    %mul3A_36 = arith.muli %add3A_34, %mul3A_35 : i32
    %add3A_37 = arith.addi %mul3A_2, %mul3A_36 : i32
    %dma_start3A_38 = tpu.memref_slice %arg2[%add3A_37] : memref<1048576xi32, #tpu.memory_space<hbm>> -> memref<8192xi32, #tpu.memory_space<hbm>>
    %dma_start3A_39 = tpu.memref_slice %arg2[%add3A_37] : memref<1048576xi32, #tpu.memory_space<hbm>> -> memref<8192xi32, #tpu.memory_space<hbm>>
    tpu.enqueue_dma source(%dma_start3A_39 : memref<8192xi32, #tpu.memory_space<hbm>>) target(%arg4 : memref<8192xi32, #tpu.memory_space<vmem>>) target_semaphore(%arg7 : memref<!tpu.dma_semaphore, #tpu.memory_space<semaphore_mem>>)
    %add3A_40 = arith.constant 1 : i32
    %add3A_41 = arith.addi %add3A_19, %add3A_40 : i32
    %mul3A_42 = arith.constant 8192 : i32
    %mul3A_43 = arith.muli %add3A_41, %mul3A_42 : i32
    %add3A_44 = arith.addi %mul3A_2, %mul3A_43 : i32
    %dma_wait3A_45 = tpu.memref_slice %arg2[%add3A_44] : memref<1048576xi32, #tpu.memory_space<hbm>> -> memref<8192xi32, #tpu.memory_space<hbm>>
    %dma_wait3A_46 = tpu.memref_slice %arg2[%add3A_44] : memref<1048576xi32, #tpu.memory_space<hbm>> -> memref<8192xi32, #tpu.memory_space<hbm>>
    tpu.wait_dma2 semaphore(%arg8 : memref<!tpu.dma_semaphore, #tpu.memory_space<semaphore_mem>>) src(%dma_wait3A_46 : memref<8192xi32, #tpu.memory_space<hbm>>) dst(%arg5 : memref<8192xi32, #tpu.memory_space<vmem>>)
    %scan3A_47 = arith.constant 0 : i32
    %scan3A_48 = arith.constant 128 : i32
    %scan3A_49 = arith.addi %scan3A_47, %scan3A_48 : i32
    %scan3A_50 = arith.constant 1 : i32
    scf.for %scan3A_82 = %scan3A_47 to %scan3A_49 step %scan3A_50  : i32 {
      %mul3A_83 = arith.constant 1 : i32
      %mul3A_84 = arith.muli %scan3A_82, %mul3A_83 : i32
      %add3A_85 = arith.constant 0 : i32
      %add3A_86 = arith.addi %add3A_85, %mul3A_84 : i32
      %mul3A_87 = arith.constant 4 : i32
      %mul3A_88 = arith.muli %add3A_86, %mul3A_87 : i32
      %add3A_89 = arith.constant 0 : i32
      %add3A_90 = arith.addi %mul3A_88, %add3A_89 : i32
      %mul3A_91 = arith.constant 16 : i32
      %mul3A_92 = arith.muli %add3A_90, %mul3A_91 : i32
      %get3A = arith.index_cast %mul3A_92 : i32 to index
      %get3A_93 = tpu.vector_load %arg5[%get3A] {strides = array<i32>} : memref<8192xi32, #tpu.memory_space<vmem>>, vector<16xi32>,
      %shift_right_logical3A = arith.constant 17 : i32
      %shift_right_logical3A_94 = vector.broadcast %shift_right_logical3A : i32 to vector<16xi32>
      %shift_right_logical3A_95 = arith.shrui %get3A_93, %shift_right_logical3A_94 : vector<16xi32>
      %and3A = arith.constant 131071 : i32
      %and3A_96 = vector.broadcast %and3A : i32 to vector<16xi32>
      %and3A_97 = arith.andi %get3A_93, %and3A_96 : vector<16xi32>
      %convert_element_type3A = arith.sitofp %and3A_97 : vector<16xi32> to vector<16xf32>
      %mul3A_98 = arith.constant 1.52587891E-5 : f32
      %mul3A_99 = vector.broadcast %mul3A_98 : f32 to vector<16xf32>
      %mul3A_100 = arith.mulf %convert_element_type3A, %mul3A_99 : vector<16xf32>
      %add3A_101 = arith.constant 4.096000e+03 : f32
      %add3A_102 = vector.broadcast %add3A_101 : f32 to vector<16xf32>
      %add3A_103 = arith.addf %mul3A_100, %add3A_102 : vector<16xf32>
      tpu.vector_store_idx %arg6[%shift_right_logical3A_95], %add3A_103 {add = true} : memref<9216xf32, #tpu.memory_space<vmem>>[vector<16xi32>], vector<16xf32>,
      %mul3A_104 = arith.constant 4 : i32
      %mul3A_105 = arith.muli %add3A_86, %mul3A_104 : i32
      %add3A_106 = arith.constant 1 : i32
      %add3A_107 = arith.addi %mul3A_105, %add3A_106 : i32
      %mul3A_108 = arith.constant 16 : i32
      %mul3A_109 = arith.muli %add3A_107, %mul3A_108 : i32
      %get3A_110 = arith.index_cast %mul3A_109 : i32 to index
      %get3A_111 = tpu.vector_load %arg5[%get3A_110] {strides = array<i32>} : memref<8192xi32, #tpu.memory_space<vmem>>, vector<16xi32>,
      %shift_right_logical3A_112 = arith.constant 17 : i32
      %shift_right_logical3A_113 = vector.broadcast %shift_right_logical3A_112 : i32 to vector<16xi32>
      %shift_right_logical3A_114 = arith.shrui %get3A_111, %shift_right_logical3A_113 : vector<16xi32>
      %and3A_115 = arith.constant 131071 : i32
      %and3A_116 = vector.broadcast %and3A_115 : i32 to vector<16xi32>
      %and3A_117 = arith.andi %get3A_111, %and3A_116 : vector<16xi32>
      %convert_element_type3A_118 = arith.sitofp %and3A_117 : vector<16xi32> to vector<16xf32>
      %mul3A_119 = arith.constant 1.52587891E-5 : f32
      %mul3A_120 = vector.broadcast %mul3A_119 : f32 to vector<16xf32>
      %mul3A_121 = arith.mulf %convert_element_type3A_118, %mul3A_120 : vector<16xf32>
      %add3A_122 = arith.constant 4.096000e+03 : f32
      %add3A_123 = vector.broadcast %add3A_122 : f32 to vector<16xf32>
      %add3A_124 = arith.addf %mul3A_121, %add3A_123 : vector<16xf32>
      tpu.vector_store_idx %arg6[%shift_right_logical3A_114], %add3A_124 {add = true} : memref<9216xf32, #tpu.memory_space<vmem>>[vector<16xi32>], vector<16xf32>,
      %mul3A_125 = arith.constant 4 : i32
      %mul3A_126 = arith.muli %add3A_86, %mul3A_125 : i32
      %add3A_127 = arith.constant 2 : i32
      %add3A_128 = arith.addi %mul3A_126, %add3A_127 : i32
      %mul3A_129 = arith.constant 16 : i32
      %mul3A_130 = arith.muli %add3A_128, %mul3A_129 : i32
      %get3A_131 = arith.index_cast %mul3A_130 : i32 to index
      %get3A_132 = tpu.vector_load %arg5[%get3A_131] {strides = array<i32>} : memref<8192xi32, #tpu.memory_space<vmem>>, vector<16xi32>,
      %shift_right_logical3A_133 = arith.constant 17 : i32
      %shift_right_logical3A_134 = vector.broadcast %shift_right_logical3A_133 : i32 to vector<16xi32>
      %shift_right_logical3A_135 = arith.shrui %get3A_132, %shift_right_logical3A_134 : vector<16xi32>
      %and3A_136 = arith.constant 131071 : i32
      %and3A_137 = vector.broadcast %and3A_136 : i32 to vector<16xi32>
      %and3A_138 = arith.andi %get3A_132, %and3A_137 : vector<16xi32>
      %convert_element_type3A_139 = arith.sitofp %and3A_138 : vector<16xi32> to vector<16xf32>
      %mul3A_140 = arith.constant 1.52587891E-5 : f32
      %mul3A_141 = vector.broadcast %mul3A_140 : f32 to vector<16xf32>
      %mul3A_142 = arith.mulf %convert_element_type3A_139, %mul3A_141 : vector<16xf32>
      %add3A_143 = arith.constant 4.096000e+03 : f32
      %add3A_144 = vector.broadcast %add3A_143 : f32 to vector<16xf32>
      %add3A_145 = arith.addf %mul3A_142, %add3A_144 : vector<16xf32>
      tpu.vector_store_idx %arg6[%shift_right_logical3A_135], %add3A_145 {add = true} : memref<9216xf32, #tpu.memory_space<vmem>>[vector<16xi32>], vector<16xf32>,
      %mul3A_146 = arith.constant 4 : i32
      %mul3A_147 = arith.muli %add3A_86, %mul3A_146 : i32
      %add3A_148 = arith.constant 3 : i32
      %add3A_149 = arith.addi %mul3A_147, %add3A_148 : i32
      %mul3A_150 = arith.constant 16 : i32
      %mul3A_151 = arith.muli %add3A_149, %mul3A_150 : i32
      %get3A_152 = arith.index_cast %mul3A_151 : i32 to index
      %get3A_153 = tpu.vector_load %arg5[%get3A_152] {strides = array<i32>} : memref<8192xi32, #tpu.memory_space<vmem>>, vector<16xi32>,
      %shift_right_logical3A_154 = arith.constant 17 : i32
      %shift_right_logical3A_155 = vector.broadcast %shift_right_logical3A_154 : i32 to vector<16xi32>
      %shift_right_logical3A_156 = arith.shrui %get3A_153, %shift_right_logical3A_155 : vector<16xi32>
      %and3A_157 = arith.constant 131071 : i32
      %and3A_158 = vector.broadcast %and3A_157 : i32 to vector<16xi32>
      %and3A_159 = arith.andi %get3A_153, %and3A_158 : vector<16xi32>
      %convert_element_type3A_160 = arith.sitofp %and3A_159 : vector<16xi32> to vector<16xf32>
      %mul3A_161 = arith.constant 1.52587891E-5 : f32
      %mul3A_162 = vector.broadcast %mul3A_161 : f32 to vector<16xf32>
      %mul3A_163 = arith.mulf %convert_element_type3A_160, %mul3A_162 : vector<16xf32>
      %add3A_164 = arith.constant 4.096000e+03 : f32
      %add3A_165 = vector.broadcast %add3A_164 : f32 to vector<16xf32>
      %add3A_166 = arith.addf %mul3A_163, %add3A_165 : vector<16xf32>
      tpu.vector_store_idx %arg6[%shift_right_logical3A_156], %add3A_166 {add = true} : memref<9216xf32, #tpu.memory_space<vmem>>[vector<16xi32>], vector<16xf32>,
    }
    %scan3A_51 = arith.constant 128 : i32
    %add3A_52 = arith.constant 1 : i32
    %add3A_53 = arith.addi %add3A_19, %add3A_52 : i32
    %add3A_54 = arith.constant 2 : i32
    %add3A_55 = arith.addi %add3A_53, %add3A_54 : i32
    %mul3A_56 = arith.constant 8192 : i32
    %mul3A_57 = arith.muli %add3A_55, %mul3A_56 : i32
    %add3A_58 = arith.addi %mul3A_2, %mul3A_57 : i32
    %dma_start3A_59 = tpu.memref_slice %arg2[%add3A_58] : memref<1048576xi32, #tpu.memory_space<hbm>> -> memref<8192xi32, #tpu.memory_space<hbm>>
    %dma_start3A_60 = tpu.memref_slice %arg2[%add3A_58] : memref<1048576xi32, #tpu.memory_space<hbm>> -> memref<8192xi32, #tpu.memory_space<hbm>>
    tpu.enqueue_dma source(%dma_start3A_60 : memref<8192xi32, #tpu.memory_space<hbm>>) target(%arg5 : memref<8192xi32, #tpu.memory_space<vmem>>) target_semaphore(%arg8 : memref<!tpu.dma_semaphore, #tpu.memory_space<semaphore_mem>>)
    %scan3A_61 = arith.constant 1 : i32
    %add3A_62 = arith.constant 16384 : i32
    %add3A_63 = arith.addi %mul3A_2, %add3A_62 : i32
    %dma_wait3A_64 = tpu.memref_slice %arg2[%add3A_63] : memref<1048576xi32, #tpu.memory_space<hbm>> -> memref<8192xi32, #tpu.memory_space<hbm>>
    %dma_wait3A_65 = tpu.memref_slice %arg2[%add3A_63] : memref<1048576xi32, #tpu.memory_space<hbm>> -> memref<8192xi32, #tpu.memory_space<hbm>>
    tpu.wait_dma2 semaphore(%arg7 : memref<!tpu.dma_semaphore, #tpu.memory_space<semaphore_mem>>) src(%dma_wait3A_65 : memref<8192xi32, #tpu.memory_space<hbm>>) dst(%arg4 : memref<8192xi32, #tpu.memory_space<vmem>>)
    %scan3A_66 = arith.constant 0 : i32
    %scan3A_67 = arith.constant 128 : i32
    %scan3A_68 = arith.addi %scan3A_66, %scan3A_67 : i32
    %scan3A_69 = arith.constant 1 : i32
    scf.for %scan3A_82 = %scan3A_66 to %scan3A_68 step %scan3A_69  : i32 {
      %mul3A_83 = arith.constant 1 : i32
      %mul3A_84 = arith.muli %scan3A_82, %mul3A_83 : i32
      %add3A_85 = arith.constant 0 : i32
      %add3A_86 = arith.addi %add3A_85, %mul3A_84 : i32
      %mul3A_87 = arith.constant 4 : i32
      %mul3A_88 = arith.muli %add3A_86, %mul3A_87 : i32
      %add3A_89 = arith.constant 0 : i32
      %add3A_90 = arith.addi %mul3A_88, %add3A_89 : i32
      %mul3A_91 = arith.constant 16 : i32
      %mul3A_92 = arith.muli %add3A_90, %mul3A_91 : i32
      %get3A = arith.index_cast %mul3A_92 : i32 to index
      %get3A_93 = tpu.vector_load %arg4[%get3A] {strides = array<i32>} : memref<8192xi32, #tpu.memory_space<vmem>>, vector<16xi32>,
      %shift_right_logical3A = arith.constant 17 : i32
      %shift_right_logical3A_94 = vector.broadcast %shift_right_logical3A : i32 to vector<16xi32>
      %shift_right_logical3A_95 = arith.shrui %get3A_93, %shift_right_logical3A_94 : vector<16xi32>
      %and3A = arith.constant 131071 : i32
      %and3A_96 = vector.broadcast %and3A : i32 to vector<16xi32>
      %and3A_97 = arith.andi %get3A_93, %and3A_96 : vector<16xi32>
      %convert_element_type3A = arith.sitofp %and3A_97 : vector<16xi32> to vector<16xf32>
      %mul3A_98 = arith.constant 1.52587891E-5 : f32
      %mul3A_99 = vector.broadcast %mul3A_98 : f32 to vector<16xf32>
      %mul3A_100 = arith.mulf %convert_element_type3A, %mul3A_99 : vector<16xf32>
      %add3A_101 = arith.constant 4.096000e+03 : f32
      %add3A_102 = vector.broadcast %add3A_101 : f32 to vector<16xf32>
      %add3A_103 = arith.addf %mul3A_100, %add3A_102 : vector<16xf32>
      tpu.vector_store_idx %arg6[%shift_right_logical3A_95], %add3A_103 {add = true} : memref<9216xf32, #tpu.memory_space<vmem>>[vector<16xi32>], vector<16xf32>,
      %mul3A_104 = arith.constant 4 : i32
      %mul3A_105 = arith.muli %add3A_86, %mul3A_104 : i32
      %add3A_106 = arith.constant 1 : i32
      %add3A_107 = arith.addi %mul3A_105, %add3A_106 : i32
      %mul3A_108 = arith.constant 16 : i32
      %mul3A_109 = arith.muli %add3A_107, %mul3A_108 : i32
      %get3A_110 = arith.index_cast %mul3A_109 : i32 to index
      %get3A_111 = tpu.vector_load %arg4[%get3A_110] {strides = array<i32>} : memref<8192xi32, #tpu.memory_space<vmem>>, vector<16xi32>,
      %shift_right_logical3A_112 = arith.constant 17 : i32
      %shift_right_logical3A_113 = vector.broadcast %shift_right_logical3A_112 : i32 to vector<16xi32>
      %shift_right_logical3A_114 = arith.shrui %get3A_111, %shift_right_logical3A_113 : vector<16xi32>
      %and3A_115 = arith.constant 131071 : i32
      %and3A_116 = vector.broadcast %and3A_115 : i32 to vector<16xi32>
      %and3A_117 = arith.andi %get3A_111, %and3A_116 : vector<16xi32>
      %convert_element_type3A_118 = arith.sitofp %and3A_117 : vector<16xi32> to vector<16xf32>
      %mul3A_119 = arith.constant 1.52587891E-5 : f32
      %mul3A_120 = vector.broadcast %mul3A_119 : f32 to vector<16xf32>
      %mul3A_121 = arith.mulf %convert_element_type3A_118, %mul3A_120 : vector<16xf32>
      %add3A_122 = arith.constant 4.096000e+03 : f32
      %add3A_123 = vector.broadcast %add3A_122 : f32 to vector<16xf32>
      %add3A_124 = arith.addf %mul3A_121, %add3A_123 : vector<16xf32>
      tpu.vector_store_idx %arg6[%shift_right_logical3A_114], %add3A_124 {add = true} : memref<9216xf32, #tpu.memory_space<vmem>>[vector<16xi32>], vector<16xf32>,
      %mul3A_125 = arith.constant 4 : i32
      %mul3A_126 = arith.muli %add3A_86, %mul3A_125 : i32
      %add3A_127 = arith.constant 2 : i32
      %add3A_128 = arith.addi %mul3A_126, %add3A_127 : i32
      %mul3A_129 = arith.constant 16 : i32
      %mul3A_130 = arith.muli %add3A_128, %mul3A_129 : i32
      %get3A_131 = arith.index_cast %mul3A_130 : i32 to index
      %get3A_132 = tpu.vector_load %arg4[%get3A_131] {strides = array<i32>} : memref<8192xi32, #tpu.memory_space<vmem>>, vector<16xi32>,
      %shift_right_logical3A_133 = arith.constant 17 : i32
      %shift_right_logical3A_134 = vector.broadcast %shift_right_logical3A_133 : i32 to vector<16xi32>
      %shift_right_logical3A_135 = arith.shrui %get3A_132, %shift_right_logical3A_134 : vector<16xi32>
      %and3A_136 = arith.constant 131071 : i32
      %and3A_137 = vector.broadcast %and3A_136 : i32 to vector<16xi32>
      %and3A_138 = arith.andi %get3A_132, %and3A_137 : vector<16xi32>
      %convert_element_type3A_139 = arith.sitofp %and3A_138 : vector<16xi32> to vector<16xf32>
      %mul3A_140 = arith.constant 1.52587891E-5 : f32
      %mul3A_141 = vector.broadcast %mul3A_140 : f32 to vector<16xf32>
      %mul3A_142 = arith.mulf %convert_element_type3A_139, %mul3A_141 : vector<16xf32>
      %add3A_143 = arith.constant 4.096000e+03 : f32
      %add3A_144 = vector.broadcast %add3A_143 : f32 to vector<16xf32>
      %add3A_145 = arith.addf %mul3A_142, %add3A_144 : vector<16xf32>
      tpu.vector_store_idx %arg6[%shift_right_logical3A_135], %add3A_145 {add = true} : memref<9216xf32, #tpu.memory_space<vmem>>[vector<16xi32>], vector<16xf32>,
      %mul3A_146 = arith.constant 4 : i32
      %mul3A_147 = arith.muli %add3A_86, %mul3A_146 : i32
      %add3A_148 = arith.constant 3 : i32
      %add3A_149 = arith.addi %mul3A_147, %add3A_148 : i32
      %mul3A_150 = arith.constant 16 : i32
      %mul3A_151 = arith.muli %add3A_149, %mul3A_150 : i32
      %get3A_152 = arith.index_cast %mul3A_151 : i32 to index
      %get3A_153 = tpu.vector_load %arg4[%get3A_152] {strides = array<i32>} : memref<8192xi32, #tpu.memory_space<vmem>>, vector<16xi32>,
      %shift_right_logical3A_154 = arith.constant 17 : i32
      %shift_right_logical3A_155 = vector.broadcast %shift_right_logical3A_154 : i32 to vector<16xi32>
      %shift_right_logical3A_156 = arith.shrui %get3A_153, %shift_right_logical3A_155 : vector<16xi32>
      %and3A_157 = arith.constant 131071 : i32
      %and3A_158 = vector.broadcast %and3A_157 : i32 to vector<16xi32>
      %and3A_159 = arith.andi %get3A_153, %and3A_158 : vector<16xi32>
      %convert_element_type3A_160 = arith.sitofp %and3A_159 : vector<16xi32> to vector<16xf32>
      %mul3A_161 = arith.constant 1.52587891E-5 : f32
      %mul3A_162 = vector.broadcast %mul3A_161 : f32 to vector<16xf32>
      %mul3A_163 = arith.mulf %convert_element_type3A_160, %mul3A_162 : vector<16xf32>
      %add3A_164 = arith.constant 4.096000e+03 : f32
      %add3A_165 = vector.broadcast %add3A_164 : f32 to vector<16xf32>
      %add3A_166 = arith.addf %mul3A_163, %add3A_165 : vector<16xf32>
      tpu.vector_store_idx %arg6[%shift_right_logical3A_156], %add3A_166 {add = true} : memref<9216xf32, #tpu.memory_space<vmem>>[vector<16xi32>], vector<16xf32>,
    }
    %scan3A_70 = arith.constant 128 : i32
    %add3A_71 = arith.constant 24576 : i32
    %add3A_72 = arith.addi %mul3A_2, %add3A_71 : i32
    %dma_wait3A_73 = tpu.memref_slice %arg2[%add3A_72] : memref<1048576xi32, #tpu.memory_space<hbm>> -> memref<8192xi32, #tpu.memory_space<hbm>>
    %dma_wait3A_74 = tpu.memref_slice %arg2[%add3A_72] : memref<1048576xi32, #tpu.memory_space<hbm>> -> memref<8192xi32, #tpu.memory_space<hbm>>
    tpu.wait_dma2 semaphore(%arg8 : memref<!tpu.dma_semaphore, #tpu.memory_space<semaphore_mem>>) src(%dma_wait3A_74 : memref<8192xi32, #tpu.memory_space<hbm>>) dst(%arg5 : memref<8192xi32, #tpu.memory_space<vmem>>)
    %scan3A_75 = arith.constant 0 : i32
    %scan3A_76 = arith.constant 128 : i32
    %scan3A_77 = arith.addi %scan3A_75, %scan3A_76 : i32
    %scan3A_78 = arith.constant 1 : i32
    scf.for %scan3A_82 = %scan3A_75 to %scan3A_77 step %scan3A_78  : i32 {
      %mul3A_83 = arith.constant 1 : i32
      %mul3A_84 = arith.muli %scan3A_82, %mul3A_83 : i32
      %add3A_85 = arith.constant 0 : i32
      %add3A_86 = arith.addi %add3A_85, %mul3A_84 : i32
      %mul3A_87 = arith.constant 4 : i32
      %mul3A_88 = arith.muli %add3A_86, %mul3A_87 : i32
      %add3A_89 = arith.constant 0 : i32
      %add3A_90 = arith.addi %mul3A_88, %add3A_89 : i32
      %mul3A_91 = arith.constant 16 : i32
      %mul3A_92 = arith.muli %add3A_90, %mul3A_91 : i32
      %get3A = arith.index_cast %mul3A_92 : i32 to index
      %get3A_93 = tpu.vector_load %arg5[%get3A] {strides = array<i32>} : memref<8192xi32, #tpu.memory_space<vmem>>, vector<16xi32>,
      %shift_right_logical3A = arith.constant 17 : i32
      %shift_right_logical3A_94 = vector.broadcast %shift_right_logical3A : i32 to vector<16xi32>
      %shift_right_logical3A_95 = arith.shrui %get3A_93, %shift_right_logical3A_94 : vector<16xi32>
      %and3A = arith.constant 131071 : i32
      %and3A_96 = vector.broadcast %and3A : i32 to vector<16xi32>
      %and3A_97 = arith.andi %get3A_93, %and3A_96 : vector<16xi32>
      %convert_element_type3A = arith.sitofp %and3A_97 : vector<16xi32> to vector<16xf32>
      %mul3A_98 = arith.constant 1.52587891E-5 : f32
      %mul3A_99 = vector.broadcast %mul3A_98 : f32 to vector<16xf32>
      %mul3A_100 = arith.mulf %convert_element_type3A, %mul3A_99 : vector<16xf32>
      %add3A_101 = arith.constant 4.096000e+03 : f32
      %add3A_102 = vector.broadcast %add3A_101 : f32 to vector<16xf32>
      %add3A_103 = arith.addf %mul3A_100, %add3A_102 : vector<16xf32>
      tpu.vector_store_idx %arg6[%shift_right_logical3A_95], %add3A_103 {add = true} : memref<9216xf32, #tpu.memory_space<vmem>>[vector<16xi32>], vector<16xf32>,
      %mul3A_104 = arith.constant 4 : i32
      %mul3A_105 = arith.muli %add3A_86, %mul3A_104 : i32
      %add3A_106 = arith.constant 1 : i32
      %add3A_107 = arith.addi %mul3A_105, %add3A_106 : i32
      %mul3A_108 = arith.constant 16 : i32
      %mul3A_109 = arith.muli %add3A_107, %mul3A_108 : i32
      %get3A_110 = arith.index_cast %mul3A_109 : i32 to index
      %get3A_111 = tpu.vector_load %arg5[%get3A_110] {strides = array<i32>} : memref<8192xi32, #tpu.memory_space<vmem>>, vector<16xi32>,
      %shift_right_logical3A_112 = arith.constant 17 : i32
      %shift_right_logical3A_113 = vector.broadcast %shift_right_logical3A_112 : i32 to vector<16xi32>
      %shift_right_logical3A_114 = arith.shrui %get3A_111, %shift_right_logical3A_113 : vector<16xi32>
      %and3A_115 = arith.constant 131071 : i32
      %and3A_116 = vector.broadcast %and3A_115 : i32 to vector<16xi32>
      %and3A_117 = arith.andi %get3A_111, %and3A_116 : vector<16xi32>
      %convert_element_type3A_118 = arith.sitofp %and3A_117 : vector<16xi32> to vector<16xf32>
      %mul3A_119 = arith.constant 1.52587891E-5 : f32
      %mul3A_120 = vector.broadcast %mul3A_119 : f32 to vector<16xf32>
      %mul3A_121 = arith.mulf %convert_element_type3A_118, %mul3A_120 : vector<16xf32>
      %add3A_122 = arith.constant 4.096000e+03 : f32
      %add3A_123 = vector.broadcast %add3A_122 : f32 to vector<16xf32>
      %add3A_124 = arith.addf %mul3A_121, %add3A_123 : vector<16xf32>
      tpu.vector_store_idx %arg6[%shift_right_logical3A_114], %add3A_124 {add = true} : memref<9216xf32, #tpu.memory_space<vmem>>[vector<16xi32>], vector<16xf32>,
      %mul3A_125 = arith.constant 4 : i32
      %mul3A_126 = arith.muli %add3A_86, %mul3A_125 : i32
      %add3A_127 = arith.constant 2 : i32
      %add3A_128 = arith.addi %mul3A_126, %add3A_127 : i32
      %mul3A_129 = arith.constant 16 : i32
      %mul3A_130 = arith.muli %add3A_128, %mul3A_129 : i32
      %get3A_131 = arith.index_cast %mul3A_130 : i32 to index
      %get3A_132 = tpu.vector_load %arg5[%get3A_131] {strides = array<i32>} : memref<8192xi32, #tpu.memory_space<vmem>>, vector<16xi32>,
      %shift_right_logical3A_133 = arith.constant 17 : i32
      %shift_right_logical3A_134 = vector.broadcast %shift_right_logical3A_133 : i32 to vector<16xi32>
      %shift_right_logical3A_135 = arith.shrui %get3A_132, %shift_right_logical3A_134 : vector<16xi32>
      %and3A_136 = arith.constant 131071 : i32
      %and3A_137 = vector.broadcast %and3A_136 : i32 to vector<16xi32>
      %and3A_138 = arith.andi %get3A_132, %and3A_137 : vector<16xi32>
      %convert_element_type3A_139 = arith.sitofp %and3A_138 : vector<16xi32> to vector<16xf32>
      %mul3A_140 = arith.constant 1.52587891E-5 : f32
      %mul3A_141 = vector.broadcast %mul3A_140 : f32 to vector<16xf32>
      %mul3A_142 = arith.mulf %convert_element_type3A_139, %mul3A_141 : vector<16xf32>
      %add3A_143 = arith.constant 4.096000e+03 : f32
      %add3A_144 = vector.broadcast %add3A_143 : f32 to vector<16xf32>
      %add3A_145 = arith.addf %mul3A_142, %add3A_144 : vector<16xf32>
      tpu.vector_store_idx %arg6[%shift_right_logical3A_135], %add3A_145 {add = true} : memref<9216xf32, #tpu.memory_space<vmem>>[vector<16xi32>], vector<16xf32>,
      %mul3A_146 = arith.constant 4 : i32
      %mul3A_147 = arith.muli %add3A_86, %mul3A_146 : i32
      %add3A_148 = arith.constant 3 : i32
      %add3A_149 = arith.addi %mul3A_147, %add3A_148 : i32
      %mul3A_150 = arith.constant 16 : i32
      %mul3A_151 = arith.muli %add3A_149, %mul3A_150 : i32
      %get3A_152 = arith.index_cast %mul3A_151 : i32 to index
      %get3A_153 = tpu.vector_load %arg5[%get3A_152] {strides = array<i32>} : memref<8192xi32, #tpu.memory_space<vmem>>, vector<16xi32>,
      %shift_right_logical3A_154 = arith.constant 17 : i32
      %shift_right_logical3A_155 = vector.broadcast %shift_right_logical3A_154 : i32 to vector<16xi32>
      %shift_right_logical3A_156 = arith.shrui %get3A_153, %shift_right_logical3A_155 : vector<16xi32>
      %and3A_157 = arith.constant 131071 : i32
      %and3A_158 = vector.broadcast %and3A_157 : i32 to vector<16xi32>
      %and3A_159 = arith.andi %get3A_153, %and3A_158 : vector<16xi32>
      %convert_element_type3A_160 = arith.sitofp %and3A_159 : vector<16xi32> to vector<16xf32>
      %mul3A_161 = arith.constant 1.52587891E-5 : f32
      %mul3A_162 = vector.broadcast %mul3A_161 : f32 to vector<16xf32>
      %mul3A_163 = arith.mulf %convert_element_type3A_160, %mul3A_162 : vector<16xf32>
      %add3A_164 = arith.constant 4.096000e+03 : f32
      %add3A_165 = vector.broadcast %add3A_164 : f32 to vector<16xf32>
      %add3A_166 = arith.addf %mul3A_163, %add3A_165 : vector<16xf32>
      tpu.vector_store_idx %arg6[%shift_right_logical3A_156], %add3A_166 {add = true} : memref<9216xf32, #tpu.memory_space<vmem>>[vector<16xi32>], vector<16xf32>,
    }
    %scan3A_79 = arith.constant 128 : i32
    %mul3A_80 = arith.constant 9216 : i32
    %mul3A_81 = arith.muli %add3A, %mul3A_80 : i32
    "tpu.region"() ({
      %run_scoped3A = tpu.sem_alloc : memref<!tpu.dma_semaphore, #tpu.memory_space<semaphore_mem>>
      %dma_start3A_82 = tpu.memref_slice %arg3[%mul3A_81] : memref<294912xf32, #tpu.memory_space<hbm>> -> memref<9216xf32, #tpu.memory_space<hbm>>
      %dma_start3A_83 = tpu.memref_slice %arg3[%mul3A_81] : memref<294912xf32, #tpu.memory_space<hbm>> -> memref<9216xf32, #tpu.memory_space<hbm>>
      tpu.enqueue_dma source(%arg6 : memref<9216xf32, #tpu.memory_space<vmem>>) target(%dma_start3A_83 : memref<9216xf32, #tpu.memory_space<hbm>>) target_semaphore(%run_scoped3A : memref<!tpu.dma_semaphore, #tpu.memory_space<semaphore_mem>>)
      %dma_wait3A_84 = tpu.memref_slice %arg3[%mul3A_81] : memref<294912xf32, #tpu.memory_space<hbm>> -> memref<9216xf32, #tpu.memory_space<hbm>>
      %dma_wait3A_85 = tpu.memref_slice %arg3[%mul3A_81] : memref<294912xf32, #tpu.memory_space<hbm>> -> memref<9216xf32, #tpu.memory_space<hbm>>
      tpu.wait_dma2 semaphore(%run_scoped3A : memref<!tpu.dma_semaphore, #tpu.memory_space<semaphore_mem>>) src(%arg6 : memref<9216xf32, #tpu.memory_space<vmem>>) dst(%dma_wait3A_85 : memref<9216xf32, #tpu.memory_space<hbm>>)
      tpu.yield
    }) : () -> ()
    return
  }
}

module attributes {stable_mosaic.version = 14 : i64} {
  func.func @_select_body(%arg0: memref<2304x128xf32, #tpu.memory_space<vmem>>, %arg1: memref<2304x128xf32, #tpu.memory_space<vmem>>, %arg2: memref<1x1xf32, #tpu.memory_space<vmem>>) attributes {dimension_semantics = [], scalar_prefetch = 0 : i64, scratch_operands = 0 : i64, tpu.core_type = #tpu.core_type<tc>} {
    %broadcast_in_dim3A = arith.constant 0.000000e+00 : f32
    %broadcast_in_dim3A_0 = vector.broadcast %broadcast_in_dim3A : f32 to vector<72x128xf32>
    %broadcast_in_dim3A_1 = arith.constant 0.000000e+00 : f32
    %broadcast_in_dim3A_2 = vector.broadcast %broadcast_in_dim3A_1 : f32 to vector<72x128xf32>
    %get3A = arith.constant 0 : index
    %get3A_3 = arith.constant 0 : index
    %get3A_4 = vector.load %arg0[%get3A, %get3A_3] : memref<2304x128xf32, #tpu.memory_space<vmem>>, vector<72x128xf32>
    %mul3A = arith.constant 2.44140625E-4 : f32
    %mul3A_5 = vector.broadcast %mul3A : f32 to vector<72x128xf32>
    %mul3A_6 = arith.mulf %get3A_4, %mul3A_5 : vector<72x128xf32>
    %floor3A = math.floor %mul3A_6 : vector<72x128xf32>
    %add3A = arith.addf %broadcast_in_dim3A_0, %floor3A : vector<72x128xf32>
    %mul3A_7 = arith.constant 4.096000e+03 : f32
    %mul3A_8 = vector.broadcast %mul3A_7 : f32 to vector<72x128xf32>
    %mul3A_9 = arith.mulf %mul3A_8, %floor3A : vector<72x128xf32>
    %sub3A = arith.subf %get3A_4, %mul3A_9 : vector<72x128xf32>
    %add3A_10 = arith.addf %broadcast_in_dim3A_2, %sub3A : vector<72x128xf32>
    %get3A_11 = arith.constant 72 : index
    %get3A_12 = arith.constant 0 : index
    %get3A_13 = vector.load %arg0[%get3A_11, %get3A_12] : memref<2304x128xf32, #tpu.memory_space<vmem>>, vector<72x128xf32>
    %mul3A_14 = arith.constant 2.44140625E-4 : f32
    %mul3A_15 = vector.broadcast %mul3A_14 : f32 to vector<72x128xf32>
    %mul3A_16 = arith.mulf %get3A_13, %mul3A_15 : vector<72x128xf32>
    %floor3A_17 = math.floor %mul3A_16 : vector<72x128xf32>
    %add3A_18 = arith.addf %add3A, %floor3A_17 : vector<72x128xf32>
    %mul3A_19 = arith.constant 4.096000e+03 : f32
    %mul3A_20 = vector.broadcast %mul3A_19 : f32 to vector<72x128xf32>
    %mul3A_21 = arith.mulf %mul3A_20, %floor3A_17 : vector<72x128xf32>
    %sub3A_22 = arith.subf %get3A_13, %mul3A_21 : vector<72x128xf32>
    %add3A_23 = arith.addf %add3A_10, %sub3A_22 : vector<72x128xf32>
    %get3A_24 = arith.constant 144 : index
    %get3A_25 = arith.constant 0 : index
    %get3A_26 = vector.load %arg0[%get3A_24, %get3A_25] : memref<2304x128xf32, #tpu.memory_space<vmem>>, vector<72x128xf32>
    %mul3A_27 = arith.constant 2.44140625E-4 : f32
    %mul3A_28 = vector.broadcast %mul3A_27 : f32 to vector<72x128xf32>
    %mul3A_29 = arith.mulf %get3A_26, %mul3A_28 : vector<72x128xf32>
    %floor3A_30 = math.floor %mul3A_29 : vector<72x128xf32>
    %add3A_31 = arith.addf %add3A_18, %floor3A_30 : vector<72x128xf32>
    %mul3A_32 = arith.constant 4.096000e+03 : f32
    %mul3A_33 = vector.broadcast %mul3A_32 : f32 to vector<72x128xf32>
    %mul3A_34 = arith.mulf %mul3A_33, %floor3A_30 : vector<72x128xf32>
    %sub3A_35 = arith.subf %get3A_26, %mul3A_34 : vector<72x128xf32>
    %add3A_36 = arith.addf %add3A_23, %sub3A_35 : vector<72x128xf32>
    %get3A_37 = arith.constant 216 : index
    %get3A_38 = arith.constant 0 : index
    %get3A_39 = vector.load %arg0[%get3A_37, %get3A_38] : memref<2304x128xf32, #tpu.memory_space<vmem>>, vector<72x128xf32>
    %mul3A_40 = arith.constant 2.44140625E-4 : f32
    %mul3A_41 = vector.broadcast %mul3A_40 : f32 to vector<72x128xf32>
    %mul3A_42 = arith.mulf %get3A_39, %mul3A_41 : vector<72x128xf32>
    %floor3A_43 = math.floor %mul3A_42 : vector<72x128xf32>
    %add3A_44 = arith.addf %add3A_31, %floor3A_43 : vector<72x128xf32>
    %mul3A_45 = arith.constant 4.096000e+03 : f32
    %mul3A_46 = vector.broadcast %mul3A_45 : f32 to vector<72x128xf32>
    %mul3A_47 = arith.mulf %mul3A_46, %floor3A_43 : vector<72x128xf32>
    %sub3A_48 = arith.subf %get3A_39, %mul3A_47 : vector<72x128xf32>
    %add3A_49 = arith.addf %add3A_36, %sub3A_48 : vector<72x128xf32>
    %get3A_50 = arith.constant 288 : index
    %get3A_51 = arith.constant 0 : index
    %get3A_52 = vector.load %arg0[%get3A_50, %get3A_51] : memref<2304x128xf32, #tpu.memory_space<vmem>>, vector<72x128xf32>
    %mul3A_53 = arith.constant 2.44140625E-4 : f32
    %mul3A_54 = vector.broadcast %mul3A_53 : f32 to vector<72x128xf32>
    %mul3A_55 = arith.mulf %get3A_52, %mul3A_54 : vector<72x128xf32>
    %floor3A_56 = math.floor %mul3A_55 : vector<72x128xf32>
    %add3A_57 = arith.addf %add3A_44, %floor3A_56 : vector<72x128xf32>
    %mul3A_58 = arith.constant 4.096000e+03 : f32
    %mul3A_59 = vector.broadcast %mul3A_58 : f32 to vector<72x128xf32>
    %mul3A_60 = arith.mulf %mul3A_59, %floor3A_56 : vector<72x128xf32>
    %sub3A_61 = arith.subf %get3A_52, %mul3A_60 : vector<72x128xf32>
    %add3A_62 = arith.addf %add3A_49, %sub3A_61 : vector<72x128xf32>
    %get3A_63 = arith.constant 360 : index
    %get3A_64 = arith.constant 0 : index
    %get3A_65 = vector.load %arg0[%get3A_63, %get3A_64] : memref<2304x128xf32, #tpu.memory_space<vmem>>, vector<72x128xf32>
    %mul3A_66 = arith.constant 2.44140625E-4 : f32
    %mul3A_67 = vector.broadcast %mul3A_66 : f32 to vector<72x128xf32>
    %mul3A_68 = arith.mulf %get3A_65, %mul3A_67 : vector<72x128xf32>
    %floor3A_69 = math.floor %mul3A_68 : vector<72x128xf32>
    %add3A_70 = arith.addf %add3A_57, %floor3A_69 : vector<72x128xf32>
    %mul3A_71 = arith.constant 4.096000e+03 : f32
    %mul3A_72 = vector.broadcast %mul3A_71 : f32 to vector<72x128xf32>
    %mul3A_73 = arith.mulf %mul3A_72, %floor3A_69 : vector<72x128xf32>
    %sub3A_74 = arith.subf %get3A_65, %mul3A_73 : vector<72x128xf32>
    %add3A_75 = arith.addf %add3A_62, %sub3A_74 : vector<72x128xf32>
    %get3A_76 = arith.constant 432 : index
    %get3A_77 = arith.constant 0 : index
    %get3A_78 = vector.load %arg0[%get3A_76, %get3A_77] : memref<2304x128xf32, #tpu.memory_space<vmem>>, vector<72x128xf32>
    %mul3A_79 = arith.constant 2.44140625E-4 : f32
    %mul3A_80 = vector.broadcast %mul3A_79 : f32 to vector<72x128xf32>
    %mul3A_81 = arith.mulf %get3A_78, %mul3A_80 : vector<72x128xf32>
    %floor3A_82 = math.floor %mul3A_81 : vector<72x128xf32>
    %add3A_83 = arith.addf %add3A_70, %floor3A_82 : vector<72x128xf32>
    %mul3A_84 = arith.constant 4.096000e+03 : f32
    %mul3A_85 = vector.broadcast %mul3A_84 : f32 to vector<72x128xf32>
    %mul3A_86 = arith.mulf %mul3A_85, %floor3A_82 : vector<72x128xf32>
    %sub3A_87 = arith.subf %get3A_78, %mul3A_86 : vector<72x128xf32>
    %add3A_88 = arith.addf %add3A_75, %sub3A_87 : vector<72x128xf32>
    %get3A_89 = arith.constant 504 : index
    %get3A_90 = arith.constant 0 : index
    %get3A_91 = vector.load %arg0[%get3A_89, %get3A_90] : memref<2304x128xf32, #tpu.memory_space<vmem>>, vector<72x128xf32>
    %mul3A_92 = arith.constant 2.44140625E-4 : f32
    %mul3A_93 = vector.broadcast %mul3A_92 : f32 to vector<72x128xf32>
    %mul3A_94 = arith.mulf %get3A_91, %mul3A_93 : vector<72x128xf32>
    %floor3A_95 = math.floor %mul3A_94 : vector<72x128xf32>
    %add3A_96 = arith.addf %add3A_83, %floor3A_95 : vector<72x128xf32>
    %mul3A_97 = arith.constant 4.096000e+03 : f32
    %mul3A_98 = vector.broadcast %mul3A_97 : f32 to vector<72x128xf32>
    %mul3A_99 = arith.mulf %mul3A_98, %floor3A_95 : vector<72x128xf32>
    %sub3A_100 = arith.subf %get3A_91, %mul3A_99 : vector<72x128xf32>
    %add3A_101 = arith.addf %add3A_88, %sub3A_100 : vector<72x128xf32>
    %get3A_102 = arith.constant 576 : index
    %get3A_103 = arith.constant 0 : index
    %get3A_104 = vector.load %arg0[%get3A_102, %get3A_103] : memref<2304x128xf32, #tpu.memory_space<vmem>>, vector<72x128xf32>
    %mul3A_105 = arith.constant 2.44140625E-4 : f32
    %mul3A_106 = vector.broadcast %mul3A_105 : f32 to vector<72x128xf32>
    %mul3A_107 = arith.mulf %get3A_104, %mul3A_106 : vector<72x128xf32>
    %floor3A_108 = math.floor %mul3A_107 : vector<72x128xf32>
    %add3A_109 = arith.addf %add3A_96, %floor3A_108 : vector<72x128xf32>
    %mul3A_110 = arith.constant 4.096000e+03 : f32
    %mul3A_111 = vector.broadcast %mul3A_110 : f32 to vector<72x128xf32>
    %mul3A_112 = arith.mulf %mul3A_111, %floor3A_108 : vector<72x128xf32>
    %sub3A_113 = arith.subf %get3A_104, %mul3A_112 : vector<72x128xf32>
    %add3A_114 = arith.addf %add3A_101, %sub3A_113 : vector<72x128xf32>
    %get3A_115 = arith.constant 648 : index
    %get3A_116 = arith.constant 0 : index
    %get3A_117 = vector.load %arg0[%get3A_115, %get3A_116] : memref<2304x128xf32, #tpu.memory_space<vmem>>, vector<72x128xf32>
    %mul3A_118 = arith.constant 2.44140625E-4 : f32
    %mul3A_119 = vector.broadcast %mul3A_118 : f32 to vector<72x128xf32>
    %mul3A_120 = arith.mulf %get3A_117, %mul3A_119 : vector<72x128xf32>
    %floor3A_121 = math.floor %mul3A_120 : vector<72x128xf32>
    %add3A_122 = arith.addf %add3A_109, %floor3A_121 : vector<72x128xf32>
    %mul3A_123 = arith.constant 4.096000e+03 : f32
    %mul3A_124 = vector.broadcast %mul3A_123 : f32 to vector<72x128xf32>
    %mul3A_125 = arith.mulf %mul3A_124, %floor3A_121 : vector<72x128xf32>
    %sub3A_126 = arith.subf %get3A_117, %mul3A_125 : vector<72x128xf32>
    %add3A_127 = arith.addf %add3A_114, %sub3A_126 : vector<72x128xf32>
    %get3A_128 = arith.constant 720 : index
    %get3A_129 = arith.constant 0 : index
    %get3A_130 = vector.load %arg0[%get3A_128, %get3A_129] : memref<2304x128xf32, #tpu.memory_space<vmem>>, vector<72x128xf32>
    %mul3A_131 = arith.constant 2.44140625E-4 : f32
    %mul3A_132 = vector.broadcast %mul3A_131 : f32 to vector<72x128xf32>
    %mul3A_133 = arith.mulf %get3A_130, %mul3A_132 : vector<72x128xf32>
    %floor3A_134 = math.floor %mul3A_133 : vector<72x128xf32>
    %add3A_135 = arith.addf %add3A_122, %floor3A_134 : vector<72x128xf32>
    %mul3A_136 = arith.constant 4.096000e+03 : f32
    %mul3A_137 = vector.broadcast %mul3A_136 : f32 to vector<72x128xf32>
    %mul3A_138 = arith.mulf %mul3A_137, %floor3A_134 : vector<72x128xf32>
    %sub3A_139 = arith.subf %get3A_130, %mul3A_138 : vector<72x128xf32>
    %add3A_140 = arith.addf %add3A_127, %sub3A_139 : vector<72x128xf32>
    %get3A_141 = arith.constant 792 : index
    %get3A_142 = arith.constant 0 : index
    %get3A_143 = vector.load %arg0[%get3A_141, %get3A_142] : memref<2304x128xf32, #tpu.memory_space<vmem>>, vector<72x128xf32>
    %mul3A_144 = arith.constant 2.44140625E-4 : f32
    %mul3A_145 = vector.broadcast %mul3A_144 : f32 to vector<72x128xf32>
    %mul3A_146 = arith.mulf %get3A_143, %mul3A_145 : vector<72x128xf32>
    %floor3A_147 = math.floor %mul3A_146 : vector<72x128xf32>
    %add3A_148 = arith.addf %add3A_135, %floor3A_147 : vector<72x128xf32>
    %mul3A_149 = arith.constant 4.096000e+03 : f32
    %mul3A_150 = vector.broadcast %mul3A_149 : f32 to vector<72x128xf32>
    %mul3A_151 = arith.mulf %mul3A_150, %floor3A_147 : vector<72x128xf32>
    %sub3A_152 = arith.subf %get3A_143, %mul3A_151 : vector<72x128xf32>
    %add3A_153 = arith.addf %add3A_140, %sub3A_152 : vector<72x128xf32>
    %get3A_154 = arith.constant 864 : index
    %get3A_155 = arith.constant 0 : index
    %get3A_156 = vector.load %arg0[%get3A_154, %get3A_155] : memref<2304x128xf32, #tpu.memory_space<vmem>>, vector<72x128xf32>
    %mul3A_157 = arith.constant 2.44140625E-4 : f32
    %mul3A_158 = vector.broadcast %mul3A_157 : f32 to vector<72x128xf32>
    %mul3A_159 = arith.mulf %get3A_156, %mul3A_158 : vector<72x128xf32>
    %floor3A_160 = math.floor %mul3A_159 : vector<72x128xf32>
    %add3A_161 = arith.addf %add3A_148, %floor3A_160 : vector<72x128xf32>
    %mul3A_162 = arith.constant 4.096000e+03 : f32
    %mul3A_163 = vector.broadcast %mul3A_162 : f32 to vector<72x128xf32>
    %mul3A_164 = arith.mulf %mul3A_163, %floor3A_160 : vector<72x128xf32>
    %sub3A_165 = arith.subf %get3A_156, %mul3A_164 : vector<72x128xf32>
    %add3A_166 = arith.addf %add3A_153, %sub3A_165 : vector<72x128xf32>
    %get3A_167 = arith.constant 936 : index
    %get3A_168 = arith.constant 0 : index
    %get3A_169 = vector.load %arg0[%get3A_167, %get3A_168] : memref<2304x128xf32, #tpu.memory_space<vmem>>, vector<72x128xf32>
    %mul3A_170 = arith.constant 2.44140625E-4 : f32
    %mul3A_171 = vector.broadcast %mul3A_170 : f32 to vector<72x128xf32>
    %mul3A_172 = arith.mulf %get3A_169, %mul3A_171 : vector<72x128xf32>
    %floor3A_173 = math.floor %mul3A_172 : vector<72x128xf32>
    %add3A_174 = arith.addf %add3A_161, %floor3A_173 : vector<72x128xf32>
    %mul3A_175 = arith.constant 4.096000e+03 : f32
    %mul3A_176 = vector.broadcast %mul3A_175 : f32 to vector<72x128xf32>
    %mul3A_177 = arith.mulf %mul3A_176, %floor3A_173 : vector<72x128xf32>
    %sub3A_178 = arith.subf %get3A_169, %mul3A_177 : vector<72x128xf32>
    %add3A_179 = arith.addf %add3A_166, %sub3A_178 : vector<72x128xf32>
    %get3A_180 = arith.constant 1008 : index
    %get3A_181 = arith.constant 0 : index
    %get3A_182 = vector.load %arg0[%get3A_180, %get3A_181] : memref<2304x128xf32, #tpu.memory_space<vmem>>, vector<72x128xf32>
    %mul3A_183 = arith.constant 2.44140625E-4 : f32
    %mul3A_184 = vector.broadcast %mul3A_183 : f32 to vector<72x128xf32>
    %mul3A_185 = arith.mulf %get3A_182, %mul3A_184 : vector<72x128xf32>
    %floor3A_186 = math.floor %mul3A_185 : vector<72x128xf32>
    %add3A_187 = arith.addf %add3A_174, %floor3A_186 : vector<72x128xf32>
    %mul3A_188 = arith.constant 4.096000e+03 : f32
    %mul3A_189 = vector.broadcast %mul3A_188 : f32 to vector<72x128xf32>
    %mul3A_190 = arith.mulf %mul3A_189, %floor3A_186 : vector<72x128xf32>
    %sub3A_191 = arith.subf %get3A_182, %mul3A_190 : vector<72x128xf32>
    %add3A_192 = arith.addf %add3A_179, %sub3A_191 : vector<72x128xf32>
    %get3A_193 = arith.constant 1080 : index
    %get3A_194 = arith.constant 0 : index
    %get3A_195 = vector.load %arg0[%get3A_193, %get3A_194] : memref<2304x128xf32, #tpu.memory_space<vmem>>, vector<72x128xf32>
    %mul3A_196 = arith.constant 2.44140625E-4 : f32
    %mul3A_197 = vector.broadcast %mul3A_196 : f32 to vector<72x128xf32>
    %mul3A_198 = arith.mulf %get3A_195, %mul3A_197 : vector<72x128xf32>
    %floor3A_199 = math.floor %mul3A_198 : vector<72x128xf32>
    %add3A_200 = arith.addf %add3A_187, %floor3A_199 : vector<72x128xf32>
    %mul3A_201 = arith.constant 4.096000e+03 : f32
    %mul3A_202 = vector.broadcast %mul3A_201 : f32 to vector<72x128xf32>
    %mul3A_203 = arith.mulf %mul3A_202, %floor3A_199 : vector<72x128xf32>
    %sub3A_204 = arith.subf %get3A_195, %mul3A_203 : vector<72x128xf32>
    %add3A_205 = arith.addf %add3A_192, %sub3A_204 : vector<72x128xf32>
    %get3A_206 = arith.constant 1152 : index
    %get3A_207 = arith.constant 0 : index
    %get3A_208 = vector.load %arg0[%get3A_206, %get3A_207] : memref<2304x128xf32, #tpu.memory_space<vmem>>, vector<72x128xf32>
    %mul3A_209 = arith.constant 2.44140625E-4 : f32
    %mul3A_210 = vector.broadcast %mul3A_209 : f32 to vector<72x128xf32>
    %mul3A_211 = arith.mulf %get3A_208, %mul3A_210 : vector<72x128xf32>
    %floor3A_212 = math.floor %mul3A_211 : vector<72x128xf32>
    %add3A_213 = arith.addf %add3A_200, %floor3A_212 : vector<72x128xf32>
    %mul3A_214 = arith.constant 4.096000e+03 : f32
    %mul3A_215 = vector.broadcast %mul3A_214 : f32 to vector<72x128xf32>
    %mul3A_216 = arith.mulf %mul3A_215, %floor3A_212 : vector<72x128xf32>
    %sub3A_217 = arith.subf %get3A_208, %mul3A_216 : vector<72x128xf32>
    %add3A_218 = arith.addf %add3A_205, %sub3A_217 : vector<72x128xf32>
    %get3A_219 = arith.constant 1224 : index
    %get3A_220 = arith.constant 0 : index
    %get3A_221 = vector.load %arg0[%get3A_219, %get3A_220] : memref<2304x128xf32, #tpu.memory_space<vmem>>, vector<72x128xf32>
    %mul3A_222 = arith.constant 2.44140625E-4 : f32
    %mul3A_223 = vector.broadcast %mul3A_222 : f32 to vector<72x128xf32>
    %mul3A_224 = arith.mulf %get3A_221, %mul3A_223 : vector<72x128xf32>
    %floor3A_225 = math.floor %mul3A_224 : vector<72x128xf32>
    %add3A_226 = arith.addf %add3A_213, %floor3A_225 : vector<72x128xf32>
    %mul3A_227 = arith.constant 4.096000e+03 : f32
    %mul3A_228 = vector.broadcast %mul3A_227 : f32 to vector<72x128xf32>
    %mul3A_229 = arith.mulf %mul3A_228, %floor3A_225 : vector<72x128xf32>
    %sub3A_230 = arith.subf %get3A_221, %mul3A_229 : vector<72x128xf32>
    %add3A_231 = arith.addf %add3A_218, %sub3A_230 : vector<72x128xf32>
    %get3A_232 = arith.constant 1296 : index
    %get3A_233 = arith.constant 0 : index
    %get3A_234 = vector.load %arg0[%get3A_232, %get3A_233] : memref<2304x128xf32, #tpu.memory_space<vmem>>, vector<72x128xf32>
    %mul3A_235 = arith.constant 2.44140625E-4 : f32
    %mul3A_236 = vector.broadcast %mul3A_235 : f32 to vector<72x128xf32>
    %mul3A_237 = arith.mulf %get3A_234, %mul3A_236 : vector<72x128xf32>
    %floor3A_238 = math.floor %mul3A_237 : vector<72x128xf32>
    %add3A_239 = arith.addf %add3A_226, %floor3A_238 : vector<72x128xf32>
    %mul3A_240 = arith.constant 4.096000e+03 : f32
    %mul3A_241 = vector.broadcast %mul3A_240 : f32 to vector<72x128xf32>
    %mul3A_242 = arith.mulf %mul3A_241, %floor3A_238 : vector<72x128xf32>
    %sub3A_243 = arith.subf %get3A_234, %mul3A_242 : vector<72x128xf32>
    %add3A_244 = arith.addf %add3A_231, %sub3A_243 : vector<72x128xf32>
    %get3A_245 = arith.constant 1368 : index
    %get3A_246 = arith.constant 0 : index
    %get3A_247 = vector.load %arg0[%get3A_245, %get3A_246] : memref<2304x128xf32, #tpu.memory_space<vmem>>, vector<72x128xf32>
    %mul3A_248 = arith.constant 2.44140625E-4 : f32
    %mul3A_249 = vector.broadcast %mul3A_248 : f32 to vector<72x128xf32>
    %mul3A_250 = arith.mulf %get3A_247, %mul3A_249 : vector<72x128xf32>
    %floor3A_251 = math.floor %mul3A_250 : vector<72x128xf32>
    %add3A_252 = arith.addf %add3A_239, %floor3A_251 : vector<72x128xf32>
    %mul3A_253 = arith.constant 4.096000e+03 : f32
    %mul3A_254 = vector.broadcast %mul3A_253 : f32 to vector<72x128xf32>
    %mul3A_255 = arith.mulf %mul3A_254, %floor3A_251 : vector<72x128xf32>
    %sub3A_256 = arith.subf %get3A_247, %mul3A_255 : vector<72x128xf32>
    %add3A_257 = arith.addf %add3A_244, %sub3A_256 : vector<72x128xf32>
    %get3A_258 = arith.constant 1440 : index
    %get3A_259 = arith.constant 0 : index
    %get3A_260 = vector.load %arg0[%get3A_258, %get3A_259] : memref<2304x128xf32, #tpu.memory_space<vmem>>, vector<72x128xf32>
    %mul3A_261 = arith.constant 2.44140625E-4 : f32
    %mul3A_262 = vector.broadcast %mul3A_261 : f32 to vector<72x128xf32>
    %mul3A_263 = arith.mulf %get3A_260, %mul3A_262 : vector<72x128xf32>
    %floor3A_264 = math.floor %mul3A_263 : vector<72x128xf32>
    %add3A_265 = arith.addf %add3A_252, %floor3A_264 : vector<72x128xf32>
    %mul3A_266 = arith.constant 4.096000e+03 : f32
    %mul3A_267 = vector.broadcast %mul3A_266 : f32 to vector<72x128xf32>
    %mul3A_268 = arith.mulf %mul3A_267, %floor3A_264 : vector<72x128xf32>
    %sub3A_269 = arith.subf %get3A_260, %mul3A_268 : vector<72x128xf32>
    %add3A_270 = arith.addf %add3A_257, %sub3A_269 : vector<72x128xf32>
    %get3A_271 = arith.constant 1512 : index
    %get3A_272 = arith.constant 0 : index
    %get3A_273 = vector.load %arg0[%get3A_271, %get3A_272] : memref<2304x128xf32, #tpu.memory_space<vmem>>, vector<72x128xf32>
    %mul3A_274 = arith.constant 2.44140625E-4 : f32
    %mul3A_275 = vector.broadcast %mul3A_274 : f32 to vector<72x128xf32>
    %mul3A_276 = arith.mulf %get3A_273, %mul3A_275 : vector<72x128xf32>
    %floor3A_277 = math.floor %mul3A_276 : vector<72x128xf32>
    %add3A_278 = arith.addf %add3A_265, %floor3A_277 : vector<72x128xf32>
    %mul3A_279 = arith.constant 4.096000e+03 : f32
    %mul3A_280 = vector.broadcast %mul3A_279 : f32 to vector<72x128xf32>
    %mul3A_281 = arith.mulf %mul3A_280, %floor3A_277 : vector<72x128xf32>
    %sub3A_282 = arith.subf %get3A_273, %mul3A_281 : vector<72x128xf32>
    %add3A_283 = arith.addf %add3A_270, %sub3A_282 : vector<72x128xf32>
    %get3A_284 = arith.constant 1584 : index
    %get3A_285 = arith.constant 0 : index
    %get3A_286 = vector.load %arg0[%get3A_284, %get3A_285] : memref<2304x128xf32, #tpu.memory_space<vmem>>, vector<72x128xf32>
    %mul3A_287 = arith.constant 2.44140625E-4 : f32
    %mul3A_288 = vector.broadcast %mul3A_287 : f32 to vector<72x128xf32>
    %mul3A_289 = arith.mulf %get3A_286, %mul3A_288 : vector<72x128xf32>
    %floor3A_290 = math.floor %mul3A_289 : vector<72x128xf32>
    %add3A_291 = arith.addf %add3A_278, %floor3A_290 : vector<72x128xf32>
    %mul3A_292 = arith.constant 4.096000e+03 : f32
    %mul3A_293 = vector.broadcast %mul3A_292 : f32 to vector<72x128xf32>
    %mul3A_294 = arith.mulf %mul3A_293, %floor3A_290 : vector<72x128xf32>
    %sub3A_295 = arith.subf %get3A_286, %mul3A_294 : vector<72x128xf32>
    %add3A_296 = arith.addf %add3A_283, %sub3A_295 : vector<72x128xf32>
    %get3A_297 = arith.constant 1656 : index
    %get3A_298 = arith.constant 0 : index
    %get3A_299 = vector.load %arg0[%get3A_297, %get3A_298] : memref<2304x128xf32, #tpu.memory_space<vmem>>, vector<72x128xf32>
    %mul3A_300 = arith.constant 2.44140625E-4 : f32
    %mul3A_301 = vector.broadcast %mul3A_300 : f32 to vector<72x128xf32>
    %mul3A_302 = arith.mulf %get3A_299, %mul3A_301 : vector<72x128xf32>
    %floor3A_303 = math.floor %mul3A_302 : vector<72x128xf32>
    %add3A_304 = arith.addf %add3A_291, %floor3A_303 : vector<72x128xf32>
    %mul3A_305 = arith.constant 4.096000e+03 : f32
    %mul3A_306 = vector.broadcast %mul3A_305 : f32 to vector<72x128xf32>
    %mul3A_307 = arith.mulf %mul3A_306, %floor3A_303 : vector<72x128xf32>
    %sub3A_308 = arith.subf %get3A_299, %mul3A_307 : vector<72x128xf32>
    %add3A_309 = arith.addf %add3A_296, %sub3A_308 : vector<72x128xf32>
    %get3A_310 = arith.constant 1728 : index
    %get3A_311 = arith.constant 0 : index
    %get3A_312 = vector.load %arg0[%get3A_310, %get3A_311] : memref<2304x128xf32, #tpu.memory_space<vmem>>, vector<72x128xf32>
    %mul3A_313 = arith.constant 2.44140625E-4 : f32
    %mul3A_314 = vector.broadcast %mul3A_313 : f32 to vector<72x128xf32>
    %mul3A_315 = arith.mulf %get3A_312, %mul3A_314 : vector<72x128xf32>
    %floor3A_316 = math.floor %mul3A_315 : vector<72x128xf32>
    %add3A_317 = arith.addf %add3A_304, %floor3A_316 : vector<72x128xf32>
    %mul3A_318 = arith.constant 4.096000e+03 : f32
    %mul3A_319 = vector.broadcast %mul3A_318 : f32 to vector<72x128xf32>
    %mul3A_320 = arith.mulf %mul3A_319, %floor3A_316 : vector<72x128xf32>
    %sub3A_321 = arith.subf %get3A_312, %mul3A_320 : vector<72x128xf32>
    %add3A_322 = arith.addf %add3A_309, %sub3A_321 : vector<72x128xf32>
    %get3A_323 = arith.constant 1800 : index
    %get3A_324 = arith.constant 0 : index
    %get3A_325 = vector.load %arg0[%get3A_323, %get3A_324] : memref<2304x128xf32, #tpu.memory_space<vmem>>, vector<72x128xf32>
    %mul3A_326 = arith.constant 2.44140625E-4 : f32
    %mul3A_327 = vector.broadcast %mul3A_326 : f32 to vector<72x128xf32>
    %mul3A_328 = arith.mulf %get3A_325, %mul3A_327 : vector<72x128xf32>
    %floor3A_329 = math.floor %mul3A_328 : vector<72x128xf32>
    %add3A_330 = arith.addf %add3A_317, %floor3A_329 : vector<72x128xf32>
    %mul3A_331 = arith.constant 4.096000e+03 : f32
    %mul3A_332 = vector.broadcast %mul3A_331 : f32 to vector<72x128xf32>
    %mul3A_333 = arith.mulf %mul3A_332, %floor3A_329 : vector<72x128xf32>
    %sub3A_334 = arith.subf %get3A_325, %mul3A_333 : vector<72x128xf32>
    %add3A_335 = arith.addf %add3A_322, %sub3A_334 : vector<72x128xf32>
    %get3A_336 = arith.constant 1872 : index
    %get3A_337 = arith.constant 0 : index
    %get3A_338 = vector.load %arg0[%get3A_336, %get3A_337] : memref<2304x128xf32, #tpu.memory_space<vmem>>, vector<72x128xf32>
    %mul3A_339 = arith.constant 2.44140625E-4 : f32
    %mul3A_340 = vector.broadcast %mul3A_339 : f32 to vector<72x128xf32>
    %mul3A_341 = arith.mulf %get3A_338, %mul3A_340 : vector<72x128xf32>
    %floor3A_342 = math.floor %mul3A_341 : vector<72x128xf32>
    %add3A_343 = arith.addf %add3A_330, %floor3A_342 : vector<72x128xf32>
    %mul3A_344 = arith.constant 4.096000e+03 : f32
    %mul3A_345 = vector.broadcast %mul3A_344 : f32 to vector<72x128xf32>
    %mul3A_346 = arith.mulf %mul3A_345, %floor3A_342 : vector<72x128xf32>
    %sub3A_347 = arith.subf %get3A_338, %mul3A_346 : vector<72x128xf32>
    %add3A_348 = arith.addf %add3A_335, %sub3A_347 : vector<72x128xf32>
    %get3A_349 = arith.constant 1944 : index
    %get3A_350 = arith.constant 0 : index
    %get3A_351 = vector.load %arg0[%get3A_349, %get3A_350] : memref<2304x128xf32, #tpu.memory_space<vmem>>, vector<72x128xf32>
    %mul3A_352 = arith.constant 2.44140625E-4 : f32
    %mul3A_353 = vector.broadcast %mul3A_352 : f32 to vector<72x128xf32>
    %mul3A_354 = arith.mulf %get3A_351, %mul3A_353 : vector<72x128xf32>
    %floor3A_355 = math.floor %mul3A_354 : vector<72x128xf32>
    %add3A_356 = arith.addf %add3A_343, %floor3A_355 : vector<72x128xf32>
    %mul3A_357 = arith.constant 4.096000e+03 : f32
    %mul3A_358 = vector.broadcast %mul3A_357 : f32 to vector<72x128xf32>
    %mul3A_359 = arith.mulf %mul3A_358, %floor3A_355 : vector<72x128xf32>
    %sub3A_360 = arith.subf %get3A_351, %mul3A_359 : vector<72x128xf32>
    %add3A_361 = arith.addf %add3A_348, %sub3A_360 : vector<72x128xf32>
    %get3A_362 = arith.constant 2016 : index
    %get3A_363 = arith.constant 0 : index
    %get3A_364 = vector.load %arg0[%get3A_362, %get3A_363] : memref<2304x128xf32, #tpu.memory_space<vmem>>, vector<72x128xf32>
    %mul3A_365 = arith.constant 2.44140625E-4 : f32
    %mul3A_366 = vector.broadcast %mul3A_365 : f32 to vector<72x128xf32>
    %mul3A_367 = arith.mulf %get3A_364, %mul3A_366 : vector<72x128xf32>
    %floor3A_368 = math.floor %mul3A_367 : vector<72x128xf32>
    %add3A_369 = arith.addf %add3A_356, %floor3A_368 : vector<72x128xf32>
    %mul3A_370 = arith.constant 4.096000e+03 : f32
    %mul3A_371 = vector.broadcast %mul3A_370 : f32 to vector<72x128xf32>
    %mul3A_372 = arith.mulf %mul3A_371, %floor3A_368 : vector<72x128xf32>
    %sub3A_373 = arith.subf %get3A_364, %mul3A_372 : vector<72x128xf32>
    %add3A_374 = arith.addf %add3A_361, %sub3A_373 : vector<72x128xf32>
    %get3A_375 = arith.constant 2088 : index
    %get3A_376 = arith.constant 0 : index
    %get3A_377 = vector.load %arg0[%get3A_375, %get3A_376] : memref<2304x128xf32, #tpu.memory_space<vmem>>, vector<72x128xf32>
    %mul3A_378 = arith.constant 2.44140625E-4 : f32
    %mul3A_379 = vector.broadcast %mul3A_378 : f32 to vector<72x128xf32>
    %mul3A_380 = arith.mulf %get3A_377, %mul3A_379 : vector<72x128xf32>
    %floor3A_381 = math.floor %mul3A_380 : vector<72x128xf32>
    %add3A_382 = arith.addf %add3A_369, %floor3A_381 : vector<72x128xf32>
    %mul3A_383 = arith.constant 4.096000e+03 : f32
    %mul3A_384 = vector.broadcast %mul3A_383 : f32 to vector<72x128xf32>
    %mul3A_385 = arith.mulf %mul3A_384, %floor3A_381 : vector<72x128xf32>
    %sub3A_386 = arith.subf %get3A_377, %mul3A_385 : vector<72x128xf32>
    %add3A_387 = arith.addf %add3A_374, %sub3A_386 : vector<72x128xf32>
    %get3A_388 = arith.constant 2160 : index
    %get3A_389 = arith.constant 0 : index
    %get3A_390 = vector.load %arg0[%get3A_388, %get3A_389] : memref<2304x128xf32, #tpu.memory_space<vmem>>, vector<72x128xf32>
    %mul3A_391 = arith.constant 2.44140625E-4 : f32
    %mul3A_392 = vector.broadcast %mul3A_391 : f32 to vector<72x128xf32>
    %mul3A_393 = arith.mulf %get3A_390, %mul3A_392 : vector<72x128xf32>
    %floor3A_394 = math.floor %mul3A_393 : vector<72x128xf32>
    %add3A_395 = arith.addf %add3A_382, %floor3A_394 : vector<72x128xf32>
    %mul3A_396 = arith.constant 4.096000e+03 : f32
    %mul3A_397 = vector.broadcast %mul3A_396 : f32 to vector<72x128xf32>
    %mul3A_398 = arith.mulf %mul3A_397, %floor3A_394 : vector<72x128xf32>
    %sub3A_399 = arith.subf %get3A_390, %mul3A_398 : vector<72x128xf32>
    %add3A_400 = arith.addf %add3A_387, %sub3A_399 : vector<72x128xf32>
    %get3A_401 = arith.constant 2232 : index
    %get3A_402 = arith.constant 0 : index
    %get3A_403 = vector.load %arg0[%get3A_401, %get3A_402] : memref<2304x128xf32, #tpu.memory_space<vmem>>, vector<72x128xf32>
    %mul3A_404 = arith.constant 2.44140625E-4 : f32
    %mul3A_405 = vector.broadcast %mul3A_404 : f32 to vector<72x128xf32>
    %mul3A_406 = arith.mulf %get3A_403, %mul3A_405 : vector<72x128xf32>
    %floor3A_407 = math.floor %mul3A_406 : vector<72x128xf32>
    %add3A_408 = arith.addf %add3A_395, %floor3A_407 : vector<72x128xf32>
    %mul3A_409 = arith.constant 4.096000e+03 : f32
    %mul3A_410 = vector.broadcast %mul3A_409 : f32 to vector<72x128xf32>
    %mul3A_411 = arith.mulf %mul3A_410, %floor3A_407 : vector<72x128xf32>
    %sub3A_412 = arith.subf %get3A_403, %mul3A_411 : vector<72x128xf32>
    %add3A_413 = arith.addf %add3A_400, %sub3A_412 : vector<72x128xf32>
    %get3A_414 = arith.constant 0 : index
    %get3A_415 = arith.constant 0 : index
    %get3A_416 = vector.load %arg1[%get3A_414, %get3A_415] : memref<2304x128xf32, #tpu.memory_space<vmem>>, vector<72x128xf32>
    %mul3A_417 = arith.constant 2.44140625E-4 : f32
    %mul3A_418 = vector.broadcast %mul3A_417 : f32 to vector<72x128xf32>
    %mul3A_419 = arith.mulf %get3A_416, %mul3A_418 : vector<72x128xf32>
    %floor3A_420 = math.floor %mul3A_419 : vector<72x128xf32>
    %add3A_421 = arith.addf %add3A_408, %floor3A_420 : vector<72x128xf32>
    %mul3A_422 = arith.constant 4.096000e+03 : f32
    %mul3A_423 = vector.broadcast %mul3A_422 : f32 to vector<72x128xf32>
    %mul3A_424 = arith.mulf %mul3A_423, %floor3A_420 : vector<72x128xf32>
    %sub3A_425 = arith.subf %get3A_416, %mul3A_424 : vector<72x128xf32>
    %add3A_426 = arith.addf %add3A_413, %sub3A_425 : vector<72x128xf32>
    %get3A_427 = arith.constant 72 : index
    %get3A_428 = arith.constant 0 : index
    %get3A_429 = vector.load %arg1[%get3A_427, %get3A_428] : memref<2304x128xf32, #tpu.memory_space<vmem>>, vector<72x128xf32>
    %mul3A_430 = arith.constant 2.44140625E-4 : f32
    %mul3A_431 = vector.broadcast %mul3A_430 : f32 to vector<72x128xf32>
    %mul3A_432 = arith.mulf %get3A_429, %mul3A_431 : vector<72x128xf32>
    %floor3A_433 = math.floor %mul3A_432 : vector<72x128xf32>
    %add3A_434 = arith.addf %add3A_421, %floor3A_433 : vector<72x128xf32>
    %mul3A_435 = arith.constant 4.096000e+03 : f32
    %mul3A_436 = vector.broadcast %mul3A_435 : f32 to vector<72x128xf32>
    %mul3A_437 = arith.mulf %mul3A_436, %floor3A_433 : vector<72x128xf32>
    %sub3A_438 = arith.subf %get3A_429, %mul3A_437 : vector<72x128xf32>
    %add3A_439 = arith.addf %add3A_426, %sub3A_438 : vector<72x128xf32>
    %get3A_440 = arith.constant 144 : index
    %get3A_441 = arith.constant 0 : index
    %get3A_442 = vector.load %arg1[%get3A_440, %get3A_441] : memref<2304x128xf32, #tpu.memory_space<vmem>>, vector<72x128xf32>
    %mul3A_443 = arith.constant 2.44140625E-4 : f32
    %mul3A_444 = vector.broadcast %mul3A_443 : f32 to vector<72x128xf32>
    %mul3A_445 = arith.mulf %get3A_442, %mul3A_444 : vector<72x128xf32>
    %floor3A_446 = math.floor %mul3A_445 : vector<72x128xf32>
    %add3A_447 = arith.addf %add3A_434, %floor3A_446 : vector<72x128xf32>
    %mul3A_448 = arith.constant 4.096000e+03 : f32
    %mul3A_449 = vector.broadcast %mul3A_448 : f32 to vector<72x128xf32>
    %mul3A_450 = arith.mulf %mul3A_449, %floor3A_446 : vector<72x128xf32>
    %sub3A_451 = arith.subf %get3A_442, %mul3A_450 : vector<72x128xf32>
    %add3A_452 = arith.addf %add3A_439, %sub3A_451 : vector<72x128xf32>
    %get3A_453 = arith.constant 216 : index
    %get3A_454 = arith.constant 0 : index
    %get3A_455 = vector.load %arg1[%get3A_453, %get3A_454] : memref<2304x128xf32, #tpu.memory_space<vmem>>, vector<72x128xf32>
    %mul3A_456 = arith.constant 2.44140625E-4 : f32
    %mul3A_457 = vector.broadcast %mul3A_456 : f32 to vector<72x128xf32>
    %mul3A_458 = arith.mulf %get3A_455, %mul3A_457 : vector<72x128xf32>
    %floor3A_459 = math.floor %mul3A_458 : vector<72x128xf32>
    %add3A_460 = arith.addf %add3A_447, %floor3A_459 : vector<72x128xf32>
    %mul3A_461 = arith.constant 4.096000e+03 : f32
    %mul3A_462 = vector.broadcast %mul3A_461 : f32 to vector<72x128xf32>
    %mul3A_463 = arith.mulf %mul3A_462, %floor3A_459 : vector<72x128xf32>
    %sub3A_464 = arith.subf %get3A_455, %mul3A_463 : vector<72x128xf32>
    %add3A_465 = arith.addf %add3A_452, %sub3A_464 : vector<72x128xf32>
    %get3A_466 = arith.constant 288 : index
    %get3A_467 = arith.constant 0 : index
    %get3A_468 = vector.load %arg1[%get3A_466, %get3A_467] : memref<2304x128xf32, #tpu.memory_space<vmem>>, vector<72x128xf32>
    %mul3A_469 = arith.constant 2.44140625E-4 : f32
    %mul3A_470 = vector.broadcast %mul3A_469 : f32 to vector<72x128xf32>
    %mul3A_471 = arith.mulf %get3A_468, %mul3A_470 : vector<72x128xf32>
    %floor3A_472 = math.floor %mul3A_471 : vector<72x128xf32>
    %add3A_473 = arith.addf %add3A_460, %floor3A_472 : vector<72x128xf32>
    %mul3A_474 = arith.constant 4.096000e+03 : f32
    %mul3A_475 = vector.broadcast %mul3A_474 : f32 to vector<72x128xf32>
    %mul3A_476 = arith.mulf %mul3A_475, %floor3A_472 : vector<72x128xf32>
    %sub3A_477 = arith.subf %get3A_468, %mul3A_476 : vector<72x128xf32>
    %add3A_478 = arith.addf %add3A_465, %sub3A_477 : vector<72x128xf32>
    %get3A_479 = arith.constant 360 : index
    %get3A_480 = arith.constant 0 : index
    %get3A_481 = vector.load %arg1[%get3A_479, %get3A_480] : memref<2304x128xf32, #tpu.memory_space<vmem>>, vector<72x128xf32>
    %mul3A_482 = arith.constant 2.44140625E-4 : f32
    %mul3A_483 = vector.broadcast %mul3A_482 : f32 to vector<72x128xf32>
    %mul3A_484 = arith.mulf %get3A_481, %mul3A_483 : vector<72x128xf32>
    %floor3A_485 = math.floor %mul3A_484 : vector<72x128xf32>
    %add3A_486 = arith.addf %add3A_473, %floor3A_485 : vector<72x128xf32>
    %mul3A_487 = arith.constant 4.096000e+03 : f32
    %mul3A_488 = vector.broadcast %mul3A_487 : f32 to vector<72x128xf32>
    %mul3A_489 = arith.mulf %mul3A_488, %floor3A_485 : vector<72x128xf32>
    %sub3A_490 = arith.subf %get3A_481, %mul3A_489 : vector<72x128xf32>
    %add3A_491 = arith.addf %add3A_478, %sub3A_490 : vector<72x128xf32>
    %get3A_492 = arith.constant 432 : index
    %get3A_493 = arith.constant 0 : index
    %get3A_494 = vector.load %arg1[%get3A_492, %get3A_493] : memref<2304x128xf32, #tpu.memory_space<vmem>>, vector<72x128xf32>
    %mul3A_495 = arith.constant 2.44140625E-4 : f32
    %mul3A_496 = vector.broadcast %mul3A_495 : f32 to vector<72x128xf32>
    %mul3A_497 = arith.mulf %get3A_494, %mul3A_496 : vector<72x128xf32>
    %floor3A_498 = math.floor %mul3A_497 : vector<72x128xf32>
    %add3A_499 = arith.addf %add3A_486, %floor3A_498 : vector<72x128xf32>
    %mul3A_500 = arith.constant 4.096000e+03 : f32
    %mul3A_501 = vector.broadcast %mul3A_500 : f32 to vector<72x128xf32>
    %mul3A_502 = arith.mulf %mul3A_501, %floor3A_498 : vector<72x128xf32>
    %sub3A_503 = arith.subf %get3A_494, %mul3A_502 : vector<72x128xf32>
    %add3A_504 = arith.addf %add3A_491, %sub3A_503 : vector<72x128xf32>
    %get3A_505 = arith.constant 504 : index
    %get3A_506 = arith.constant 0 : index
    %get3A_507 = vector.load %arg1[%get3A_505, %get3A_506] : memref<2304x128xf32, #tpu.memory_space<vmem>>, vector<72x128xf32>
    %mul3A_508 = arith.constant 2.44140625E-4 : f32
    %mul3A_509 = vector.broadcast %mul3A_508 : f32 to vector<72x128xf32>
    %mul3A_510 = arith.mulf %get3A_507, %mul3A_509 : vector<72x128xf32>
    %floor3A_511 = math.floor %mul3A_510 : vector<72x128xf32>
    %add3A_512 = arith.addf %add3A_499, %floor3A_511 : vector<72x128xf32>
    %mul3A_513 = arith.constant 4.096000e+03 : f32
    %mul3A_514 = vector.broadcast %mul3A_513 : f32 to vector<72x128xf32>
    %mul3A_515 = arith.mulf %mul3A_514, %floor3A_511 : vector<72x128xf32>
    %sub3A_516 = arith.subf %get3A_507, %mul3A_515 : vector<72x128xf32>
    %add3A_517 = arith.addf %add3A_504, %sub3A_516 : vector<72x128xf32>
    %get3A_518 = arith.constant 576 : index
    %get3A_519 = arith.constant 0 : index
    %get3A_520 = vector.load %arg1[%get3A_518, %get3A_519] : memref<2304x128xf32, #tpu.memory_space<vmem>>, vector<72x128xf32>
    %mul3A_521 = arith.constant 2.44140625E-4 : f32
    %mul3A_522 = vector.broadcast %mul3A_521 : f32 to vector<72x128xf32>
    %mul3A_523 = arith.mulf %get3A_520, %mul3A_522 : vector<72x128xf32>
    %floor3A_524 = math.floor %mul3A_523 : vector<72x128xf32>
    %add3A_525 = arith.addf %add3A_512, %floor3A_524 : vector<72x128xf32>
    %mul3A_526 = arith.constant 4.096000e+03 : f32
    %mul3A_527 = vector.broadcast %mul3A_526 : f32 to vector<72x128xf32>
    %mul3A_528 = arith.mulf %mul3A_527, %floor3A_524 : vector<72x128xf32>
    %sub3A_529 = arith.subf %get3A_520, %mul3A_528 : vector<72x128xf32>
    %add3A_530 = arith.addf %add3A_517, %sub3A_529 : vector<72x128xf32>
    %get3A_531 = arith.constant 648 : index
    %get3A_532 = arith.constant 0 : index
    %get3A_533 = vector.load %arg1[%get3A_531, %get3A_532] : memref<2304x128xf32, #tpu.memory_space<vmem>>, vector<72x128xf32>
    %mul3A_534 = arith.constant 2.44140625E-4 : f32
    %mul3A_535 = vector.broadcast %mul3A_534 : f32 to vector<72x128xf32>
    %mul3A_536 = arith.mulf %get3A_533, %mul3A_535 : vector<72x128xf32>
    %floor3A_537 = math.floor %mul3A_536 : vector<72x128xf32>
    %add3A_538 = arith.addf %add3A_525, %floor3A_537 : vector<72x128xf32>
    %mul3A_539 = arith.constant 4.096000e+03 : f32
    %mul3A_540 = vector.broadcast %mul3A_539 : f32 to vector<72x128xf32>
    %mul3A_541 = arith.mulf %mul3A_540, %floor3A_537 : vector<72x128xf32>
    %sub3A_542 = arith.subf %get3A_533, %mul3A_541 : vector<72x128xf32>
    %add3A_543 = arith.addf %add3A_530, %sub3A_542 : vector<72x128xf32>
    %get3A_544 = arith.constant 720 : index
    %get3A_545 = arith.constant 0 : index
    %get3A_546 = vector.load %arg1[%get3A_544, %get3A_545] : memref<2304x128xf32, #tpu.memory_space<vmem>>, vector<72x128xf32>
    %mul3A_547 = arith.constant 2.44140625E-4 : f32
    %mul3A_548 = vector.broadcast %mul3A_547 : f32 to vector<72x128xf32>
    %mul3A_549 = arith.mulf %get3A_546, %mul3A_548 : vector<72x128xf32>
    %floor3A_550 = math.floor %mul3A_549 : vector<72x128xf32>
    %add3A_551 = arith.addf %add3A_538, %floor3A_550 : vector<72x128xf32>
    %mul3A_552 = arith.constant 4.096000e+03 : f32
    %mul3A_553 = vector.broadcast %mul3A_552 : f32 to vector<72x128xf32>
    %mul3A_554 = arith.mulf %mul3A_553, %floor3A_550 : vector<72x128xf32>
    %sub3A_555 = arith.subf %get3A_546, %mul3A_554 : vector<72x128xf32>
    %add3A_556 = arith.addf %add3A_543, %sub3A_555 : vector<72x128xf32>
    %get3A_557 = arith.constant 792 : index
    %get3A_558 = arith.constant 0 : index
    %get3A_559 = vector.load %arg1[%get3A_557, %get3A_558] : memref<2304x128xf32, #tpu.memory_space<vmem>>, vector<72x128xf32>
    %mul3A_560 = arith.constant 2.44140625E-4 : f32
    %mul3A_561 = vector.broadcast %mul3A_560 : f32 to vector<72x128xf32>
    %mul3A_562 = arith.mulf %get3A_559, %mul3A_561 : vector<72x128xf32>
    %floor3A_563 = math.floor %mul3A_562 : vector<72x128xf32>
    %add3A_564 = arith.addf %add3A_551, %floor3A_563 : vector<72x128xf32>
    %mul3A_565 = arith.constant 4.096000e+03 : f32
    %mul3A_566 = vector.broadcast %mul3A_565 : f32 to vector<72x128xf32>
    %mul3A_567 = arith.mulf %mul3A_566, %floor3A_563 : vector<72x128xf32>
    %sub3A_568 = arith.subf %get3A_559, %mul3A_567 : vector<72x128xf32>
    %add3A_569 = arith.addf %add3A_556, %sub3A_568 : vector<72x128xf32>
    %get3A_570 = arith.constant 864 : index
    %get3A_571 = arith.constant 0 : index
    %get3A_572 = vector.load %arg1[%get3A_570, %get3A_571] : memref<2304x128xf32, #tpu.memory_space<vmem>>, vector<72x128xf32>
    %mul3A_573 = arith.constant 2.44140625E-4 : f32
    %mul3A_574 = vector.broadcast %mul3A_573 : f32 to vector<72x128xf32>
    %mul3A_575 = arith.mulf %get3A_572, %mul3A_574 : vector<72x128xf32>
    %floor3A_576 = math.floor %mul3A_575 : vector<72x128xf32>
    %add3A_577 = arith.addf %add3A_564, %floor3A_576 : vector<72x128xf32>
    %mul3A_578 = arith.constant 4.096000e+03 : f32
    %mul3A_579 = vector.broadcast %mul3A_578 : f32 to vector<72x128xf32>
    %mul3A_580 = arith.mulf %mul3A_579, %floor3A_576 : vector<72x128xf32>
    %sub3A_581 = arith.subf %get3A_572, %mul3A_580 : vector<72x128xf32>
    %add3A_582 = arith.addf %add3A_569, %sub3A_581 : vector<72x128xf32>
    %get3A_583 = arith.constant 936 : index
    %get3A_584 = arith.constant 0 : index
    %get3A_585 = vector.load %arg1[%get3A_583, %get3A_584] : memref<2304x128xf32, #tpu.memory_space<vmem>>, vector<72x128xf32>
    %mul3A_586 = arith.constant 2.44140625E-4 : f32
    %mul3A_587 = vector.broadcast %mul3A_586 : f32 to vector<72x128xf32>
    %mul3A_588 = arith.mulf %get3A_585, %mul3A_587 : vector<72x128xf32>
    %floor3A_589 = math.floor %mul3A_588 : vector<72x128xf32>
    %add3A_590 = arith.addf %add3A_577, %floor3A_589 : vector<72x128xf32>
    %mul3A_591 = arith.constant 4.096000e+03 : f32
    %mul3A_592 = vector.broadcast %mul3A_591 : f32 to vector<72x128xf32>
    %mul3A_593 = arith.mulf %mul3A_592, %floor3A_589 : vector<72x128xf32>
    %sub3A_594 = arith.subf %get3A_585, %mul3A_593 : vector<72x128xf32>
    %add3A_595 = arith.addf %add3A_582, %sub3A_594 : vector<72x128xf32>
    %get3A_596 = arith.constant 1008 : index
    %get3A_597 = arith.constant 0 : index
    %get3A_598 = vector.load %arg1[%get3A_596, %get3A_597] : memref<2304x128xf32, #tpu.memory_space<vmem>>, vector<72x128xf32>
    %mul3A_599 = arith.constant 2.44140625E-4 : f32
    %mul3A_600 = vector.broadcast %mul3A_599 : f32 to vector<72x128xf32>
    %mul3A_601 = arith.mulf %get3A_598, %mul3A_600 : vector<72x128xf32>
    %floor3A_602 = math.floor %mul3A_601 : vector<72x128xf32>
    %add3A_603 = arith.addf %add3A_590, %floor3A_602 : vector<72x128xf32>
    %mul3A_604 = arith.constant 4.096000e+03 : f32
    %mul3A_605 = vector.broadcast %mul3A_604 : f32 to vector<72x128xf32>
    %mul3A_606 = arith.mulf %mul3A_605, %floor3A_602 : vector<72x128xf32>
    %sub3A_607 = arith.subf %get3A_598, %mul3A_606 : vector<72x128xf32>
    %add3A_608 = arith.addf %add3A_595, %sub3A_607 : vector<72x128xf32>
    %get3A_609 = arith.constant 1080 : index
    %get3A_610 = arith.constant 0 : index
    %get3A_611 = vector.load %arg1[%get3A_609, %get3A_610] : memref<2304x128xf32, #tpu.memory_space<vmem>>, vector<72x128xf32>
    %mul3A_612 = arith.constant 2.44140625E-4 : f32
    %mul3A_613 = vector.broadcast %mul3A_612 : f32 to vector<72x128xf32>
    %mul3A_614 = arith.mulf %get3A_611, %mul3A_613 : vector<72x128xf32>
    %floor3A_615 = math.floor %mul3A_614 : vector<72x128xf32>
    %add3A_616 = arith.addf %add3A_603, %floor3A_615 : vector<72x128xf32>
    %mul3A_617 = arith.constant 4.096000e+03 : f32
    %mul3A_618 = vector.broadcast %mul3A_617 : f32 to vector<72x128xf32>
    %mul3A_619 = arith.mulf %mul3A_618, %floor3A_615 : vector<72x128xf32>
    %sub3A_620 = arith.subf %get3A_611, %mul3A_619 : vector<72x128xf32>
    %add3A_621 = arith.addf %add3A_608, %sub3A_620 : vector<72x128xf32>
    %get3A_622 = arith.constant 1152 : index
    %get3A_623 = arith.constant 0 : index
    %get3A_624 = vector.load %arg1[%get3A_622, %get3A_623] : memref<2304x128xf32, #tpu.memory_space<vmem>>, vector<72x128xf32>
    %mul3A_625 = arith.constant 2.44140625E-4 : f32
    %mul3A_626 = vector.broadcast %mul3A_625 : f32 to vector<72x128xf32>
    %mul3A_627 = arith.mulf %get3A_624, %mul3A_626 : vector<72x128xf32>
    %floor3A_628 = math.floor %mul3A_627 : vector<72x128xf32>
    %add3A_629 = arith.addf %add3A_616, %floor3A_628 : vector<72x128xf32>
    %mul3A_630 = arith.constant 4.096000e+03 : f32
    %mul3A_631 = vector.broadcast %mul3A_630 : f32 to vector<72x128xf32>
    %mul3A_632 = arith.mulf %mul3A_631, %floor3A_628 : vector<72x128xf32>
    %sub3A_633 = arith.subf %get3A_624, %mul3A_632 : vector<72x128xf32>
    %add3A_634 = arith.addf %add3A_621, %sub3A_633 : vector<72x128xf32>
    %get3A_635 = arith.constant 1224 : index
    %get3A_636 = arith.constant 0 : index
    %get3A_637 = vector.load %arg1[%get3A_635, %get3A_636] : memref<2304x128xf32, #tpu.memory_space<vmem>>, vector<72x128xf32>
    %mul3A_638 = arith.constant 2.44140625E-4 : f32
    %mul3A_639 = vector.broadcast %mul3A_638 : f32 to vector<72x128xf32>
    %mul3A_640 = arith.mulf %get3A_637, %mul3A_639 : vector<72x128xf32>
    %floor3A_641 = math.floor %mul3A_640 : vector<72x128xf32>
    %add3A_642 = arith.addf %add3A_629, %floor3A_641 : vector<72x128xf32>
    %mul3A_643 = arith.constant 4.096000e+03 : f32
    %mul3A_644 = vector.broadcast %mul3A_643 : f32 to vector<72x128xf32>
    %mul3A_645 = arith.mulf %mul3A_644, %floor3A_641 : vector<72x128xf32>
    %sub3A_646 = arith.subf %get3A_637, %mul3A_645 : vector<72x128xf32>
    %add3A_647 = arith.addf %add3A_634, %sub3A_646 : vector<72x128xf32>
    %get3A_648 = arith.constant 1296 : index
    %get3A_649 = arith.constant 0 : index
    %get3A_650 = vector.load %arg1[%get3A_648, %get3A_649] : memref<2304x128xf32, #tpu.memory_space<vmem>>, vector<72x128xf32>
    %mul3A_651 = arith.constant 2.44140625E-4 : f32
    %mul3A_652 = vector.broadcast %mul3A_651 : f32 to vector<72x128xf32>
    %mul3A_653 = arith.mulf %get3A_650, %mul3A_652 : vector<72x128xf32>
    %floor3A_654 = math.floor %mul3A_653 : vector<72x128xf32>
    %add3A_655 = arith.addf %add3A_642, %floor3A_654 : vector<72x128xf32>
    %mul3A_656 = arith.constant 4.096000e+03 : f32
    %mul3A_657 = vector.broadcast %mul3A_656 : f32 to vector<72x128xf32>
    %mul3A_658 = arith.mulf %mul3A_657, %floor3A_654 : vector<72x128xf32>
    %sub3A_659 = arith.subf %get3A_650, %mul3A_658 : vector<72x128xf32>
    %add3A_660 = arith.addf %add3A_647, %sub3A_659 : vector<72x128xf32>
    %get3A_661 = arith.constant 1368 : index
    %get3A_662 = arith.constant 0 : index
    %get3A_663 = vector.load %arg1[%get3A_661, %get3A_662] : memref<2304x128xf32, #tpu.memory_space<vmem>>, vector<72x128xf32>
    %mul3A_664 = arith.constant 2.44140625E-4 : f32
    %mul3A_665 = vector.broadcast %mul3A_664 : f32 to vector<72x128xf32>
    %mul3A_666 = arith.mulf %get3A_663, %mul3A_665 : vector<72x128xf32>
    %floor3A_667 = math.floor %mul3A_666 : vector<72x128xf32>
    %add3A_668 = arith.addf %add3A_655, %floor3A_667 : vector<72x128xf32>
    %mul3A_669 = arith.constant 4.096000e+03 : f32
    %mul3A_670 = vector.broadcast %mul3A_669 : f32 to vector<72x128xf32>
    %mul3A_671 = arith.mulf %mul3A_670, %floor3A_667 : vector<72x128xf32>
    %sub3A_672 = arith.subf %get3A_663, %mul3A_671 : vector<72x128xf32>
    %add3A_673 = arith.addf %add3A_660, %sub3A_672 : vector<72x128xf32>
    %get3A_674 = arith.constant 1440 : index
    %get3A_675 = arith.constant 0 : index
    %get3A_676 = vector.load %arg1[%get3A_674, %get3A_675] : memref<2304x128xf32, #tpu.memory_space<vmem>>, vector<72x128xf32>
    %mul3A_677 = arith.constant 2.44140625E-4 : f32
    %mul3A_678 = vector.broadcast %mul3A_677 : f32 to vector<72x128xf32>
    %mul3A_679 = arith.mulf %get3A_676, %mul3A_678 : vector<72x128xf32>
    %floor3A_680 = math.floor %mul3A_679 : vector<72x128xf32>
    %add3A_681 = arith.addf %add3A_668, %floor3A_680 : vector<72x128xf32>
    %mul3A_682 = arith.constant 4.096000e+03 : f32
    %mul3A_683 = vector.broadcast %mul3A_682 : f32 to vector<72x128xf32>
    %mul3A_684 = arith.mulf %mul3A_683, %floor3A_680 : vector<72x128xf32>
    %sub3A_685 = arith.subf %get3A_676, %mul3A_684 : vector<72x128xf32>
    %add3A_686 = arith.addf %add3A_673, %sub3A_685 : vector<72x128xf32>
    %get3A_687 = arith.constant 1512 : index
    %get3A_688 = arith.constant 0 : index
    %get3A_689 = vector.load %arg1[%get3A_687, %get3A_688] : memref<2304x128xf32, #tpu.memory_space<vmem>>, vector<72x128xf32>
    %mul3A_690 = arith.constant 2.44140625E-4 : f32
    %mul3A_691 = vector.broadcast %mul3A_690 : f32 to vector<72x128xf32>
    %mul3A_692 = arith.mulf %get3A_689, %mul3A_691 : vector<72x128xf32>
    %floor3A_693 = math.floor %mul3A_692 : vector<72x128xf32>
    %add3A_694 = arith.addf %add3A_681, %floor3A_693 : vector<72x128xf32>
    %mul3A_695 = arith.constant 4.096000e+03 : f32
    %mul3A_696 = vector.broadcast %mul3A_695 : f32 to vector<72x128xf32>
    %mul3A_697 = arith.mulf %mul3A_696, %floor3A_693 : vector<72x128xf32>
    %sub3A_698 = arith.subf %get3A_689, %mul3A_697 : vector<72x128xf32>
    %add3A_699 = arith.addf %add3A_686, %sub3A_698 : vector<72x128xf32>
    %get3A_700 = arith.constant 1584 : index
    %get3A_701 = arith.constant 0 : index
    %get3A_702 = vector.load %arg1[%get3A_700, %get3A_701] : memref<2304x128xf32, #tpu.memory_space<vmem>>, vector<72x128xf32>
    %mul3A_703 = arith.constant 2.44140625E-4 : f32
    %mul3A_704 = vector.broadcast %mul3A_703 : f32 to vector<72x128xf32>
    %mul3A_705 = arith.mulf %get3A_702, %mul3A_704 : vector<72x128xf32>
    %floor3A_706 = math.floor %mul3A_705 : vector<72x128xf32>
    %add3A_707 = arith.addf %add3A_694, %floor3A_706 : vector<72x128xf32>
    %mul3A_708 = arith.constant 4.096000e+03 : f32
    %mul3A_709 = vector.broadcast %mul3A_708 : f32 to vector<72x128xf32>
    %mul3A_710 = arith.mulf %mul3A_709, %floor3A_706 : vector<72x128xf32>
    %sub3A_711 = arith.subf %get3A_702, %mul3A_710 : vector<72x128xf32>
    %add3A_712 = arith.addf %add3A_699, %sub3A_711 : vector<72x128xf32>
    %get3A_713 = arith.constant 1656 : index
    %get3A_714 = arith.constant 0 : index
    %get3A_715 = vector.load %arg1[%get3A_713, %get3A_714] : memref<2304x128xf32, #tpu.memory_space<vmem>>, vector<72x128xf32>
    %mul3A_716 = arith.constant 2.44140625E-4 : f32
    %mul3A_717 = vector.broadcast %mul3A_716 : f32 to vector<72x128xf32>
    %mul3A_718 = arith.mulf %get3A_715, %mul3A_717 : vector<72x128xf32>
    %floor3A_719 = math.floor %mul3A_718 : vector<72x128xf32>
    %add3A_720 = arith.addf %add3A_707, %floor3A_719 : vector<72x128xf32>
    %mul3A_721 = arith.constant 4.096000e+03 : f32
    %mul3A_722 = vector.broadcast %mul3A_721 : f32 to vector<72x128xf32>
    %mul3A_723 = arith.mulf %mul3A_722, %floor3A_719 : vector<72x128xf32>
    %sub3A_724 = arith.subf %get3A_715, %mul3A_723 : vector<72x128xf32>
    %add3A_725 = arith.addf %add3A_712, %sub3A_724 : vector<72x128xf32>
    %get3A_726 = arith.constant 1728 : index
    %get3A_727 = arith.constant 0 : index
    %get3A_728 = vector.load %arg1[%get3A_726, %get3A_727] : memref<2304x128xf32, #tpu.memory_space<vmem>>, vector<72x128xf32>
    %mul3A_729 = arith.constant 2.44140625E-4 : f32
    %mul3A_730 = vector.broadcast %mul3A_729 : f32 to vector<72x128xf32>
    %mul3A_731 = arith.mulf %get3A_728, %mul3A_730 : vector<72x128xf32>
    %floor3A_732 = math.floor %mul3A_731 : vector<72x128xf32>
    %add3A_733 = arith.addf %add3A_720, %floor3A_732 : vector<72x128xf32>
    %mul3A_734 = arith.constant 4.096000e+03 : f32
    %mul3A_735 = vector.broadcast %mul3A_734 : f32 to vector<72x128xf32>
    %mul3A_736 = arith.mulf %mul3A_735, %floor3A_732 : vector<72x128xf32>
    %sub3A_737 = arith.subf %get3A_728, %mul3A_736 : vector<72x128xf32>
    %add3A_738 = arith.addf %add3A_725, %sub3A_737 : vector<72x128xf32>
    %get3A_739 = arith.constant 1800 : index
    %get3A_740 = arith.constant 0 : index
    %get3A_741 = vector.load %arg1[%get3A_739, %get3A_740] : memref<2304x128xf32, #tpu.memory_space<vmem>>, vector<72x128xf32>
    %mul3A_742 = arith.constant 2.44140625E-4 : f32
    %mul3A_743 = vector.broadcast %mul3A_742 : f32 to vector<72x128xf32>
    %mul3A_744 = arith.mulf %get3A_741, %mul3A_743 : vector<72x128xf32>
    %floor3A_745 = math.floor %mul3A_744 : vector<72x128xf32>
    %add3A_746 = arith.addf %add3A_733, %floor3A_745 : vector<72x128xf32>
    %mul3A_747 = arith.constant 4.096000e+03 : f32
    %mul3A_748 = vector.broadcast %mul3A_747 : f32 to vector<72x128xf32>
    %mul3A_749 = arith.mulf %mul3A_748, %floor3A_745 : vector<72x128xf32>
    %sub3A_750 = arith.subf %get3A_741, %mul3A_749 : vector<72x128xf32>
    %add3A_751 = arith.addf %add3A_738, %sub3A_750 : vector<72x128xf32>
    %get3A_752 = arith.constant 1872 : index
    %get3A_753 = arith.constant 0 : index
    %get3A_754 = vector.load %arg1[%get3A_752, %get3A_753] : memref<2304x128xf32, #tpu.memory_space<vmem>>, vector<72x128xf32>
    %mul3A_755 = arith.constant 2.44140625E-4 : f32
    %mul3A_756 = vector.broadcast %mul3A_755 : f32 to vector<72x128xf32>
    %mul3A_757 = arith.mulf %get3A_754, %mul3A_756 : vector<72x128xf32>
    %floor3A_758 = math.floor %mul3A_757 : vector<72x128xf32>
    %add3A_759 = arith.addf %add3A_746, %floor3A_758 : vector<72x128xf32>
    %mul3A_760 = arith.constant 4.096000e+03 : f32
    %mul3A_761 = vector.broadcast %mul3A_760 : f32 to vector<72x128xf32>
    %mul3A_762 = arith.mulf %mul3A_761, %floor3A_758 : vector<72x128xf32>
    %sub3A_763 = arith.subf %get3A_754, %mul3A_762 : vector<72x128xf32>
    %add3A_764 = arith.addf %add3A_751, %sub3A_763 : vector<72x128xf32>
    %get3A_765 = arith.constant 1944 : index
    %get3A_766 = arith.constant 0 : index
    %get3A_767 = vector.load %arg1[%get3A_765, %get3A_766] : memref<2304x128xf32, #tpu.memory_space<vmem>>, vector<72x128xf32>
    %mul3A_768 = arith.constant 2.44140625E-4 : f32
    %mul3A_769 = vector.broadcast %mul3A_768 : f32 to vector<72x128xf32>
    %mul3A_770 = arith.mulf %get3A_767, %mul3A_769 : vector<72x128xf32>
    %floor3A_771 = math.floor %mul3A_770 : vector<72x128xf32>
    %add3A_772 = arith.addf %add3A_759, %floor3A_771 : vector<72x128xf32>
    %mul3A_773 = arith.constant 4.096000e+03 : f32
    %mul3A_774 = vector.broadcast %mul3A_773 : f32 to vector<72x128xf32>
    %mul3A_775 = arith.mulf %mul3A_774, %floor3A_771 : vector<72x128xf32>
    %sub3A_776 = arith.subf %get3A_767, %mul3A_775 : vector<72x128xf32>
    %add3A_777 = arith.addf %add3A_764, %sub3A_776 : vector<72x128xf32>
    %get3A_778 = arith.constant 2016 : index
    %get3A_779 = arith.constant 0 : index
    %get3A_780 = vector.load %arg1[%get3A_778, %get3A_779] : memref<2304x128xf32, #tpu.memory_space<vmem>>, vector<72x128xf32>
    %mul3A_781 = arith.constant 2.44140625E-4 : f32
    %mul3A_782 = vector.broadcast %mul3A_781 : f32 to vector<72x128xf32>
    %mul3A_783 = arith.mulf %get3A_780, %mul3A_782 : vector<72x128xf32>
    %floor3A_784 = math.floor %mul3A_783 : vector<72x128xf32>
    %add3A_785 = arith.addf %add3A_772, %floor3A_784 : vector<72x128xf32>
    %mul3A_786 = arith.constant 4.096000e+03 : f32
    %mul3A_787 = vector.broadcast %mul3A_786 : f32 to vector<72x128xf32>
    %mul3A_788 = arith.mulf %mul3A_787, %floor3A_784 : vector<72x128xf32>
    %sub3A_789 = arith.subf %get3A_780, %mul3A_788 : vector<72x128xf32>
    %add3A_790 = arith.addf %add3A_777, %sub3A_789 : vector<72x128xf32>
    %get3A_791 = arith.constant 2088 : index
    %get3A_792 = arith.constant 0 : index
    %get3A_793 = vector.load %arg1[%get3A_791, %get3A_792] : memref<2304x128xf32, #tpu.memory_space<vmem>>, vector<72x128xf32>
    %mul3A_794 = arith.constant 2.44140625E-4 : f32
    %mul3A_795 = vector.broadcast %mul3A_794 : f32 to vector<72x128xf32>
    %mul3A_796 = arith.mulf %get3A_793, %mul3A_795 : vector<72x128xf32>
    %floor3A_797 = math.floor %mul3A_796 : vector<72x128xf32>
    %add3A_798 = arith.addf %add3A_785, %floor3A_797 : vector<72x128xf32>
    %mul3A_799 = arith.constant 4.096000e+03 : f32
    %mul3A_800 = vector.broadcast %mul3A_799 : f32 to vector<72x128xf32>
    %mul3A_801 = arith.mulf %mul3A_800, %floor3A_797 : vector<72x128xf32>
    %sub3A_802 = arith.subf %get3A_793, %mul3A_801 : vector<72x128xf32>
    %add3A_803 = arith.addf %add3A_790, %sub3A_802 : vector<72x128xf32>
    %get3A_804 = arith.constant 2160 : index
    %get3A_805 = arith.constant 0 : index
    %get3A_806 = vector.load %arg1[%get3A_804, %get3A_805] : memref<2304x128xf32, #tpu.memory_space<vmem>>, vector<72x128xf32>
    %mul3A_807 = arith.constant 2.44140625E-4 : f32
    %mul3A_808 = vector.broadcast %mul3A_807 : f32 to vector<72x128xf32>
    %mul3A_809 = arith.mulf %get3A_806, %mul3A_808 : vector<72x128xf32>
    %floor3A_810 = math.floor %mul3A_809 : vector<72x128xf32>
    %add3A_811 = arith.addf %add3A_798, %floor3A_810 : vector<72x128xf32>
    %mul3A_812 = arith.constant 4.096000e+03 : f32
    %mul3A_813 = vector.broadcast %mul3A_812 : f32 to vector<72x128xf32>
    %mul3A_814 = arith.mulf %mul3A_813, %floor3A_810 : vector<72x128xf32>
    %sub3A_815 = arith.subf %get3A_806, %mul3A_814 : vector<72x128xf32>
    %add3A_816 = arith.addf %add3A_803, %sub3A_815 : vector<72x128xf32>
    %get3A_817 = arith.constant 2232 : index
    %get3A_818 = arith.constant 0 : index
    %get3A_819 = vector.load %arg1[%get3A_817, %get3A_818] : memref<2304x128xf32, #tpu.memory_space<vmem>>, vector<72x128xf32>
    %mul3A_820 = arith.constant 2.44140625E-4 : f32
    %mul3A_821 = vector.broadcast %mul3A_820 : f32 to vector<72x128xf32>
    %mul3A_822 = arith.mulf %get3A_819, %mul3A_821 : vector<72x128xf32>
    %floor3A_823 = math.floor %mul3A_822 : vector<72x128xf32>
    %add3A_824 = arith.addf %add3A_811, %floor3A_823 : vector<72x128xf32>
    %mul3A_825 = arith.constant 4.096000e+03 : f32
    %mul3A_826 = vector.broadcast %mul3A_825 : f32 to vector<72x128xf32>
    %mul3A_827 = arith.mulf %mul3A_826, %floor3A_823 : vector<72x128xf32>
    %sub3A_828 = arith.subf %get3A_819, %mul3A_827 : vector<72x128xf32>
    %add3A_829 = arith.addf %add3A_816, %sub3A_828 : vector<72x128xf32>
    %iota3A = tpu.iota {dimensions = array<i32: 1>} : vector<72x128xi32>
    %iota3A_830 = tpu.iota {dimensions = array<i32: 0>} : vector<72x128xi32>
    %mul3A_831 = arith.constant 128 : i32
    %mul3A_832 = vector.broadcast %mul3A_831 : i32 to vector<72x128xi32>
    %mul3A_833 = arith.muli %iota3A_830, %mul3A_832 : vector<72x128xi32>
    %add3A_834 = arith.addi %mul3A_833, %iota3A : vector<72x128xi32>
    %lt3A = arith.constant 8192 : i32
    %lt3A_835 = vector.broadcast %lt3A : i32 to vector<72x128xi32>
    %lt3A_836 = arith.cmpi slt, %add3A_834, %lt3A_835 : vector<72x128xi32>
    %jit3A = arith.constant 0.000000e+00 : f32
    %broadcast_in_dim3A_837 = vector.broadcast %jit3A : f32 to vector<72x128xf32>
    %select_n3A = arith.select %lt3A_836, %add3A_824, %broadcast_in_dim3A_837 : vector<72x128xi1>, vector<72x128xf32>
    %jit3A_838 = arith.constant 0.000000e+00 : f32
    %broadcast_in_dim3A_839 = vector.broadcast %jit3A_838 : f32 to vector<72x128xf32>
    %select_n3A_840 = arith.select %lt3A_836, %add3A_829, %broadcast_in_dim3A_839 : vector<72x128xi1>, vector<72x128xf32>
    %ge3A = arith.constant 1 : i32
    %ge3A_841 = vector.broadcast %ge3A : i32 to vector<72x128xi32>
    %ge3A_842 = arith.cmpi sge, %iota3A, %ge3A_841 : vector<72x128xi32>
    %roll3A = arith.constant 1 : i32
    %roll3A_843 = tpu.dynamic_rotate %select_n3A by %roll3A dim 1 : vector<72x128xf32>, i32 -> vector<72x128xf32>
    %jit3A_844 = arith.constant 0.000000e+00 : f32
    %broadcast_in_dim3A_845 = vector.broadcast %jit3A_844 : f32 to vector<72x128xf32>
    %select_n3A_846 = arith.select %ge3A_842, %roll3A_843, %broadcast_in_dim3A_845 : vector<72x128xi1>, vector<72x128xf32>
    %add3A_847 = arith.addf %select_n3A, %select_n3A_846 : vector<72x128xf32>
    %ge3A_848 = arith.constant 2 : i32
    %ge3A_849 = vector.broadcast %ge3A_848 : i32 to vector<72x128xi32>
    %ge3A_850 = arith.cmpi sge, %iota3A, %ge3A_849 : vector<72x128xi32>
    %roll3A_851 = arith.constant 2 : i32
    %roll3A_852 = tpu.dynamic_rotate %add3A_847 by %roll3A_851 dim 1 : vector<72x128xf32>, i32 -> vector<72x128xf32>
    %jit3A_853 = arith.constant 0.000000e+00 : f32
    %broadcast_in_dim3A_854 = vector.broadcast %jit3A_853 : f32 to vector<72x128xf32>
    %select_n3A_855 = arith.select %ge3A_850, %roll3A_852, %broadcast_in_dim3A_854 : vector<72x128xi1>, vector<72x128xf32>
    %add3A_856 = arith.addf %add3A_847, %select_n3A_855 : vector<72x128xf32>
    %ge3A_857 = arith.constant 4 : i32
    %ge3A_858 = vector.broadcast %ge3A_857 : i32 to vector<72x128xi32>
    %ge3A_859 = arith.cmpi sge, %iota3A, %ge3A_858 : vector<72x128xi32>
    %roll3A_860 = arith.constant 4 : i32
    %roll3A_861 = tpu.dynamic_rotate %add3A_856 by %roll3A_860 dim 1 : vector<72x128xf32>, i32 -> vector<72x128xf32>
    %jit3A_862 = arith.constant 0.000000e+00 : f32
    %broadcast_in_dim3A_863 = vector.broadcast %jit3A_862 : f32 to vector<72x128xf32>
    %select_n3A_864 = arith.select %ge3A_859, %roll3A_861, %broadcast_in_dim3A_863 : vector<72x128xi1>, vector<72x128xf32>
    %add3A_865 = arith.addf %add3A_856, %select_n3A_864 : vector<72x128xf32>
    %ge3A_866 = arith.constant 8 : i32
    %ge3A_867 = vector.broadcast %ge3A_866 : i32 to vector<72x128xi32>
    %ge3A_868 = arith.cmpi sge, %iota3A, %ge3A_867 : vector<72x128xi32>
    %roll3A_869 = arith.constant 8 : i32
    %roll3A_870 = tpu.dynamic_rotate %add3A_865 by %roll3A_869 dim 1 : vector<72x128xf32>, i32 -> vector<72x128xf32>
    %jit3A_871 = arith.constant 0.000000e+00 : f32
    %broadcast_in_dim3A_872 = vector.broadcast %jit3A_871 : f32 to vector<72x128xf32>
    %select_n3A_873 = arith.select %ge3A_868, %roll3A_870, %broadcast_in_dim3A_872 : vector<72x128xi1>, vector<72x128xf32>
    %add3A_874 = arith.addf %add3A_865, %select_n3A_873 : vector<72x128xf32>
    %ge3A_875 = arith.constant 16 : i32
    %ge3A_876 = vector.broadcast %ge3A_875 : i32 to vector<72x128xi32>
    %ge3A_877 = arith.cmpi sge, %iota3A, %ge3A_876 : vector<72x128xi32>
    %roll3A_878 = arith.constant 16 : i32
    %roll3A_879 = tpu.dynamic_rotate %add3A_874 by %roll3A_878 dim 1 : vector<72x128xf32>, i32 -> vector<72x128xf32>
    %jit3A_880 = arith.constant 0.000000e+00 : f32
    %broadcast_in_dim3A_881 = vector.broadcast %jit3A_880 : f32 to vector<72x128xf32>
    %select_n3A_882 = arith.select %ge3A_877, %roll3A_879, %broadcast_in_dim3A_881 : vector<72x128xi1>, vector<72x128xf32>
    %add3A_883 = arith.addf %add3A_874, %select_n3A_882 : vector<72x128xf32>
    %ge3A_884 = arith.constant 32 : i32
    %ge3A_885 = vector.broadcast %ge3A_884 : i32 to vector<72x128xi32>
    %ge3A_886 = arith.cmpi sge, %iota3A, %ge3A_885 : vector<72x128xi32>
    %roll3A_887 = arith.constant 32 : i32
    %roll3A_888 = tpu.dynamic_rotate %add3A_883 by %roll3A_887 dim 1 : vector<72x128xf32>, i32 -> vector<72x128xf32>
    %jit3A_889 = arith.constant 0.000000e+00 : f32
    %broadcast_in_dim3A_890 = vector.broadcast %jit3A_889 : f32 to vector<72x128xf32>
    %select_n3A_891 = arith.select %ge3A_886, %roll3A_888, %broadcast_in_dim3A_890 : vector<72x128xi1>, vector<72x128xf32>
    %add3A_892 = arith.addf %add3A_883, %select_n3A_891 : vector<72x128xf32>
    %ge3A_893 = arith.constant 64 : i32
    %ge3A_894 = vector.broadcast %ge3A_893 : i32 to vector<72x128xi32>
    %ge3A_895 = arith.cmpi sge, %iota3A, %ge3A_894 : vector<72x128xi32>
    %roll3A_896 = arith.constant 64 : i32
    %roll3A_897 = tpu.dynamic_rotate %add3A_892 by %roll3A_896 dim 1 : vector<72x128xf32>, i32 -> vector<72x128xf32>
    %jit3A_898 = arith.constant 0.000000e+00 : f32
    %broadcast_in_dim3A_899 = vector.broadcast %jit3A_898 : f32 to vector<72x128xf32>
    %select_n3A_900 = arith.select %ge3A_895, %roll3A_897, %broadcast_in_dim3A_899 : vector<72x128xi1>, vector<72x128xf32>
    %add3A_901 = arith.addf %add3A_892, %select_n3A_900 : vector<72x128xf32>
    %slice3A = vector.extract_strided_slice %add3A_901 {offsets = [0, 127], sizes = [72, 1], strides = [1, 1]} : vector<72x128xf32> to vector<72x1xf32>
    %broadcast_in_dim3A_902 = vector.shape_cast %slice3A : vector<72x1xf32> to vector<72x1xf32>
    %broadcast_in_dim3A_903 = vector.broadcast %broadcast_in_dim3A_902 : vector<72x1xf32> to vector<72x128xf32>
    %ge3A_904 = arith.constant 1 : i32
    %ge3A_905 = vector.broadcast %ge3A_904 : i32 to vector<72x128xi32>
    %ge3A_906 = arith.cmpi sge, %iota3A_830, %ge3A_905 : vector<72x128xi32>
    %roll3A_907 = arith.constant 1 : i32
    %roll3A_908 = tpu.dynamic_rotate %broadcast_in_dim3A_903 by %roll3A_907 dim 0 : vector<72x128xf32>, i32 -> vector<72x128xf32>
    %jit3A_909 = arith.constant 0.000000e+00 : f32
    %broadcast_in_dim3A_910 = vector.broadcast %jit3A_909 : f32 to vector<72x128xf32>
    %select_n3A_911 = arith.select %ge3A_906, %roll3A_908, %broadcast_in_dim3A_910 : vector<72x128xi1>, vector<72x128xf32>
    %add3A_912 = arith.addf %broadcast_in_dim3A_903, %select_n3A_911 : vector<72x128xf32>
    %ge3A_913 = arith.constant 2 : i32
    %ge3A_914 = vector.broadcast %ge3A_913 : i32 to vector<72x128xi32>
    %ge3A_915 = arith.cmpi sge, %iota3A_830, %ge3A_914 : vector<72x128xi32>
    %roll3A_916 = arith.constant 2 : i32
    %roll3A_917 = tpu.dynamic_rotate %add3A_912 by %roll3A_916 dim 0 : vector<72x128xf32>, i32 -> vector<72x128xf32>
    %jit3A_918 = arith.constant 0.000000e+00 : f32
    %broadcast_in_dim3A_919 = vector.broadcast %jit3A_918 : f32 to vector<72x128xf32>
    %select_n3A_920 = arith.select %ge3A_915, %roll3A_917, %broadcast_in_dim3A_919 : vector<72x128xi1>, vector<72x128xf32>
    %add3A_921 = arith.addf %add3A_912, %select_n3A_920 : vector<72x128xf32>
    %ge3A_922 = arith.constant 4 : i32
    %ge3A_923 = vector.broadcast %ge3A_922 : i32 to vector<72x128xi32>
    %ge3A_924 = arith.cmpi sge, %iota3A_830, %ge3A_923 : vector<72x128xi32>
    %roll3A_925 = arith.constant 4 : i32
    %roll3A_926 = tpu.dynamic_rotate %add3A_921 by %roll3A_925 dim 0 : vector<72x128xf32>, i32 -> vector<72x128xf32>
    %jit3A_927 = arith.constant 0.000000e+00 : f32
    %broadcast_in_dim3A_928 = vector.broadcast %jit3A_927 : f32 to vector<72x128xf32>
    %select_n3A_929 = arith.select %ge3A_924, %roll3A_926, %broadcast_in_dim3A_928 : vector<72x128xi1>, vector<72x128xf32>
    %add3A_930 = arith.addf %add3A_921, %select_n3A_929 : vector<72x128xf32>
    %ge3A_931 = arith.constant 8 : i32
    %ge3A_932 = vector.broadcast %ge3A_931 : i32 to vector<72x128xi32>
    %ge3A_933 = arith.cmpi sge, %iota3A_830, %ge3A_932 : vector<72x128xi32>
    %roll3A_934 = arith.constant 8 : i32
    %roll3A_935 = tpu.dynamic_rotate %add3A_930 by %roll3A_934 dim 0 : vector<72x128xf32>, i32 -> vector<72x128xf32>
    %jit3A_936 = arith.constant 0.000000e+00 : f32
    %broadcast_in_dim3A_937 = vector.broadcast %jit3A_936 : f32 to vector<72x128xf32>
    %select_n3A_938 = arith.select %ge3A_933, %roll3A_935, %broadcast_in_dim3A_937 : vector<72x128xi1>, vector<72x128xf32>
    %add3A_939 = arith.addf %add3A_930, %select_n3A_938 : vector<72x128xf32>
    %ge3A_940 = arith.constant 16 : i32
    %ge3A_941 = vector.broadcast %ge3A_940 : i32 to vector<72x128xi32>
    %ge3A_942 = arith.cmpi sge, %iota3A_830, %ge3A_941 : vector<72x128xi32>
    %roll3A_943 = arith.constant 16 : i32
    %roll3A_944 = tpu.dynamic_rotate %add3A_939 by %roll3A_943 dim 0 : vector<72x128xf32>, i32 -> vector<72x128xf32>
    %jit3A_945 = arith.constant 0.000000e+00 : f32
    %broadcast_in_dim3A_946 = vector.broadcast %jit3A_945 : f32 to vector<72x128xf32>
    %select_n3A_947 = arith.select %ge3A_942, %roll3A_944, %broadcast_in_dim3A_946 : vector<72x128xi1>, vector<72x128xf32>
    %add3A_948 = arith.addf %add3A_939, %select_n3A_947 : vector<72x128xf32>
    %ge3A_949 = arith.constant 32 : i32
    %ge3A_950 = vector.broadcast %ge3A_949 : i32 to vector<72x128xi32>
    %ge3A_951 = arith.cmpi sge, %iota3A_830, %ge3A_950 : vector<72x128xi32>
    %roll3A_952 = arith.constant 32 : i32
    %roll3A_953 = tpu.dynamic_rotate %add3A_948 by %roll3A_952 dim 0 : vector<72x128xf32>, i32 -> vector<72x128xf32>
    %jit3A_954 = arith.constant 0.000000e+00 : f32
    %broadcast_in_dim3A_955 = vector.broadcast %jit3A_954 : f32 to vector<72x128xf32>
    %select_n3A_956 = arith.select %ge3A_951, %roll3A_953, %broadcast_in_dim3A_955 : vector<72x128xi1>, vector<72x128xf32>
    %add3A_957 = arith.addf %add3A_948, %select_n3A_956 : vector<72x128xf32>
    %ge3A_958 = arith.constant 64 : i32
    %ge3A_959 = vector.broadcast %ge3A_958 : i32 to vector<72x128xi32>
    %ge3A_960 = arith.cmpi sge, %iota3A_830, %ge3A_959 : vector<72x128xi32>
    %roll3A_961 = arith.constant 64 : i32
    %roll3A_962 = tpu.dynamic_rotate %add3A_957 by %roll3A_961 dim 0 : vector<72x128xf32>, i32 -> vector<72x128xf32>
    %jit3A_963 = arith.constant 0.000000e+00 : f32
    %broadcast_in_dim3A_964 = vector.broadcast %jit3A_963 : f32 to vector<72x128xf32>
    %select_n3A_965 = arith.select %ge3A_960, %roll3A_962, %broadcast_in_dim3A_964 : vector<72x128xi1>, vector<72x128xf32>
    %add3A_966 = arith.addf %add3A_957, %select_n3A_965 : vector<72x128xf32>
    %sub3A_967 = arith.subf %add3A_966, %broadcast_in_dim3A_903 : vector<72x128xf32>
    %add3A_968 = arith.addf %add3A_901, %sub3A_967 : vector<72x128xf32>
    %sub3A_969 = arith.subf %add3A_968, %select_n3A : vector<72x128xf32>
    %reduce_sum3A = vector.shape_cast %select_n3A : vector<72x128xf32> to vector<1x72x128xf32>
    %reduce_sum3A_970 = arith.constant dense<0.000000e+00> : vector<1xf32>
    %reduce_sum3A_971 = vector.multi_reduction <add>, %reduce_sum3A, %reduce_sum3A_970 [1, 2] : vector<1x72x128xf32> to vector<1xf32>
    %reduce_sum3A_972 = vector.shape_cast %reduce_sum3A_971 : vector<1xf32> to vector<1x1x1xf32>
    %reduce_sum3A_973 = vector.extract %reduce_sum3A_972[0, 0, 0] : f32 from vector<1x1x1xf32>
    %min3A = arith.constant 2.097100e+04 : f32
    %min3A_974 = arith.minimumf %min3A, %reduce_sum3A_973 : f32
    %sub3A_975 = vector.broadcast %min3A_974 : f32 to vector<72x128xf32>
    %sub3A_976 = arith.subf %sub3A_975, %sub3A_969 : vector<72x128xf32>
    %jit3A_977 = arith.constant 0.000000e+00 : f32
    %max3A = vector.broadcast %jit3A_977 : f32 to vector<72x128xf32>
    %max3A_978 = arith.maximumf %max3A, %sub3A_976 : vector<72x128xf32>
    %min3A_979 = arith.minimumf %select_n3A, %max3A_978 : vector<72x128xf32>
    %mul3A_980 = arith.mulf %select_n3A_840, %min3A_979 : vector<72x128xf32>
    %max3A_981 = arith.constant 1.000000e+00 : f32
    %max3A_982 = vector.broadcast %max3A_981 : f32 to vector<72x128xf32>
    %max3A_983 = arith.maximumf %select_n3A, %max3A_982 : vector<72x128xf32>
    %div3A = arith.divf %mul3A_980, %max3A_983 : vector<72x128xf32>
    %reduce_sum3A_984 = vector.shape_cast %div3A : vector<72x128xf32> to vector<1x72x128xf32>
    %reduce_sum3A_985 = arith.constant dense<0.000000e+00> : vector<1xf32>
    %reduce_sum3A_986 = vector.multi_reduction <add>, %reduce_sum3A_984, %reduce_sum3A_985 [1, 2] : vector<1x72x128xf32> to vector<1xf32>
    %reduce_sum3A_987 = vector.shape_cast %reduce_sum3A_986 : vector<1xf32> to vector<1x1x1xf32>
    %reduce_sum3A_988 = vector.extract %reduce_sum3A_987[0, 0, 0] : f32 from vector<1x1x1xf32>
    %max3A_989 = arith.constant 1.000000e+00 : f32
    %max3A_990 = arith.maximumf %min3A_974, %max3A_989 : f32
    %div3A_991 = arith.divf %reduce_sum3A_988, %max3A_990 : f32
    %reshape3A = vector.broadcast %div3A_991 : f32 to vector<1x1xf32>
    %swap3A = arith.constant 0 : index
    %swap3A_992 = arith.constant 0 : index
    %swap3A_993 = vector.load %arg2[%swap3A, %swap3A_992] : memref<1x1xf32, #tpu.memory_space<vmem>>, vector<1x1xf32>
    tpu.vector_store %arg2[%swap3A, %swap3A_992], %reshape3A {strides = array<i32>} : memref<1x1xf32, #tpu.memory_space<vmem>>, vector<1x1xf32>,
    return
  }
}

module attributes {stable_mosaic.version = 14 : i64} {
  func.func @_elemwise_body(%arg0: i32, %arg1: memref<1x512x128xf32, #tpu.memory_space<vmem>>, %arg2: memref<1x512x128xf32, #tpu.memory_space<vmem>>, %arg3: memref<512x128xi32, #tpu.memory_space<vmem>>) attributes {dimension_semantics = [#tpu.dimension_semantics<arbitrary>], iteration_bounds = array<i64: 16>, scalar_prefetch = 0 : i64, scratch_operands = 0 : i64, tpu.core_type = #tpu.core_type<tc>, window_params = [{transform_indices = @transform_0, window_bounds = array<i64: 1, 512, 128>}, {transform_indices = @transform_1, window_bounds = array<i64: 1, 512, 128>}, {transform_indices = @transform_2, window_bounds = array<i64: 512, 128>}]} {
    %get3A = arith.constant 0 : index
    %get3A_0 = arith.constant 0 : index
    %get3A_1 = arith.constant 0 : index
    %get3A_2 = vector.load %arg1[%get3A, %get3A_0, %get3A_1] : memref<1x512x128xf32, #tpu.memory_space<vmem>>, vector<1x512x128xf32>
    %get3A_3 = vector.shape_cast %get3A_2 : vector<1x512x128xf32> to vector<512x128xf32>
    %get3A_4 = arith.constant 0 : index
    %get3A_5 = arith.constant 0 : index
    %get3A_6 = arith.constant 0 : index
    %get3A_7 = vector.load %arg2[%get3A_4, %get3A_5, %get3A_6] : memref<1x512x128xf32, #tpu.memory_space<vmem>>, vector<1x512x128xf32>
    %get3A_8 = vector.shape_cast %get3A_7 : vector<1x512x128xf32> to vector<512x128xf32>
    %abs3A = math.absf %get3A_3 : vector<512x128xf32>
    %mul3A = arith.constant 2.11068982E-4 : f32
    %mul3A_9 = vector.broadcast %mul3A : f32 to vector<512x128xf32>
    %mul3A_10 = arith.mulf %mul3A_9, %abs3A : vector<512x128xf32>
    %add3A = arith.constant 2.18875037E-4 : f32
    %add3A_11 = vector.broadcast %add3A : f32 to vector<512x128xf32>
    %add3A_12 = arith.addf %mul3A_10, %add3A_11 : vector<512x128xf32>
    %mul3A_13 = arith.mulf %add3A_12, %abs3A : vector<512x128xf32>
    %add3A_14 = arith.constant -0.00535885291 : f32
    %add3A_15 = vector.broadcast %add3A_14 : f32 to vector<512x128xf32>
    %add3A_16 = arith.addf %mul3A_13, %add3A_15 : vector<512x128xf32>
    %mul3A_17 = arith.mulf %add3A_16, %abs3A : vector<512x128xf32>
    %add3A_18 = arith.constant 5.17152184E-5 : f32
    %add3A_19 = vector.broadcast %add3A_18 : f32 to vector<512x128xf32>
    %add3A_20 = arith.addf %mul3A_17, %add3A_19 : vector<512x128xf32>
    %mul3A_21 = arith.mulf %add3A_20, %abs3A : vector<512x128xf32>
    %add3A_22 = arith.constant 0.12499138 : f32
    %add3A_23 = vector.broadcast %add3A_22 : f32 to vector<512x128xf32>
    %add3A_24 = arith.addf %mul3A_21, %add3A_23 : vector<512x128xf32>
    %mul3A_25 = arith.mulf %add3A_24, %abs3A : vector<512x128xf32>
    %add3A_26 = arith.constant -0.499999404 : f32
    %add3A_27 = vector.broadcast %add3A_26 : f32 to vector<512x128xf32>
    %add3A_28 = arith.addf %mul3A_25, %add3A_27 : vector<512x128xf32>
    %mul3A_29 = arith.mulf %add3A_28, %abs3A : vector<512x128xf32>
    %add3A_30 = arith.constant 0.693147182 : f32
    %add3A_31 = vector.broadcast %add3A_30 : f32 to vector<512x128xf32>
    %add3A_32 = arith.addf %mul3A_29, %add3A_31 : vector<512x128xf32>
    %max3A = arith.constant 0.000000e+00 : f32
    %max3A_33 = vector.broadcast %max3A : f32 to vector<512x128xf32>
    %max3A_34 = arith.maximumf %get3A_3, %max3A_33 : vector<512x128xf32>
    %mul3A_35 = arith.mulf %get3A_3, %get3A_8 : vector<512x128xf32>
    %sub3A = arith.subf %max3A_34, %mul3A_35 : vector<512x128xf32>
    %add3A_36 = arith.addf %sub3A, %add3A_32 : vector<512x128xf32>
    %lt3A = arith.constant 0.847297847 : f32
    %lt3A_37 = vector.broadcast %lt3A : f32 to vector<512x128xf32>
    %lt3A_38 = arith.cmpf olt, %abs3A, %lt3A_37 : vector<512x128xf32>
    %bitcast_convert_type3A = tpu.bitcast %abs3A : vector<512x128xf32> -> vector<512x128xi32>
    %shift_right_logical3A = arith.constant 17 : i32
    %shift_right_logical3A_39 = vector.broadcast %shift_right_logical3A : i32 to vector<512x128xi32>
    %shift_right_logical3A_40 = arith.shrui %bitcast_convert_type3A, %shift_right_logical3A_39 : vector<512x128xi32>
    %min3A = arith.constant 8191 : i32
    %min3A_41 = vector.broadcast %min3A : i32 to vector<512x128xi32>
    %min3A_42 = arith.minsi %shift_right_logical3A_40, %min3A_41 : vector<512x128xi32>
    %mul3A_43 = arith.constant 6.553600e+04 : f32
    %mul3A_44 = vector.broadcast %mul3A_43 : f32 to vector<512x128xf32>
    %mul3A_45 = arith.mulf %add3A_36, %mul3A_44 : vector<512x128xf32>
    %add3A_46 = arith.constant 5.000000e-01 : f32
    %add3A_47 = vector.broadcast %add3A_46 : f32 to vector<512x128xf32>
    %add3A_48 = arith.addf %mul3A_45, %add3A_47 : vector<512x128xf32>
    %convert_element_type3A = arith.fptosi %add3A_48 : vector<512x128xf32> to vector<512x128xi32>
    %jit3A = arith.constant 8192 : i32
    %broadcast_in_dim3A = vector.broadcast %jit3A : i32 to vector<512x128xi32>
    %select_n3A = arith.select %lt3A_38, %min3A_42, %broadcast_in_dim3A : vector<512x128xi1>, vector<512x128xi32>
    %shift_left3A = arith.constant 17 : i32
    %shift_left3A_49 = vector.broadcast %shift_left3A : i32 to vector<512x128xi32>
    %shift_left3A_50 = arith.shli %select_n3A, %shift_left3A_49 : vector<512x128xi32>
    %jit3A_51 = arith.constant 0 : i32
    %broadcast_in_dim3A_52 = vector.broadcast %jit3A_51 : i32 to vector<512x128xi32>
    %select_n3A_53 = arith.select %lt3A_38, %convert_element_type3A, %broadcast_in_dim3A_52 : vector<512x128xi1>, vector<512x128xi32>
    %or3A = arith.ori %shift_left3A_50, %select_n3A_53 : vector<512x128xi32>
    %swap3A = arith.constant 0 : index
    %swap3A_54 = arith.constant 0 : index
    %swap3A_55 = vector.load %arg3[%swap3A, %swap3A_54] : memref<512x128xi32, #tpu.memory_space<vmem>>, vector<512x128xi32>
    tpu.vector_store %arg3[%swap3A, %swap3A_54], %or3A {strides = array<i32>} : memref<512x128xi32, #tpu.memory_space<vmem>>, vector<512x128xi32>,
    return
  }
  func.func @transform_0(%arg0: i32) -> (i32, i32, i32) {
    %jit3A = arith.constant 4 : i32
    %div3A = arith.divsi %arg0, %jit3A : i32
    %sign3A = arith.constant 0 : i32
    %sign3A_0 = arith.cmpi sgt, %arg0, %sign3A : i32
    %sign3A_1 = arith.extui %sign3A_0 : i1 to i32
    %sign3A_2 = arith.constant 0 : i32
    %sign3A_3 = arith.cmpi slt, %arg0, %sign3A_2 : i32
    %sign3A_4 = arith.extui %sign3A_3 : i1 to i32
    %sign3A_5 = arith.subi %sign3A_1, %sign3A_4 : i32
    %sign3A_6 = arith.constant 0 : i32
    %sign3A_7 = arith.cmpi sgt, %jit3A, %sign3A_6 : i32
    %sign3A_8 = arith.extui %sign3A_7 : i1 to i32
    %sign3A_9 = arith.constant 0 : i32
    %sign3A_10 = arith.cmpi slt, %jit3A, %sign3A_9 : i32
    %sign3A_11 = arith.extui %sign3A_10 : i1 to i32
    %sign3A_12 = arith.subi %sign3A_8, %sign3A_11 : i32
    %ne3A = arith.cmpi ne, %sign3A_5, %sign3A_12 : i32
    %rem3A = arith.remsi %arg0, %jit3A : i32
    %ne3A_13 = arith.constant 0 : i32
    %ne3A_14 = arith.cmpi ne, %rem3A, %ne3A_13 : i32
    %and3A = arith.andi %ne3A, %ne3A_14 : i1
    %sub3A = arith.constant 1 : i32
    %sub3A_15 = arith.subi %div3A, %sub3A : i32
    %select_n3A = arith.select %and3A, %sub3A_15, %div3A : i32
    %add3A = arith.constant 0 : i32
    %add3A_16 = arith.addi %select_n3A, %add3A : i32
    %jit3A_17 = arith.constant 4 : i32
    %eq3A = arith.constant 0 : i32
    %eq3A_18 = arith.cmpi eq, %jit3A_17, %eq3A : i32
    %jit3A_19 = arith.constant 1 : i32
    %select_n3A_20 = arith.select %eq3A_18, %jit3A_19, %jit3A_17 : i32
    %rem3A_21 = arith.remsi %arg0, %select_n3A_20 : i32
    %ne3A_22 = arith.constant 0 : i32
    %ne3A_23 = arith.cmpi ne, %rem3A_21, %ne3A_22 : i32
    %lt3A = arith.constant 0 : i32
    %lt3A_24 = arith.cmpi slt, %rem3A_21, %lt3A : i32
    %lt3A_25 = arith.constant 0 : i32
    %lt3A_26 = arith.cmpi slt, %select_n3A_20, %lt3A_25 : i32
    %ne3A_27 = arith.xori %lt3A_24, %lt3A_26 : i1
    %and3A_28 = arith.andi %ne3A_27, %ne3A_23 : i1
    %add3A_29 = arith.addi %rem3A_21, %select_n3A_20 : i32
    %select_n3A_30 = arith.select %and3A_28, %add3A_29, %rem3A_21 : i32
    %c0_i32 = arith.constant 0 : i32
    %c0_i32_31 = arith.constant 0 : i32
    return %add3A_16, %c0_i32, %select_n3A_30 : i32, i32, i32
  }
  func.func @transform_1(%arg0: i32) -> (i32, i32, i32) {
    %jit3A = arith.constant 4 : i32
    %div3A = arith.divsi %arg0, %jit3A : i32
    %sign3A = arith.constant 0 : i32
    %sign3A_0 = arith.cmpi sgt, %arg0, %sign3A : i32
    %sign3A_1 = arith.extui %sign3A_0 : i1 to i32
    %sign3A_2 = arith.constant 0 : i32
    %sign3A_3 = arith.cmpi slt, %arg0, %sign3A_2 : i32
    %sign3A_4 = arith.extui %sign3A_3 : i1 to i32
    %sign3A_5 = arith.subi %sign3A_1, %sign3A_4 : i32
    %sign3A_6 = arith.constant 0 : i32
    %sign3A_7 = arith.cmpi sgt, %jit3A, %sign3A_6 : i32
    %sign3A_8 = arith.extui %sign3A_7 : i1 to i32
    %sign3A_9 = arith.constant 0 : i32
    %sign3A_10 = arith.cmpi slt, %jit3A, %sign3A_9 : i32
    %sign3A_11 = arith.extui %sign3A_10 : i1 to i32
    %sign3A_12 = arith.subi %sign3A_8, %sign3A_11 : i32
    %ne3A = arith.cmpi ne, %sign3A_5, %sign3A_12 : i32
    %rem3A = arith.remsi %arg0, %jit3A : i32
    %ne3A_13 = arith.constant 0 : i32
    %ne3A_14 = arith.cmpi ne, %rem3A, %ne3A_13 : i32
    %and3A = arith.andi %ne3A, %ne3A_14 : i1
    %sub3A = arith.constant 1 : i32
    %sub3A_15 = arith.subi %div3A, %sub3A : i32
    %select_n3A = arith.select %and3A, %sub3A_15, %div3A : i32
    %add3A = arith.constant 0 : i32
    %add3A_16 = arith.addi %select_n3A, %add3A : i32
    %jit3A_17 = arith.constant 4 : i32
    %eq3A = arith.constant 0 : i32
    %eq3A_18 = arith.cmpi eq, %jit3A_17, %eq3A : i32
    %jit3A_19 = arith.constant 1 : i32
    %select_n3A_20 = arith.select %eq3A_18, %jit3A_19, %jit3A_17 : i32
    %rem3A_21 = arith.remsi %arg0, %select_n3A_20 : i32
    %ne3A_22 = arith.constant 0 : i32
    %ne3A_23 = arith.cmpi ne, %rem3A_21, %ne3A_22 : i32
    %lt3A = arith.constant 0 : i32
    %lt3A_24 = arith.cmpi slt, %rem3A_21, %lt3A : i32
    %lt3A_25 = arith.constant 0 : i32
    %lt3A_26 = arith.cmpi slt, %select_n3A_20, %lt3A_25 : i32
    %ne3A_27 = arith.xori %lt3A_24, %lt3A_26 : i1
    %and3A_28 = arith.andi %ne3A_27, %ne3A_23 : i1
    %add3A_29 = arith.addi %rem3A_21, %select_n3A_20 : i32
    %select_n3A_30 = arith.select %and3A_28, %add3A_29, %rem3A_21 : i32
    %c0_i32 = arith.constant 0 : i32
    %c0_i32_31 = arith.constant 0 : i32
    return %add3A_16, %c0_i32, %select_n3A_30 : i32, i32, i32
  }
  func.func @transform_2(%arg0: i32) -> (i32, i32) {
    %c0_i32 = arith.constant 0 : i32
    %c0_i32_0 = arith.constant 0 : i32
    return %arg0, %c0_i32 : i32, i32
  }
}

module attributes {stable_mosaic.version = 14 : i64} {
  func.func @_elemwise_body(%arg0: i32, %arg1: memref<1x512x128xf32, #tpu.memory_space<vmem>>, %arg2: memref<1x512x128xf32, #tpu.memory_space<vmem>>, %arg3: memref<512x128xi32, #tpu.memory_space<vmem>>) attributes {dimension_semantics = [#tpu.dimension_semantics<arbitrary>], iteration_bounds = array<i64: 16>, scalar_prefetch = 0 : i64, scratch_operands = 0 : i64, tpu.core_type = #tpu.core_type<tc>, window_params = [{transform_indices = @transform_0, window_bounds = array<i64: 1, 512, 128>}, {transform_indices = @transform_1, window_bounds = array<i64: 1, 512, 128>}, {transform_indices = @transform_2, window_bounds = array<i64: 512, 128>}]} {
    %get3A = arith.constant 0 : index
    %get3A_0 = arith.constant 0 : index
    %get3A_1 = arith.constant 0 : index
    %get3A_2 = vector.load %arg1[%get3A, %get3A_0, %get3A_1] : memref<1x512x128xf32, #tpu.memory_space<vmem>>, vector<1x512x128xf32>
    %get3A_3 = vector.shape_cast %get3A_2 : vector<1x512x128xf32> to vector<512x128xf32>
    %get3A_4 = arith.constant 0 : index
    %get3A_5 = arith.constant 0 : index
    %get3A_6 = arith.constant 0 : index
    %get3A_7 = vector.load %arg2[%get3A_4, %get3A_5, %get3A_6] : memref<1x512x128xf32, #tpu.memory_space<vmem>>, vector<1x512x128xf32>
    %get3A_8 = vector.shape_cast %get3A_7 : vector<1x512x128xf32> to vector<512x128xf32>
    %abs3A = math.absf %get3A_3 : vector<512x128xf32>
    %mul3A = arith.constant 2.11068982E-4 : f32
    %mul3A_9 = vector.broadcast %mul3A : f32 to vector<512x128xf32>
    %mul3A_10 = arith.mulf %mul3A_9, %abs3A : vector<512x128xf32>
    %add3A = arith.constant 2.18875037E-4 : f32
    %add3A_11 = vector.broadcast %add3A : f32 to vector<512x128xf32>
    %add3A_12 = arith.addf %mul3A_10, %add3A_11 : vector<512x128xf32>
    %mul3A_13 = arith.mulf %add3A_12, %abs3A : vector<512x128xf32>
    %add3A_14 = arith.constant -0.00535885291 : f32
    %add3A_15 = vector.broadcast %add3A_14 : f32 to vector<512x128xf32>
    %add3A_16 = arith.addf %mul3A_13, %add3A_15 : vector<512x128xf32>
    %mul3A_17 = arith.mulf %add3A_16, %abs3A : vector<512x128xf32>
    %add3A_18 = arith.constant 5.17152184E-5 : f32
    %add3A_19 = vector.broadcast %add3A_18 : f32 to vector<512x128xf32>
    %add3A_20 = arith.addf %mul3A_17, %add3A_19 : vector<512x128xf32>
    %mul3A_21 = arith.mulf %add3A_20, %abs3A : vector<512x128xf32>
    %add3A_22 = arith.constant 0.12499138 : f32
    %add3A_23 = vector.broadcast %add3A_22 : f32 to vector<512x128xf32>
    %add3A_24 = arith.addf %mul3A_21, %add3A_23 : vector<512x128xf32>
    %mul3A_25 = arith.mulf %add3A_24, %abs3A : vector<512x128xf32>
    %add3A_26 = arith.constant -0.499999404 : f32
    %add3A_27 = vector.broadcast %add3A_26 : f32 to vector<512x128xf32>
    %add3A_28 = arith.addf %mul3A_25, %add3A_27 : vector<512x128xf32>
    %mul3A_29 = arith.mulf %add3A_28, %abs3A : vector<512x128xf32>
    %add3A_30 = arith.constant 0.693147182 : f32
    %add3A_31 = vector.broadcast %add3A_30 : f32 to vector<512x128xf32>
    %add3A_32 = arith.addf %mul3A_29, %add3A_31 : vector<512x128xf32>
    %max3A = arith.constant 0.000000e+00 : f32
    %max3A_33 = vector.broadcast %max3A : f32 to vector<512x128xf32>
    %max3A_34 = arith.maximumf %get3A_3, %max3A_33 : vector<512x128xf32>
    %mul3A_35 = arith.mulf %get3A_3, %get3A_8 : vector<512x128xf32>
    %sub3A = arith.subf %max3A_34, %mul3A_35 : vector<512x128xf32>
    %add3A_36 = arith.addf %sub3A, %add3A_32 : vector<512x128xf32>
    %lt3A = arith.constant 0.847297847 : f32
    %lt3A_37 = vector.broadcast %lt3A : f32 to vector<512x128xf32>
    %lt3A_38 = arith.cmpf olt, %abs3A, %lt3A_37 : vector<512x128xf32>
    %bitcast_convert_type3A = tpu.bitcast %abs3A : vector<512x128xf32> -> vector<512x128xi32>
    %shift_right_logical3A = arith.constant 17 : i32
    %shift_right_logical3A_39 = vector.broadcast %shift_right_logical3A : i32 to vector<512x128xi32>
    %shift_right_logical3A_40 = arith.shrui %bitcast_convert_type3A, %shift_right_logical3A_39 : vector<512x128xi32>
    %min3A = arith.constant 8191 : i32
    %min3A_41 = vector.broadcast %min3A : i32 to vector<512x128xi32>
    %min3A_42 = arith.minsi %shift_right_logical3A_40, %min3A_41 : vector<512x128xi32>
    %mul3A_43 = arith.constant 6.553600e+04 : f32
    %mul3A_44 = vector.broadcast %mul3A_43 : f32 to vector<512x128xf32>
    %mul3A_45 = arith.mulf %add3A_36, %mul3A_44 : vector<512x128xf32>
    %add3A_46 = arith.constant 5.000000e-01 : f32
    %add3A_47 = vector.broadcast %add3A_46 : f32 to vector<512x128xf32>
    %add3A_48 = arith.addf %mul3A_45, %add3A_47 : vector<512x128xf32>
    %convert_element_type3A = arith.fptosi %add3A_48 : vector<512x128xf32> to vector<512x128xi32>
    %jit3A = arith.constant 8192 : i32
    %broadcast_in_dim3A = vector.broadcast %jit3A : i32 to vector<512x128xi32>
    %select_n3A = arith.select %lt3A_38, %min3A_42, %broadcast_in_dim3A : vector<512x128xi1>, vector<512x128xi32>
    %shift_left3A = arith.constant 17 : i32
    %shift_left3A_49 = vector.broadcast %shift_left3A : i32 to vector<512x128xi32>
    %shift_left3A_50 = arith.shli %select_n3A, %shift_left3A_49 : vector<512x128xi32>
    %jit3A_51 = arith.constant 0 : i32
    %broadcast_in_dim3A_52 = vector.broadcast %jit3A_51 : i32 to vector<512x128xi32>
    %select_n3A_53 = arith.select %lt3A_38, %convert_element_type3A, %broadcast_in_dim3A_52 : vector<512x128xi1>, vector<512x128xi32>
    %or3A = arith.ori %shift_left3A_50, %select_n3A_53 : vector<512x128xi32>
    %swap3A = arith.constant 0 : index
    %swap3A_54 = arith.constant 0 : index
    %swap3A_55 = vector.load %arg3[%swap3A, %swap3A_54] : memref<512x128xi32, #tpu.memory_space<vmem>>, vector<512x128xi32>
    tpu.vector_store %arg3[%swap3A, %swap3A_54], %or3A {strides = array<i32>} : memref<512x128xi32, #tpu.memory_space<vmem>>, vector<512x128xi32>,
    return
  }
  func.func @transform_0(%arg0: i32) -> (i32, i32, i32) {
    %jit3A = arith.constant 4 : i32
    %div3A = arith.divsi %arg0, %jit3A : i32
    %sign3A = arith.constant 0 : i32
    %sign3A_0 = arith.cmpi sgt, %arg0, %sign3A : i32
    %sign3A_1 = arith.extui %sign3A_0 : i1 to i32
    %sign3A_2 = arith.constant 0 : i32
    %sign3A_3 = arith.cmpi slt, %arg0, %sign3A_2 : i32
    %sign3A_4 = arith.extui %sign3A_3 : i1 to i32
    %sign3A_5 = arith.subi %sign3A_1, %sign3A_4 : i32
    %sign3A_6 = arith.constant 0 : i32
    %sign3A_7 = arith.cmpi sgt, %jit3A, %sign3A_6 : i32
    %sign3A_8 = arith.extui %sign3A_7 : i1 to i32
    %sign3A_9 = arith.constant 0 : i32
    %sign3A_10 = arith.cmpi slt, %jit3A, %sign3A_9 : i32
    %sign3A_11 = arith.extui %sign3A_10 : i1 to i32
    %sign3A_12 = arith.subi %sign3A_8, %sign3A_11 : i32
    %ne3A = arith.cmpi ne, %sign3A_5, %sign3A_12 : i32
    %rem3A = arith.remsi %arg0, %jit3A : i32
    %ne3A_13 = arith.constant 0 : i32
    %ne3A_14 = arith.cmpi ne, %rem3A, %ne3A_13 : i32
    %and3A = arith.andi %ne3A, %ne3A_14 : i1
    %sub3A = arith.constant 1 : i32
    %sub3A_15 = arith.subi %div3A, %sub3A : i32
    %select_n3A = arith.select %and3A, %sub3A_15, %div3A : i32
    %add3A = arith.constant 4 : i32
    %add3A_16 = arith.addi %select_n3A, %add3A : i32
    %jit3A_17 = arith.constant 4 : i32
    %eq3A = arith.constant 0 : i32
    %eq3A_18 = arith.cmpi eq, %jit3A_17, %eq3A : i32
    %jit3A_19 = arith.constant 1 : i32
    %select_n3A_20 = arith.select %eq3A_18, %jit3A_19, %jit3A_17 : i32
    %rem3A_21 = arith.remsi %arg0, %select_n3A_20 : i32
    %ne3A_22 = arith.constant 0 : i32
    %ne3A_23 = arith.cmpi ne, %rem3A_21, %ne3A_22 : i32
    %lt3A = arith.constant 0 : i32
    %lt3A_24 = arith.cmpi slt, %rem3A_21, %lt3A : i32
    %lt3A_25 = arith.constant 0 : i32
    %lt3A_26 = arith.cmpi slt, %select_n3A_20, %lt3A_25 : i32
    %ne3A_27 = arith.xori %lt3A_24, %lt3A_26 : i1
    %and3A_28 = arith.andi %ne3A_27, %ne3A_23 : i1
    %add3A_29 = arith.addi %rem3A_21, %select_n3A_20 : i32
    %select_n3A_30 = arith.select %and3A_28, %add3A_29, %rem3A_21 : i32
    %c0_i32 = arith.constant 0 : i32
    %c0_i32_31 = arith.constant 0 : i32
    return %add3A_16, %c0_i32, %select_n3A_30 : i32, i32, i32
  }
  func.func @transform_1(%arg0: i32) -> (i32, i32, i32) {
    %jit3A = arith.constant 4 : i32
    %div3A = arith.divsi %arg0, %jit3A : i32
    %sign3A = arith.constant 0 : i32
    %sign3A_0 = arith.cmpi sgt, %arg0, %sign3A : i32
    %sign3A_1 = arith.extui %sign3A_0 : i1 to i32
    %sign3A_2 = arith.constant 0 : i32
    %sign3A_3 = arith.cmpi slt, %arg0, %sign3A_2 : i32
    %sign3A_4 = arith.extui %sign3A_3 : i1 to i32
    %sign3A_5 = arith.subi %sign3A_1, %sign3A_4 : i32
    %sign3A_6 = arith.constant 0 : i32
    %sign3A_7 = arith.cmpi sgt, %jit3A, %sign3A_6 : i32
    %sign3A_8 = arith.extui %sign3A_7 : i1 to i32
    %sign3A_9 = arith.constant 0 : i32
    %sign3A_10 = arith.cmpi slt, %jit3A, %sign3A_9 : i32
    %sign3A_11 = arith.extui %sign3A_10 : i1 to i32
    %sign3A_12 = arith.subi %sign3A_8, %sign3A_11 : i32
    %ne3A = arith.cmpi ne, %sign3A_5, %sign3A_12 : i32
    %rem3A = arith.remsi %arg0, %jit3A : i32
    %ne3A_13 = arith.constant 0 : i32
    %ne3A_14 = arith.cmpi ne, %rem3A, %ne3A_13 : i32
    %and3A = arith.andi %ne3A, %ne3A_14 : i1
    %sub3A = arith.constant 1 : i32
    %sub3A_15 = arith.subi %div3A, %sub3A : i32
    %select_n3A = arith.select %and3A, %sub3A_15, %div3A : i32
    %add3A = arith.constant 4 : i32
    %add3A_16 = arith.addi %select_n3A, %add3A : i32
    %jit3A_17 = arith.constant 4 : i32
    %eq3A = arith.constant 0 : i32
    %eq3A_18 = arith.cmpi eq, %jit3A_17, %eq3A : i32
    %jit3A_19 = arith.constant 1 : i32
    %select_n3A_20 = arith.select %eq3A_18, %jit3A_19, %jit3A_17 : i32
    %rem3A_21 = arith.remsi %arg0, %select_n3A_20 : i32
    %ne3A_22 = arith.constant 0 : i32
    %ne3A_23 = arith.cmpi ne, %rem3A_21, %ne3A_22 : i32
    %lt3A = arith.constant 0 : i32
    %lt3A_24 = arith.cmpi slt, %rem3A_21, %lt3A : i32
    %lt3A_25 = arith.constant 0 : i32
    %lt3A_26 = arith.cmpi slt, %select_n3A_20, %lt3A_25 : i32
    %ne3A_27 = arith.xori %lt3A_24, %lt3A_26 : i1
    %and3A_28 = arith.andi %ne3A_27, %ne3A_23 : i1
    %add3A_29 = arith.addi %rem3A_21, %select_n3A_20 : i32
    %select_n3A_30 = arith.select %and3A_28, %add3A_29, %rem3A_21 : i32
    %c0_i32 = arith.constant 0 : i32
    %c0_i32_31 = arith.constant 0 : i32
    return %add3A_16, %c0_i32, %select_n3A_30 : i32, i32, i32
  }
  func.func @transform_2(%arg0: i32) -> (i32, i32) {
    %c0_i32 = arith.constant 0 : i32
    %c0_i32_0 = arith.constant 0 : i32
    return %arg0, %c0_i32 : i32, i32
  }
}

</mosaic_0001>

<sc_bundles>
// kernel: kernel.10.cloned.1.call-start
scs
__scs_entry_jumppad:
0x0: {  	(pc) =	sbr.rel $0x88, $3  }
0x1: {  	(tag) =	ssettag $0x0;
	lr =	simm.s32 $0x1  }
0x2: {  	[smem:$0x3F9F] =	sst lr;
	_ =	strace $0xD0000000  }
0x3: {  	_ = 	snop  }
0x4: {  	_ = 	snop  }
0x5: {  	_ = 	snop  }
0x6: {  	_ = 	snop  }
0x7: {  	_ = 	snop  }
__scs_overlays_trampoline_lowered:
0x8: {  	[smem:$0x3FAE] =	sst s0  }
0x9: {  	[smem:$0x3FAF] =	sst s1  }
0xa: {  	[smem:$0x3FB0] =	sst s2  }
0xb: {  	[smem:$0x3FB1] =	sst s3  }
0xc: {  	[smem:$0x3FB2] =	sst s4  }
0xd: {  	[smem:$0x3FB3] =	sst s5  }
0xe: {  	[smem:$0x3FB4] =	sst s6  }
0xf: {  	[smem:$0x3FB5] =	sst s7  }
0x10: {  	[smem:$0x3FB6] =	sst s8  }
0x11: {  	[smem:$0x3FB7] =	sst s9;
	s0 =	simm.s32 @!p0 $0x0  }
0x12: {  	s1 =	sld [smem:$0x3F9D];
	s0 =	simm.s32 @p0 $0x1  }
0x13: {  	[smem:$0x3FB8] =	sst s0;
	s0 =	simm.s32 @!p1 $0x0  }
0x14: {  	s2 =	sld [smem:$0x3F9C];
	s0 =	simm.s32 @p1 $0x1  }
0x15: {  	[smem:$0x3FB9] =	sst s0;
	s0 =	simm.s32 @!p2 $0x0  }
0x16: {  	s3 =	sld [smem:$0x3FDB];
	s0 =	simm.s32 @p2 $0x1  }
0x17: {  	s4 =	simm.s32 $0x1BF5;
	[smem:$0x3FBB] =	sst s0  }
0x18: {  	s0 =	sld [smem:$0x3F9E];
	_ =	swait.ge [sflag:s4], $0x0  }
0x19: {  	s7 =	sld [smem:$0x3F9F]  }
0x1a: {  	s8 =	sadd.s32 $0xFFFFE003, lr  }
0x1b: {  	s9 =	sadd.s32 $0xFFFFFEF7, lr;
	s5 =	simm.s32 $0xFFFFFFFF;
	p2 =	slt.u32 s8, $0xFFFFF086  }
0x1c: {  	p1 =	slt.u32 s9, $0xF7A;
	s5 =	simm.s32 @!p2 $0x0  }
0x1d: {  	s5 =	simm.s32 @p1 $0x1;
	p0 =	seq.s32 s7, s2  }
0x1e: {  	s7 =	smul.u32 @!p0 $0xF7A, s2;
	p2 =	seq.s32 @!p0 s5, $0x0  }
0x1f: {  	s9 =	smul.u32 $0xF7A, s1;
	s8 =	simm.s32 @!p0 $0x1BF5;
	p2 =	por !p2, p0  }
0x20: {  	[sflag:s8] =	ssyncset.s32 @!p0 $0xFFFFF086;
	s6 =	sadd.s32 @!p0 s3, s7;
	s7 =	simm.s32 @!p0 $0x108  }
0x21: {  	s3 =	sadd.s32 s3, s9;
	s6 =	sadd.s32 @!p0 $0x88, s6;
	s7 =	simm.s32 @p2 $0x1082  }
0x22: {  	[simem:s7], [sflag:s8] =	dma.local @!p0 [hbm:s6], $0xF7A  }
0x23: {  	s9 =	sor.u32 $0xD0000000, s2;
	s6 =	simm.s32 $0x108;
	_ =	swait.ge @!p0 [sflag:s8], $0x0  }
0x24: {  	s3 =	sadd.s32 $0x88, s3;
	s6 =	simm.s32 @!p1 $0x1082;
	[sflag:s4] =	ssyncset.s32 $0xFFFFF086  }
0x25: {  	[simem:s6], [sflag:s4] =	dma.local [hbm:s3], $0xF7A  }
0x26: {  	[smem:$0x3F9F] =	sst s1;
	(tag) =	ssettag s2;
	_ =	strace s9  }
0x27: {  	s1 =	sld [smem:$0x3FAF]  }
0x28: {  	s2 =	sld [smem:$0x3FB0]  }
0x29: {  	s4 =	sld [smem:$0x3FB2]  }
0x2a: {  	p0 =	seq.s32 s5, $0x0;
	s5 =	sld [smem:$0x3FB3]  }
0x2b: {  	s6 =	sld [smem:$0x3FB4]  }
0x2c: {  	s7 =	sld [smem:$0x3FB5]  }
0x2d: {  	s3 =	simm.s32 $0x108;
	s8 =	sld [smem:$0x3FB6]  }
0x2e: {  	s3 =	simm.s32 @!p0 $0x1082;
	s9 =	sld [smem:$0x3FB7]  }
0x2f: {  	lr =	sadd.s32 s0, s3;
	s0 =	sld [smem:$0x3FAE]  }
0x30: {  	s3 =	sld [smem:$0x3FB1]  }
0x31: {  	[smem:$0x3FBA] =	sst s10  }
0x32: {  	s10 =	sld [smem:$0x3FB8];
	_ =	sdelay $0x3  }
0x33: {  	p0 =	seq.s32 s10, $0x1;
	s10 =	sld [smem:$0x3FBA];
	_ =	sdelay $0x3  }
0x34: {  	[smem:$0x3FBA] =	sst s10  }
0x35: {  	s10 =	sld [smem:$0x3FB9];
	_ =	sdelay $0x3  }
0x36: {  	p1 =	seq.s32 s10, $0x1;
	s10 =	sld [smem:$0x3FBA];
	_ =	sdelay $0x3  }
0x37: {  	[smem:$0x3FBA] =	sst s10  }
0x38: {  	s10 =	sld [smem:$0x3FBB]  }
0x39: {  	_ = 	snop;
	(pc) =	sbr.ind lr, $3  }
0x3a: {  	_ = 	snop  }
0x3b: {  	_ = 	snop  }
0x3c: {  	p2 =	seq.s32 s10, $0x1;
	s10 =	sld [smem:$0x3FBA]  }
0x3d: {  	_ =	shalt  }
0x3e: {  	_ =	shalt  }
0x3f: {  	_ =	shalt  }
0x40: {  	_ =	shalt  }
0x41: {  	_ =	shalt  }
0x42: {  	_ =	shalt  }
0x43: {  	_ =	shalt  }
0x44: {  	_ =	shalt  }
0x45: {  	_ =	shalt  }
0x46: {  	_ =	shalt  }
0x47: {  	_ =	shalt  }
0x48: {  	_ =	shalt  }
0x49: {  	_ =	shalt  }
0x4a: {  	_ =	shalt  }
0x4b: {  	_ =	shalt  }
0x4c: {  	_ =	shalt  }
0x4d: {  	_ =	shalt  }
0x4e: {  	_ =	shalt  }
0x4f: {  	_ =	shalt  }
0x50: {  	_ =	shalt  }
0x51: {  	_ =	shalt  }
0x52: {  	_ =	shalt  }
0x53: {  	_ =	shalt  }
0x54: {  	_ =	shalt  }
0x55: {  	_ =	shalt  }
0x56: {  	_ =	shalt  }
0x57: {  	_ =	shalt  }
0x58: {  	_ =	shalt  }
0x59: {  	_ =	shalt  }
0x5a: {  	_ =	shalt  }
0x5b: {  	_ =	shalt  }
0x5c: {  	_ =	shalt  }
0x5d: {  	_ =	shalt  }
0x5e: {  	_ =	shalt  }
0x5f: {  	_ =	shalt  }
0x60: {  	_ =	shalt  }
0x61: {  	_ =	shalt  }
0x62: {  	_ =	shalt  }
0x63: {  	_ =	shalt  }
0x64: {  	_ =	shalt  }
0x65: {  	_ =	shalt  }
0x66: {  	_ =	shalt  }
0x67: {  	_ =	shalt  }
0x68: {  	_ =	shalt  }
0x69: {  	_ =	shalt  }
0x6a: {  	_ =	shalt  }
0x6b: {  	_ =	shalt  }
0x6c: {  	_ =	shalt  }
0x6d: {  	_ =	shalt  }
0x6e: {  	_ =	shalt  }
0x6f: {  	_ =	shalt  }
0x70: {  	_ =	shalt  }
0x71: {  	_ =	shalt  }
0x72: {  	_ =	shalt  }
0x73: {  	_ =	shalt  }
0x74: {  	_ =	shalt  }
0x75: {  	_ =	shalt  }
0x76: {  	_ =	shalt  }
0x77: {  	_ =	shalt  }
0x78: {  	_ =	shalt  }
0x79: {  	_ =	shalt  }
0x7a: {  	_ =	shalt  }
0x7b: {  	_ =	shalt  }
0x7c: {  	_ =	shalt  }
0x7d: {  	_ =	shalt  }
0x7e: {  	_ =	shalt  }
0x7f: {  	_ =	shalt  }
0x80: {  	_ =	shalt  }
0x81: {  	_ =	shalt  }
0x82: {  	_ =	shalt  }
0x83: {  	_ =	shalt  }
0x84: {  	_ =	shalt  }
0x85: {  	_ =	shalt  }
0x86: {  	_ =	shalt  }
0x87: {  	_ =	shalt  }
.Lfunc_end0:
.L_simem_size_0:
called_computation.1_lowered:
.L_overlay_start_0:
0x88: {  	s2 =	sld [smem:$0x3FD9]  }
0x89: {  	s3 =	sld [smem:$0x3FFE];
	_ =	sdelay $0x1  }
0x8a: {  	s1 =	srdreg.scid  }
0x8b: {  	s0 =	sand.u32 $0x1, s1  }
0x8c: {  	s16 =	sshll.u32 s0, $0xA;
	s2 =	sadd.s32 s3, s2  }
0x8d: {  	s2 =	sadd.s32 s2, s16  }
0x8e: {  	[smem:$0x3FC6] =	sst s2  }
0x8f: {  	_ = 	snop  }
0x90: {  	(tm) =	ssettm $0x1  }
0x91: {  	s17 =	sld [smem:$0x3FFB];
	_ =	sdelay $0x3  }
0x92: {  	_ =	strace s17  }
0x93: {  	s2 =	sld [smem:$0x3FFC];
	_ =	sdelay $0x3  }
0x94: {  	_ =	strace s2  }
0x95: {  	s2 =	sld [smem:$0x3FFD];
	_ =	sdelay $0x3  }
0x96: {  	_ =	strace s2  }
0x97: {  	_ =	strace $0x8FFFFFFF  }
0x98: {  	s18 =	sld [smem:$0x3FDB];
	_ =	sdelay $0x1  }
0x99: {  	s19 =	simm.s32 $_scs_section_size  }
0x9a: {  	s4 =	simm.s32 $_size__tile_overlayer_lowered;
	s5 =	simm.s32 $_tile_overlayer_lowered  }
0x9b: {  	s22 =	simm.s32 $0x1BFF;
	s21 =	sshll.u32 s5, $0x1;
	s2 =	sadd.s32 s19, s18  }
0x9c: {  	s6 =	simm.s32 $0x0;
	s20 =	sshll.u32 s4, $0x1;
	s4 =	sadd.s32 s21, s2  }
0x9d: {  	[timem:s6], [sflag:s22] =	dma.local [hbm:s4], s20  }
0x9e: {  	_ =	swait.ge [sflag:s22], s20  }
0x9f: {  	s3 =	ssub.s32 $0x0, s20;
	[sflag:s22] =	ssyncset.done $0x0  }
0xa0: {  	[sflag:s22] =	ssyncadd.s32 s3;
	_ =	sdelay $0x1  }
0xa1: {  	s23 =	simm.s32 $0x1B8B  }
0xa2: {  	_ =	swait.ge [sflag:s23], $0x1  }
0xa3: {  	[sflag:s23] =	ssyncset.done $0x0  }
0xa4: {  	s25 =	simm.s32 $0x1B8E;
	s24 =	sld [smem:$0x3FFE];
	[sflag:s23] =	ssyncadd.s32 $0xFFFFFFFF  }
0xa5: {  	s26 =	simm.s32 $execute0_lowered;
	[smem:$0x3FD2] =	sst s25  }
0xa6: {  	s4 =	sshll.u32 s26, $0x1;
	_ =	strace $0x80000046;
	[dreg:$0x1] =	wrdreg $0xFFFFFFFF  }
0xa7: {  	s28 =	simm.s32 $_size_execute0_lowered;
	s2 =	sadd.s32 s2, s4;
	[dreg:$0x0] =	wrdreg $0x0  }
0xa8: {  	s4 =	sshll.u32 s28, $0x1;
	[dreg:$0x2] =	wrdreg s2  }
0xa9: {  	[dreg:$0x3] =	wrdreg s4  }
0xaa: {  	[dreg:$0x4] =	wrdreg $0xC0  }
0xab: {  	_ =	task [dreg:s6], $0x5FFFF  }
0xac: {  	[dreg:$0x1] =	wrdreg $0xFFFFFFFF  }
0xad: {  	[dreg:$0x0] =	wrdreg $0x60  }
0xae: {  	[dreg:$0x2] =	wrdreg s24  }
0xaf: {  	[dreg:$0x3] =	wrdreg $0xA  }
0xb0: {  	_ =	task.clear_ibuf [dreg:s6], $0x4FFFF;
	_ =	strace $0x90000046  }
0xb1: {  	s29 =	simm.s32 $0xA;
	_ =	strace $0x80000048  }
0xb2: {  	_ =	swait.ge [sflag:s29], $0x1  }
0xb3: {  	[sflag:s29] =	ssyncadd.s32 $0xFFFFFFFF  }
0xb4: {  	_ =	strace $0x90000048  }
0xb5: {  	_ =	sfence  }
0xb6: {  	s30 =	sld [smem:$0x0];
	_ =	sdelay $0x2  }
0xb7: {  	s31 =	sshll.u32 s1, $0xD;
	s1 =	sshrl.u32 s1, $0x2  }
0xb8: {  	s3 =	sand.u32 $0x4000, s31;
	s1 =	sadd.s32 s1, s30  }
0xb9: {  	s0 =	sor.u32 s3, s0;
	s1 =	sshll.u32 s1, $0x11  }
0xba: {  	s0 =	sor.u32 s1, s0  }
0xbb: {  	s0 =	sadd.s32 $0x8F2B, s0  }
0xbc: {  	[sflag:s0] =	ssyncadd.remote.s32 $0x1  }
0xbd: {  	_ =	sfence.sel $0xFFFF  }
0xbe: {  	[dreg:$0x0] =	wrdreg $0xFFFFFFFF;
	(pc) =	sbr.abs _section_cstart, $3  }
0xbf: {  	[dreg:$0x1] =	wrdreg $0xFFFFFFFF  }
0xc0: {  	_ =	task.clear_ibuf [dreg:s6], $0x2FFFF;
	_ =	strace $0x9FFFFFFF  }
0xc1: {  	(tm) =	ssettm $0x7FFFFFFF  }
tec
execute0_lowered:
.L_overlay_start_1:
0x0: {  	(tag) =	ssettag $0x1  }
0x1: {  	s1 =	srdreg.scid;
	s0 =	stileid.u32  }
0x2: {  	s3 =	rddreg [dreg:$0x0];
	s2 =	simm.s32 $0x0;
	s11 =	simm.s32 $0x4000  }
0x3: {  	s12 =	simm.s32 $0x2;
	s13 =	simm.s32 $0x3;
	s14 =	simm.s32 $0x0  }
0x4: {  	s4 =	sand.u32 $0x1, s1;
	s5 =	sshll.u32 s0, $0x1;
	s1 =	rddreg [dreg:$0x1]  }
0x5: {  	[smem:$0x7FF] =	sst s2;
	s5 =	sor.u32 s4, s5;
	s4 =	ssub.s32 $0x2, s4  }
0x6: {  	s6 =	smul.u32 $0x480, s5;
	s5 =	sshll.u32 s5, $0xC;
	s7 =	sshrl.u32 s4, $0x1  }
0x7: {  	_ =	strace $0x80000047;
	s8 =	sadd.s32 s5, s3;
	s10 =	ssub.s32 s4, s7  }
0x8: {  	s9 =	sadd.s32 s6, s3;
	s3 =	sadd.s32 $0x1400, s8;
	s4 =	sadd.s32 $0x1800, s8  }
0x9: {  	s5 =	sadd.s32 $0x1C00, s8;
	s6 =	sadd.s32 $0x2000, s8;
	s8 =	smax.u32 s10, $0x1  }
0xa: {  	v0 =	vimm.f32 $0.0e+00;
	s10 =	simm.s32 $0x1;
	s7 =	sadd.s32 $0x21400, s9;
	s9 =	simm.s32 $0x2000  }
.LBB2_1:
0xb: {  	[tilespmem:s2], [sflag:$0x1] =	stream.linear.gather [hbm4b:s3+s2], $0x2000, $0x38;
	[tilespmem:$0x6400] =	vst v63  }
0xc: {  	s15 =	simm.s32 $0x40;
	s16 =	simm.s32 $0x0  }
0xd: {  	[tilespmem:s9], [sflag:$0x2] =	stream.linear.gather [hbm4b:s4+s2], $0x2000, $0x38;
	[tilespmem:$0x6400] =	vst v63  }
.LBB2_2:
0xe: {  	p0 =	sne.s32 s15, $0x8FC0;
	[tilespmem:s16+$0x4000] =	vst v0;
	s16 =	smov.u32 s15;
	s15 =	sadd.s32 $0x40, s15  }
.Ltmp0:
0xf: {  	(pc) =	sbr.rel @p0 .LBB2_2-.Ltmp0, $2  }
0x10: {  	_ =	sdelay $0x2  }
0x11: {  	s16 =	sshra.s32 s16, $0x2  }
0x12: {  	[tilespmem:s16+$0x4000] =	vst v0  }
0x13: {  	_ =	swait.ge [sflag:s10], $0x2000  }
0x14: {  	[sflag:s10] =	ssyncset.done $0x0  }
0x15: {  	s15 =	simm.s32 $0x0;
	[sflag:s10] =	ssyncadd.s32 $0xFFFFE000  }
0x16: {  	v1 =	vld [tilespmem:s15+$0x0];
	_ =	sdelay $0x4  }
0x17: {  	v2 =	vand.u32 $0x1FFFF, v1  }
0x18: {  	v2 =	vcvt.s32.f32 v2  }
0x19: {  	v1 =	vshrl.u32 v1, $0x11  }
0x1a: {  	v2 =	vmul.f32 $1.525878910e-05, v2;
	_ =	sdelay $0x1  }
0x1b: {  	v2 =	vadd.f32 $4.096000000e+03, v2;
	_ =	sdelay $0x1  }
0x1c: {  	[tilespmem:v1+s11+$0x0] =	vst.idx.add.f32.msk $0xffff, v2  }
0x1d: {  	v1 =	vld [tilespmem:s15+$0x10];
	_ =	sdelay $0x4  }
0x1e: {  	v2 =	vand.u32 $0x1FFFF, v1  }
0x1f: {  	v2 =	vcvt.s32.f32 v2  }
0x20: {  	v1 =	vshrl.u32 v1, $0x11  }
0x21: {  	v2 =	vmul.f32 $1.525878910e-05, v2;
	_ =	sdelay $0x1  }
0x22: {  	v2 =	vadd.f32 $4.096000000e+03, v2;
	_ =	sdelay $0x1  }
0x23: {  	[tilespmem:v1+s11+$0x0] =	vst.idx.add.f32.msk $0xffff, v2  }
0x24: {  	v1 =	vld [tilespmem:s15+$0x20];
	_ =	sdelay $0x4  }
0x25: {  	v2 =	vand.u32 $0x1FFFF, v1  }
0x26: {  	v2 =	vcvt.s32.f32 v2  }
0x27: {  	v1 =	vshrl.u32 v1, $0x11  }
0x28: {  	v2 =	vmul.f32 $1.525878910e-05, v2;
	_ =	sdelay $0x1  }
0x29: {  	v2 =	vadd.f32 $4.096000000e+03, v2;
	_ =	sdelay $0x1  }
0x2a: {  	[tilespmem:v1+s11+$0x0] =	vst.idx.add.f32.msk $0xffff, v2  }
0x2b: {  	v1 =	vld [tilespmem:s15+$0x30];
	_ =	sdelay $0x4  }
0x2c: {  	v2 =	vand.u32 $0x1FFFF, v1  }
0x2d: {  	v2 =	vcvt.s32.f32 v2  }
0x2e: {  	v1 =	vshrl.u32 v1, $0x11  }
0x2f: {  	v2 =	vmul.f32 $1.525878910e-05, v2;
	_ =	sdelay $0x1  }
0x30: {  	s16 =	simm.s32 $0x200;
	s15 =	simm.s32 $0x100;
	v2 =	vadd.f32 $4.096000000e+03, v2  }
.LBB2_4:
0x31: {  	p0 =	sne.s32 s16, $0x7F00  }
0x32: {  	s17 =	sshra.s32 s15, $0x2;
	s15 =	smov.u32 s16;
	s16 =	sadd.s32 $0x100, s16;
	[tilespmem:v1+s11+$0x0] =	vst.idx.add.f32.msk $0xffff, v2  }
0x33: {  	v1 =	vld [tilespmem:s17+$0x0];
	_ =	sdelay $0x4  }
0x34: {  	v2 =	vand.u32 $0x1FFFF, v1  }
0x35: {  	v2 =	vcvt.s32.f32 v2  }
0x36: {  	v1 =	vshrl.u32 v1, $0x11  }
0x37: {  	v2 =	vmul.f32 $1.525878910e-05, v2;
	_ =	sdelay $0x1  }
0x38: {  	v2 =	vadd.f32 $4.096000000e+03, v2;
	_ =	sdelay $0x1  }
0x39: {  	[tilespmem:v1+s11+$0x0] =	vst.idx.add.f32.msk $0xffff, v2  }
0x3a: {  	v1 =	vld [tilespmem:s17+$0x10];
	_ =	sdelay $0x4  }
0x3b: {  	v2 =	vand.u32 $0x1FFFF, v1  }
0x3c: {  	v2 =	vcvt.s32.f32 v2  }
0x3d: {  	v1 =	vshrl.u32 v1, $0x11  }
0x3e: {  	v2 =	vmul.f32 $1.525878910e-05, v2;
	_ =	sdelay $0x1  }
0x3f: {  	v2 =	vadd.f32 $4.096000000e+03, v2;
	_ =	sdelay $0x1  }
0x40: {  	[tilespmem:v1+s11+$0x0] =	vst.idx.add.f32.msk $0xffff, v2  }
0x41: {  	v1 =	vld [tilespmem:s17+$0x20];
	_ =	sdelay $0x4  }
0x42: {  	v2 =	vand.u32 $0x1FFFF, v1  }
0x43: {  	v2 =	vcvt.s32.f32 v2  }
0x44: {  	v1 =	vshrl.u32 v1, $0x11  }
0x45: {  	v2 =	vmul.f32 $1.525878910e-05, v2;
	_ =	sdelay $0x1  }
0x46: {  	v2 =	vadd.f32 $4.096000000e+03, v2;
	_ =	sdelay $0x1  }
0x47: {  	[tilespmem:v1+s11+$0x0] =	vst.idx.add.f32.msk $0xffff, v2  }
0x48: {  	v1 =	vld [tilespmem:s17+$0x30];
	_ =	sdelay $0x4  }
0x49: {  	v2 =	vand.u32 $0x1FFFF, v1  }
.Ltmp1:
0x4a: {  	v2 =	vcvt.s32.f32 v2;
	(pc) =	sbr.rel @p0 .LBB2_4-.Ltmp1, $3  }
0x4b: {  	v1 =	vshrl.u32 v1, $0x11  }
0x4c: {  	v2 =	vmul.f32 $1.525878910e-05, v2;
	_ =	sdelay $0x1  }
0x4d: {  	v2 =	vadd.f32 $4.096000000e+03, v2  }
0x4e: {  	_ =	sdelay $0x3  }
0x4f: {  	s15 =	sshra.s32 s15, $0x2;
	[tilespmem:v1+s11+$0x0] =	vst.idx.add.f32.msk $0xffff, v2  }
0x50: {  	v1 =	vld [tilespmem:s15+$0x0];
	_ =	sdelay $0x4  }
0x51: {  	v2 =	vand.u32 $0x1FFFF, v1  }
0x52: {  	v2 =	vcvt.s32.f32 v2  }
0x53: {  	v1 =	vshrl.u32 v1, $0x11  }
0x54: {  	v2 =	vmul.f32 $1.525878910e-05, v2;
	_ =	sdelay $0x1  }
0x55: {  	v2 =	vadd.f32 $4.096000000e+03, v2;
	_ =	sdelay $0x1  }
0x56: {  	[tilespmem:v1+s11+$0x0] =	vst.idx.add.f32.msk $0xffff, v2  }
0x57: {  	v1 =	vld [tilespmem:s15+$0x10];
	_ =	sdelay $0x4  }
0x58: {  	v2 =	vand.u32 $0x1FFFF, v1  }
0x59: {  	v2 =	vcvt.s32.f32 v2  }
0x5a: {  	v1 =	vshrl.u32 v1, $0x11  }
0x5b: {  	v2 =	vmul.f32 $1.525878910e-05, v2;
	_ =	sdelay $0x1  }
0x5c: {  	v2 =	vadd.f32 $4.096000000e+03, v2;
	_ =	sdelay $0x1  }
0x5d: {  	[tilespmem:v1+s11+$0x0] =	vst.idx.add.f32.msk $0xffff, v2  }
0x5e: {  	v1 =	vld [tilespmem:s15+$0x20];
	_ =	sdelay $0x4  }
0x5f: {  	v2 =	vand.u32 $0x1FFFF, v1  }
0x60: {  	v2 =	vcvt.s32.f32 v2  }
0x61: {  	v1 =	vshrl.u32 v1, $0x11  }
0x62: {  	v2 =	vmul.f32 $1.525878910e-05, v2;
	_ =	sdelay $0x1  }
0x63: {  	v2 =	vadd.f32 $4.096000000e+03, v2;
	_ =	sdelay $0x1  }
0x64: {  	[tilespmem:v1+s11+$0x0] =	vst.idx.add.f32.msk $0xffff, v2  }
0x65: {  	v1 =	vld [tilespmem:s15+$0x30];
	_ =	sdelay $0x4  }
0x66: {  	v2 =	vand.u32 $0x1FFFF, v1  }
0x67: {  	v2 =	vcvt.s32.f32 v2  }
0x68: {  	v1 =	vshrl.u32 v1, $0x11  }
0x69: {  	v2 =	vmul.f32 $1.525878910e-05, v2;
	_ =	sdelay $0x1  }
0x6a: {  	v2 =	vadd.f32 $4.096000000e+03, v2;
	_ =	sdelay $0x1  }
0x6b: {  	s30 =	simm.s32 $0x0;
	[tilespmem:v1+s11+$0x0] =	vst.idx.add.f32.msk $0xffff, v2  }
0x6c: {  	[tilespmem:s30], [sflag:$0x1] =	stream.linear.gather [hbm4b:s5+s30], $0x2000, $0x38;
	[tilespmem:$0x6400] =	vst v63  }
0x6d: {  	_ =	swait.ge [sflag:s12], $0x2000  }
0x6e: {  	[sflag:s12] =	ssyncset.done $0x0  }
0x6f: {  	s31 =	simm.s32 $0x0;
	[sflag:s12] =	ssyncadd.s32 $0xFFFFE000  }
0x70: {  	v1 =	vld [tilespmem:s31+$0x2000];
	_ =	sdelay $0x4  }
0x71: {  	v2 =	vand.u32 $0x1FFFF, v1  }
0x72: {  	v2 =	vcvt.s32.f32 v2  }
0x73: {  	v1 =	vshrl.u32 v1, $0x11  }
0x74: {  	v2 =	vmul.f32 $1.525878910e-05, v2;
	_ =	sdelay $0x1  }
0x75: {  	v2 =	vadd.f32 $4.096000000e+03, v2;
	_ =	sdelay $0x1  }
0x76: {  	[tilespmem:v1+s11+$0x0] =	vst.idx.add.f32.msk $0xffff, v2  }
0x77: {  	v1 =	vld [tilespmem:s31+$0x2010];
	_ =	sdelay $0x4  }
0x78: {  	v2 =	vand.u32 $0x1FFFF, v1  }
0x79: {  	v2 =	vcvt.s32.f32 v2  }
0x7a: {  	v1 =	vshrl.u32 v1, $0x11  }
0x7b: {  	v2 =	vmul.f32 $1.525878910e-05, v2;
	_ =	sdelay $0x1  }
0x7c: {  	v2 =	vadd.f32 $4.096000000e+03, v2;
	_ =	sdelay $0x1  }
0x7d: {  	[tilespmem:v1+s11+$0x0] =	vst.idx.add.f32.msk $0xffff, v2  }
0x7e: {  	v1 =	vld [tilespmem:s31+$0x2020];
	_ =	sdelay $0x4  }
0x7f: {  	v2 =	vand.u32 $0x1FFFF, v1  }
0x80: {  	v2 =	vcvt.s32.f32 v2  }
0x81: {  	v1 =	vshrl.u32 v1, $0x11  }
0x82: {  	v2 =	vmul.f32 $1.525878910e-05, v2;
	_ =	sdelay $0x1  }
0x83: {  	v2 =	vadd.f32 $4.096000000e+03, v2;
	_ =	sdelay $0x1  }
0x84: {  	[tilespmem:v1+s11+$0x0] =	vst.idx.add.f32.msk $0xffff, v2  }
0x85: {  	v1 =	vld [tilespmem:s31+$0x2030];
	_ =	sdelay $0x4  }
0x86: {  	v2 =	vand.u32 $0x1FFFF, v1  }
0x87: {  	v2 =	vcvt.s32.f32 v2  }
0x88: {  	v1 =	vshrl.u32 v1, $0x11  }
0x89: {  	v2 =	vmul.f32 $1.525878910e-05, v2;
	_ =	sdelay $0x1  }
0x8a: {  	s16 =	simm.s32 $0x200;
	s15 =	simm.s32 $0x100;
	v2 =	vadd.f32 $4.096000000e+03, v2  }
.LBB2_6:
0x8b: {  	p0 =	sne.s32 s16, $0x7F00  }
0x8c: {  	s17 =	sshra.s32 s15, $0x2;
	s15 =	smov.u32 s16;
	s16 =	sadd.s32 $0x100, s16;
	[tilespmem:v1+s11+$0x0] =	vst.idx.add.f32.msk $0xffff, v2  }
0x8d: {  	v1 =	vld [tilespmem:s17+$0x2000];
	_ =	sdelay $0x4  }
0x8e: {  	v2 =	vand.u32 $0x1FFFF, v1  }
0x8f: {  	v2 =	vcvt.s32.f32 v2  }
0x90: {  	v1 =	vshrl.u32 v1, $0x11  }
0x91: {  	v2 =	vmul.f32 $1.525878910e-05, v2;
	_ =	sdelay $0x1  }
0x92: {  	v2 =	vadd.f32 $4.096000000e+03, v2;
	_ =	sdelay $0x1  }
0x93: {  	[tilespmem:v1+s11+$0x0] =	vst.idx.add.f32.msk $0xffff, v2  }
0x94: {  	v1 =	vld [tilespmem:s17+$0x2010];
	_ =	sdelay $0x4  }
0x95: {  	v2 =	vand.u32 $0x1FFFF, v1  }
0x96: {  	v2 =	vcvt.s32.f32 v2  }
0x97: {  	v1 =	vshrl.u32 v1, $0x11  }
0x98: {  	v2 =	vmul.f32 $1.525878910e-05, v2;
	_ =	sdelay $0x1  }
0x99: {  	v2 =	vadd.f32 $4.096000000e+03, v2;
	_ =	sdelay $0x1  }
0x9a: {  	[tilespmem:v1+s11+$0x0] =	vst.idx.add.f32.msk $0xffff, v2  }
0x9b: {  	v1 =	vld [tilespmem:s17+$0x2020];
	_ =	sdelay $0x4  }
0x9c: {  	v2 =	vand.u32 $0x1FFFF, v1  }
0x9d: {  	v2 =	vcvt.s32.f32 v2  }
0x9e: {  	v1 =	vshrl.u32 v1, $0x11  }
0x9f: {  	v2 =	vmul.f32 $1.525878910e-05, v2;
	_ =	sdelay $0x1  }
0xa0: {  	v2 =	vadd.f32 $4.096000000e+03, v2;
	_ =	sdelay $0x1  }
0xa1: {  	[tilespmem:v1+s11+$0x0] =	vst.idx.add.f32.msk $0xffff, v2  }
0xa2: {  	v1 =	vld [tilespmem:s17+$0x2030];
	_ =	sdelay $0x4  }
0xa3: {  	v2 =	vand.u32 $0x1FFFF, v1  }
.Ltmp2:
0xa4: {  	v2 =	vcvt.s32.f32 v2;
	(pc) =	sbr.rel @p0 .LBB2_6-.Ltmp2, $3  }
0xa5: {  	v1 =	vshrl.u32 v1, $0x11  }
0xa6: {  	v2 =	vmul.f32 $1.525878910e-05, v2;
	_ =	sdelay $0x1  }
0xa7: {  	v2 =	vadd.f32 $4.096000000e+03, v2  }
0xa8: {  	_ =	sdelay $0x3  }
0xa9: {  	s15 =	sshra.s32 s15, $0x2;
	[tilespmem:v1+s11+$0x0] =	vst.idx.add.f32.msk $0xffff, v2  }
0xaa: {  	v1 =	vld [tilespmem:s15+$0x2000];
	_ =	sdelay $0x4  }
0xab: {  	v2 =	vand.u32 $0x1FFFF, v1  }
0xac: {  	v2 =	vcvt.s32.f32 v2  }
0xad: {  	v1 =	vshrl.u32 v1, $0x11  }
0xae: {  	v2 =	vmul.f32 $1.525878910e-05, v2;
	_ =	sdelay $0x1  }
0xaf: {  	v2 =	vadd.f32 $4.096000000e+03, v2;
	_ =	sdelay $0x1  }
0xb0: {  	[tilespmem:v1+s11+$0x0] =	vst.idx.add.f32.msk $0xffff, v2  }
0xb1: {  	v1 =	vld [tilespmem:s15+$0x2010];
	_ =	sdelay $0x4  }
0xb2: {  	v2 =	vand.u32 $0x1FFFF, v1  }
0xb3: {  	v2 =	vcvt.s32.f32 v2  }
0xb4: {  	v1 =	vshrl.u32 v1, $0x11  }
0xb5: {  	v2 =	vmul.f32 $1.525878910e-05, v2;
	_ =	sdelay $0x1  }
0xb6: {  	v2 =	vadd.f32 $4.096000000e+03, v2;
	_ =	sdelay $0x1  }
0xb7: {  	[tilespmem:v1+s11+$0x0] =	vst.idx.add.f32.msk $0xffff, v2  }
0xb8: {  	v1 =	vld [tilespmem:s15+$0x2020];
	_ =	sdelay $0x4  }
0xb9: {  	v2 =	vand.u32 $0x1FFFF, v1  }
0xba: {  	v2 =	vcvt.s32.f32 v2  }
0xbb: {  	v1 =	vshrl.u32 v1, $0x11  }
0xbc: {  	v2 =	vmul.f32 $1.525878910e-05, v2;
	_ =	sdelay $0x1  }
0xbd: {  	v2 =	vadd.f32 $4.096000000e+03, v2;
	_ =	sdelay $0x1  }
0xbe: {  	[tilespmem:v1+s11+$0x0] =	vst.idx.add.f32.msk $0xffff, v2  }
0xbf: {  	v1 =	vld [tilespmem:s15+$0x2030];
	_ =	sdelay $0x4  }
0xc0: {  	v2 =	vand.u32 $0x1FFFF, v1  }
0xc1: {  	v2 =	vcvt.s32.f32 v2  }
0xc2: {  	v1 =	vshrl.u32 v1, $0x11  }
0xc3: {  	v2 =	vmul.f32 $1.525878910e-05, v2;
	_ =	sdelay $0x1  }
0xc4: {  	v2 =	vadd.f32 $4.096000000e+03, v2;
	_ =	sdelay $0x1  }
0xc5: {  	s30 =	simm.s32 $0x0;
	[tilespmem:v1+s11+$0x0] =	vst.idx.add.f32.msk $0xffff, v2  }
0xc6: {  	[tilespmem:s9], [sflag:$0x2] =	stream.linear.gather [hbm4b:s6+s30], $0x2000, $0x38;
	[tilespmem:$0x6400] =	vst v63  }
0xc7: {  	_ =	swait.ge [sflag:s10], $0x2000  }
0xc8: {  	[sflag:s10] =	ssyncset.done $0x0  }
0xc9: {  	s31 =	simm.s32 $0x0;
	[sflag:s10] =	ssyncadd.s32 $0xFFFFE000  }
0xca: {  	v1 =	vld [tilespmem:s31+$0x0];
	_ =	sdelay $0x4  }
0xcb: {  	v2 =	vand.u32 $0x1FFFF, v1  }
0xcc: {  	v2 =	vcvt.s32.f32 v2  }
0xcd: {  	v1 =	vshrl.u32 v1, $0x11  }
0xce: {  	v2 =	vmul.f32 $1.525878910e-05, v2;
	_ =	sdelay $0x1  }
0xcf: {  	v2 =	vadd.f32 $4.096000000e+03, v2;
	_ =	sdelay $0x1  }
0xd0: {  	[tilespmem:v1+s11+$0x0] =	vst.idx.add.f32.msk $0xffff, v2  }
0xd1: {  	v1 =	vld [tilespmem:s31+$0x10];
	_ =	sdelay $0x4  }
0xd2: {  	v2 =	vand.u32 $0x1FFFF, v1  }
0xd3: {  	v2 =	vcvt.s32.f32 v2  }
0xd4: {  	v1 =	vshrl.u32 v1, $0x11  }
0xd5: {  	v2 =	vmul.f32 $1.525878910e-05, v2;
	_ =	sdelay $0x1  }
0xd6: {  	v2 =	vadd.f32 $4.096000000e+03, v2;
	_ =	sdelay $0x1  }
0xd7: {  	[tilespmem:v1+s11+$0x0] =	vst.idx.add.f32.msk $0xffff, v2  }
0xd8: {  	v1 =	vld [tilespmem:s31+$0x20];
	_ =	sdelay $0x4  }
0xd9: {  	v2 =	vand.u32 $0x1FFFF, v1  }
0xda: {  	v2 =	vcvt.s32.f32 v2  }
0xdb: {  	v1 =	vshrl.u32 v1, $0x11  }
0xdc: {  	v2 =	vmul.f32 $1.525878910e-05, v2;
	_ =	sdelay $0x1  }
0xdd: {  	v2 =	vadd.f32 $4.096000000e+03, v2;
	_ =	sdelay $0x1  }
0xde: {  	[tilespmem:v1+s11+$0x0] =	vst.idx.add.f32.msk $0xffff, v2  }
0xdf: {  	v1 =	vld [tilespmem:s31+$0x30];
	_ =	sdelay $0x4  }
0xe0: {  	v2 =	vand.u32 $0x1FFFF, v1  }
0xe1: {  	v2 =	vcvt.s32.f32 v2  }
0xe2: {  	v1 =	vshrl.u32 v1, $0x11  }
0xe3: {  	v2 =	vmul.f32 $1.525878910e-05, v2;
	_ =	sdelay $0x1  }
0xe4: {  	s16 =	simm.s32 $0x200;
	s15 =	simm.s32 $0x100;
	v2 =	vadd.f32 $4.096000000e+03, v2  }
.LBB2_8:
0xe5: {  	p0 =	sne.s32 s16, $0x7F00  }
0xe6: {  	s17 =	sshra.s32 s15, $0x2;
	s15 =	smov.u32 s16;
	s16 =	sadd.s32 $0x100, s16;
	[tilespmem:v1+s11+$0x0] =	vst.idx.add.f32.msk $0xffff, v2  }
0xe7: {  	v1 =	vld [tilespmem:s17+$0x0];
	_ =	sdelay $0x4  }
0xe8: {  	v2 =	vand.u32 $0x1FFFF, v1  }
0xe9: {  	v2 =	vcvt.s32.f32 v2  }
0xea: {  	v1 =	vshrl.u32 v1, $0x11  }
0xeb: {  	v2 =	vmul.f32 $1.525878910e-05, v2;
	_ =	sdelay $0x1  }
0xec: {  	v2 =	vadd.f32 $4.096000000e+03, v2;
	_ =	sdelay $0x1  }
0xed: {  	[tilespmem:v1+s11+$0x0] =	vst.idx.add.f32.msk $0xffff, v2  }
0xee: {  	v1 =	vld [tilespmem:s17+$0x10];
	_ =	sdelay $0x4  }
0xef: {  	v2 =	vand.u32 $0x1FFFF, v1  }
0xf0: {  	v2 =	vcvt.s32.f32 v2  }
0xf1: {  	v1 =	vshrl.u32 v1, $0x11  }
0xf2: {  	v2 =	vmul.f32 $1.525878910e-05, v2;
	_ =	sdelay $0x1  }
0xf3: {  	v2 =	vadd.f32 $4.096000000e+03, v2;
	_ =	sdelay $0x1  }
0xf4: {  	[tilespmem:v1+s11+$0x0] =	vst.idx.add.f32.msk $0xffff, v2  }
0xf5: {  	v1 =	vld [tilespmem:s17+$0x20];
	_ =	sdelay $0x4  }
0xf6: {  	v2 =	vand.u32 $0x1FFFF, v1  }
0xf7: {  	v2 =	vcvt.s32.f32 v2  }
0xf8: {  	v1 =	vshrl.u32 v1, $0x11  }
0xf9: {  	v2 =	vmul.f32 $1.525878910e-05, v2;
	_ =	sdelay $0x1  }
0xfa: {  	v2 =	vadd.f32 $4.096000000e+03, v2;
	_ =	sdelay $0x1  }
0xfb: {  	[tilespmem:v1+s11+$0x0] =	vst.idx.add.f32.msk $0xffff, v2  }
0xfc: {  	v1 =	vld [tilespmem:s17+$0x30];
	_ =	sdelay $0x4  }
0xfd: {  	v2 =	vand.u32 $0x1FFFF, v1  }
.Ltmp3:
0xfe: {  	v2 =	vcvt.s32.f32 v2;
	(pc) =	sbr.rel @p0 .LBB2_8-.Ltmp3, $3  }
0xff: {  	v1 =	vshrl.u32 v1, $0x11  }
0x100: {  	v2 =	vmul.f32 $1.525878910e-05, v2;
	_ =	sdelay $0x1  }
0x101: {  	v2 =	vadd.f32 $4.096000000e+03, v2  }
0x102: {  	_ =	sdelay $0x3  }
0x103: {  	s15 =	sshra.s32 s15, $0x2;
	[tilespmem:v1+s11+$0x0] =	vst.idx.add.f32.msk $0xffff, v2  }
0x104: {  	v1 =	vld [tilespmem:s15+$0x0];
	_ =	sdelay $0x4  }
0x105: {  	v2 =	vand.u32 $0x1FFFF, v1  }
0x106: {  	v2 =	vcvt.s32.f32 v2  }
0x107: {  	v1 =	vshrl.u32 v1, $0x11  }
0x108: {  	v2 =	vmul.f32 $1.525878910e-05, v2;
	_ =	sdelay $0x1  }
0x109: {  	v2 =	vadd.f32 $4.096000000e+03, v2;
	_ =	sdelay $0x1  }
0x10a: {  	[tilespmem:v1+s11+$0x0] =	vst.idx.add.f32.msk $0xffff, v2  }
0x10b: {  	v1 =	vld [tilespmem:s15+$0x10];
	_ =	sdelay $0x4  }
0x10c: {  	v2 =	vand.u32 $0x1FFFF, v1  }
0x10d: {  	v2 =	vcvt.s32.f32 v2  }
0x10e: {  	v1 =	vshrl.u32 v1, $0x11  }
0x10f: {  	v2 =	vmul.f32 $1.525878910e-05, v2;
	_ =	sdelay $0x1  }
0x110: {  	v2 =	vadd.f32 $4.096000000e+03, v2;
	_ =	sdelay $0x1  }
0x111: {  	[tilespmem:v1+s11+$0x0] =	vst.idx.add.f32.msk $0xffff, v2  }
0x112: {  	v1 =	vld [tilespmem:s15+$0x20];
	_ =	sdelay $0x4  }
0x113: {  	v2 =	vand.u32 $0x1FFFF, v1  }
0x114: {  	v2 =	vcvt.s32.f32 v2  }
0x115: {  	v1 =	vshrl.u32 v1, $0x11  }
0x116: {  	v2 =	vmul.f32 $1.525878910e-05, v2;
	_ =	sdelay $0x1  }
0x117: {  	v2 =	vadd.f32 $4.096000000e+03, v2;
	_ =	sdelay $0x1  }
0x118: {  	[tilespmem:v1+s11+$0x0] =	vst.idx.add.f32.msk $0xffff, v2  }
0x119: {  	v1 =	vld [tilespmem:s15+$0x30];
	_ =	sdelay $0x4  }
0x11a: {  	v2 =	vand.u32 $0x1FFFF, v1  }
0x11b: {  	v2 =	vcvt.s32.f32 v2  }
0x11c: {  	v1 =	vshrl.u32 v1, $0x11  }
0x11d: {  	v2 =	vmul.f32 $1.525878910e-05, v2;
	_ =	sdelay $0x1  }
0x11e: {  	v2 =	vadd.f32 $4.096000000e+03, v2;
	_ =	sdelay $0x1  }
0x11f: {  	[tilespmem:v1+s11+$0x0] =	vst.idx.add.f32.msk $0xffff, v2  }
0x120: {  	_ =	swait.ge [sflag:s12], $0x2000  }
0x121: {  	[sflag:s12] =	ssyncset.done $0x0  }
0x122: {  	s31 =	simm.s32 $0x0;
	[sflag:s12] =	ssyncadd.s32 $0xFFFFE000  }
0x123: {  	v1 =	vld [tilespmem:s31+$0x2000];
	_ =	sdelay $0x4  }
0x124: {  	v2 =	vand.u32 $0x1FFFF, v1  }
0x125: {  	v2 =	vcvt.s32.f32 v2  }
0x126: {  	v1 =	vshrl.u32 v1, $0x11  }
0x127: {  	v2 =	vmul.f32 $1.525878910e-05, v2;
	_ =	sdelay $0x1  }
0x128: {  	v2 =	vadd.f32 $4.096000000e+03, v2;
	_ =	sdelay $0x1  }
0x129: {  	[tilespmem:v1+s11+$0x0] =	vst.idx.add.f32.msk $0xffff, v2  }
0x12a: {  	v1 =	vld [tilespmem:s31+$0x2010];
	_ =	sdelay $0x4  }
0x12b: {  	v2 =	vand.u32 $0x1FFFF, v1  }
0x12c: {  	v2 =	vcvt.s32.f32 v2  }
0x12d: {  	v1 =	vshrl.u32 v1, $0x11  }
0x12e: {  	v2 =	vmul.f32 $1.525878910e-05, v2;
	_ =	sdelay $0x1  }
0x12f: {  	v2 =	vadd.f32 $4.096000000e+03, v2;
	_ =	sdelay $0x1  }
0x130: {  	[tilespmem:v1+s11+$0x0] =	vst.idx.add.f32.msk $0xffff, v2  }
0x131: {  	v1 =	vld [tilespmem:s31+$0x2020];
	_ =	sdelay $0x4  }
0x132: {  	v2 =	vand.u32 $0x1FFFF, v1  }
0x133: {  	v2 =	vcvt.s32.f32 v2  }
0x134: {  	v1 =	vshrl.u32 v1, $0x11  }
0x135: {  	v2 =	vmul.f32 $1.525878910e-05, v2;
	_ =	sdelay $0x1  }
0x136: {  	v2 =	vadd.f32 $4.096000000e+03, v2;
	_ =	sdelay $0x1  }
0x137: {  	[tilespmem:v1+s11+$0x0] =	vst.idx.add.f32.msk $0xffff, v2  }
0x138: {  	v1 =	vld [tilespmem:s31+$0x2030];
	_ =	sdelay $0x4  }
0x139: {  	v2 =	vand.u32 $0x1FFFF, v1  }
0x13a: {  	v2 =	vcvt.s32.f32 v2  }
0x13b: {  	v1 =	vshrl.u32 v1, $0x11  }
0x13c: {  	v2 =	vmul.f32 $1.525878910e-05, v2;
	_ =	sdelay $0x1  }
0x13d: {  	s16 =	simm.s32 $0x200;
	s15 =	simm.s32 $0x100;
	v2 =	vadd.f32 $4.096000000e+03, v2  }
.LBB2_10:
0x13e: {  	p0 =	sne.s32 s16, $0x7F00  }
0x13f: {  	s17 =	sshra.s32 s15, $0x2;
	s15 =	smov.u32 s16;
	s16 =	sadd.s32 $0x100, s16;
	[tilespmem:v1+s11+$0x0] =	vst.idx.add.f32.msk $0xffff, v2  }
0x140: {  	v1 =	vld [tilespmem:s17+$0x2000];
	_ =	sdelay $0x4  }
0x141: {  	v2 =	vand.u32 $0x1FFFF, v1  }
0x142: {  	v2 =	vcvt.s32.f32 v2  }
0x143: {  	v1 =	vshrl.u32 v1, $0x11  }
0x144: {  	v2 =	vmul.f32 $1.525878910e-05, v2;
	_ =	sdelay $0x1  }
0x145: {  	v2 =	vadd.f32 $4.096000000e+03, v2;
	_ =	sdelay $0x1  }
0x146: {  	[tilespmem:v1+s11+$0x0] =	vst.idx.add.f32.msk $0xffff, v2  }
0x147: {  	v1 =	vld [tilespmem:s17+$0x2010];
	_ =	sdelay $0x4  }
0x148: {  	v2 =	vand.u32 $0x1FFFF, v1  }
0x149: {  	v2 =	vcvt.s32.f32 v2  }
0x14a: {  	v1 =	vshrl.u32 v1, $0x11  }
0x14b: {  	v2 =	vmul.f32 $1.525878910e-05, v2;
	_ =	sdelay $0x1  }
0x14c: {  	v2 =	vadd.f32 $4.096000000e+03, v2;
	_ =	sdelay $0x1  }
0x14d: {  	[tilespmem:v1+s11+$0x0] =	vst.idx.add.f32.msk $0xffff, v2  }
0x14e: {  	v1 =	vld [tilespmem:s17+$0x2020];
	_ =	sdelay $0x4  }
0x14f: {  	v2 =	vand.u32 $0x1FFFF, v1  }
0x150: {  	v2 =	vcvt.s32.f32 v2  }
0x151: {  	v1 =	vshrl.u32 v1, $0x11  }
0x152: {  	v2 =	vmul.f32 $1.525878910e-05, v2;
	_ =	sdelay $0x1  }
0x153: {  	v2 =	vadd.f32 $4.096000000e+03, v2;
	_ =	sdelay $0x1  }
0x154: {  	[tilespmem:v1+s11+$0x0] =	vst.idx.add.f32.msk $0xffff, v2  }
0x155: {  	v1 =	vld [tilespmem:s17+$0x2030];
	_ =	sdelay $0x4  }
0x156: {  	v2 =	vand.u32 $0x1FFFF, v1  }
.Ltmp4:
0x157: {  	v2 =	vcvt.s32.f32 v2;
	(pc) =	sbr.rel @p0 .LBB2_10-.Ltmp4, $3  }
0x158: {  	v1 =	vshrl.u32 v1, $0x11  }
0x159: {  	v2 =	vmul.f32 $1.525878910e-05, v2;
	_ =	sdelay $0x1  }
0x15a: {  	v2 =	vadd.f32 $4.096000000e+03, v2  }
0x15b: {  	_ =	sdelay $0x3  }
0x15c: {  	s15 =	sshra.s32 s15, $0x2;
	[tilespmem:v1+s11+$0x0] =	vst.idx.add.f32.msk $0xffff, v2  }
0x15d: {  	v1 =	vld [tilespmem:s15+$0x2000];
	_ =	sdelay $0x4  }
0x15e: {  	v2 =	vand.u32 $0x1FFFF, v1  }
0x15f: {  	v2 =	vcvt.s32.f32 v2  }
0x160: {  	v1 =	vshrl.u32 v1, $0x11  }
0x161: {  	v2 =	vmul.f32 $1.525878910e-05, v2;
	_ =	sdelay $0x1  }
0x162: {  	v2 =	vadd.f32 $4.096000000e+03, v2;
	_ =	sdelay $0x1  }
0x163: {  	[tilespmem:v1+s11+$0x0] =	vst.idx.add.f32.msk $0xffff, v2  }
0x164: {  	v1 =	vld [tilespmem:s15+$0x2010];
	_ =	sdelay $0x4  }
0x165: {  	v2 =	vand.u32 $0x1FFFF, v1  }
0x166: {  	v2 =	vcvt.s32.f32 v2  }
0x167: {  	v1 =	vshrl.u32 v1, $0x11  }
0x168: {  	v2 =	vmul.f32 $1.525878910e-05, v2;
	_ =	sdelay $0x1  }
0x169: {  	v2 =	vadd.f32 $4.096000000e+03, v2;
	_ =	sdelay $0x1  }
0x16a: {  	[tilespmem:v1+s11+$0x0] =	vst.idx.add.f32.msk $0xffff, v2  }
0x16b: {  	v1 =	vld [tilespmem:s15+$0x2020];
	_ =	sdelay $0x4  }
0x16c: {  	v2 =	vand.u32 $0x1FFFF, v1  }
0x16d: {  	v2 =	vcvt.s32.f32 v2  }
0x16e: {  	v1 =	vshrl.u32 v1, $0x11  }
0x16f: {  	v2 =	vmul.f32 $1.525878910e-05, v2;
	_ =	sdelay $0x1  }
0x170: {  	v2 =	vadd.f32 $4.096000000e+03, v2;
	_ =	sdelay $0x1  }
0x171: {  	[tilespmem:v1+s11+$0x0] =	vst.idx.add.f32.msk $0xffff, v2  }
0x172: {  	v1 =	vld [tilespmem:s15+$0x2030];
	_ =	sdelay $0x4  }
0x173: {  	v2 =	vand.u32 $0x1FFFF, v1  }
0x174: {  	v2 =	vcvt.s32.f32 v2  }
0x175: {  	v1 =	vshrl.u32 v1, $0x11  }
0x176: {  	v2 =	vmul.f32 $1.525878910e-05, v2;
	_ =	sdelay $0x1  }
0x177: {  	s14 =	sadd.s32 $0x1, s14;
	v2 =	vadd.f32 $4.096000000e+03, v2  }
0x178: {  	p0 =	sne.s32 s14, s8  }
.Ltmp5:
0x179: {  	[tilespmem:v1+s11+$0x0] =	vst.idx.add.f32.msk $0xffff, v2;
	(pc) =	sbr.rel @p0 .LBB2_1-.Ltmp5, $4  }
0x17a: {  	[hbm4b:s7+s2] =	stream.linear.scatter [tilespmem:s11], [sflag:$0x3], $0x2400, $0x38;
	[tilespmem:$0x6400] =	vst v63  }
0x17b: {  	_ =	swait.ge [sflag:s13], $0x2400  }
0x17c: {  	[sflag:s13] =	ssyncset.done $0x0  }
0x17d: {  	[sflag:s13] =	ssyncadd.s32 $0xFFFFDC00  }
0x17e: {  	_ =	sfence.sel $0x180000  }
0x17f: {  	[bflag:$0x0] =	sbarrier.arrive $0xFFFF  }
0x180: {  	p0 =	sne.s32 s0, $0x0;
	_ =	strace $0x90000047  }
0x181: {  	s0 =	sadd.s32 @!p0 $0x100000, s1;
	[bflag:$0x2] =	sbarrier.arrive $0xFFFF  }
0x182: {  	[sflag:s0] =	ssyncadd.tile.s32 @!p0 $0x1;
	_ =	shalt  }
.Lfunc_end2:
_tile_overlayer_lowered:
.L_overlay_start_2:
0x183: {  	(tag) =	ssettag $0x2  }
0x184: {  	s0 =	rddreg [dreg:$0x0];
	s2 =	stileid.u32  }
0x185: {  	s1 =	rddreg [dreg:$0x1];
	p0 =	sne.s32 s2, $0x0  }
0x186: {  	s3 =	rddreg [dreg:$0x2];
	[bflag:$0x3] =	sbarrier.arrive $0xFFFF;
	s2 =	simm.s32 @!p0 $0x1C03  }
0x187: {  	[timem:s3], [sflag:s2] =	dma.local @!p0 [hbm:s0], s1  }
0x188: {  	s0 =	simm.s32 @!p0 $0x3  }
0x189: {  	_ =	swait.ge @!p0 [sflag:s0], s1  }
0x18a: {  	s1 =	ssub.s32 @!p0 $0x0, s1;
	[sflag:s0] =	ssyncset.done @!p0 $0x0  }
0x18b: {  	[sflag:s0] =	ssyncadd.s32 @!p0 s1  }
0x18c: {  	[bflag:$0x3] =	sbarrier.arrive $0xFFFF  }
0x18d: {  	_ =	shalt  }

// kernel: kernel.7.cloned.1.call-start
scs
__scs_entry_jumppad:
0x0: {  	(pc) =	sbr.rel $0x88, $3  }
0x1: {  	(tag) =	ssettag $0x0;
	lr =	simm.s32 $0x1  }
0x2: {  	[smem:$0x3F9F] =	sst lr;
	_ =	strace $0xD0000000  }
0x3: {  	_ = 	snop  }
0x4: {  	_ = 	snop  }
0x5: {  	_ = 	snop  }
0x6: {  	_ = 	snop  }
0x7: {  	_ = 	snop  }
__scs_overlays_trampoline_lowered:
0x8: {  	[smem:$0x3FAE] =	sst s0  }
0x9: {  	[smem:$0x3FAF] =	sst s1  }
0xa: {  	[smem:$0x3FB0] =	sst s2  }
0xb: {  	[smem:$0x3FB1] =	sst s3  }
0xc: {  	[smem:$0x3FB2] =	sst s4  }
0xd: {  	[smem:$0x3FB3] =	sst s5  }
0xe: {  	[smem:$0x3FB4] =	sst s6  }
0xf: {  	[smem:$0x3FB5] =	sst s7  }
0x10: {  	[smem:$0x3FB6] =	sst s8  }
0x11: {  	[smem:$0x3FB7] =	sst s9;
	s0 =	simm.s32 @!p0 $0x0  }
0x12: {  	s1 =	sld [smem:$0x3F9D];
	s0 =	simm.s32 @p0 $0x1  }
0x13: {  	[smem:$0x3FB8] =	sst s0;
	s0 =	simm.s32 @!p1 $0x0  }
0x14: {  	s2 =	sld [smem:$0x3F9C];
	s0 =	simm.s32 @p1 $0x1  }
0x15: {  	[smem:$0x3FB9] =	sst s0;
	s0 =	simm.s32 @!p2 $0x0  }
0x16: {  	s3 =	sld [smem:$0x3FDB];
	s0 =	simm.s32 @p2 $0x1  }
0x17: {  	s4 =	simm.s32 $0x1BF5;
	[smem:$0x3FBB] =	sst s0  }
0x18: {  	s0 =	sld [smem:$0x3F9E];
	_ =	swait.ge [sflag:s4], $0x0  }
0x19: {  	s7 =	sld [smem:$0x3F9F]  }
0x1a: {  	s8 =	sadd.s32 $0xFFFFE003, lr  }
0x1b: {  	s9 =	sadd.s32 $0xFFFFFEF7, lr;
	s5 =	simm.s32 $0xFFFFFFFF;
	p2 =	slt.u32 s8, $0xFFFFF086  }
0x1c: {  	p1 =	slt.u32 s9, $0xF7A;
	s5 =	simm.s32 @!p2 $0x0  }
0x1d: {  	s5 =	simm.s32 @p1 $0x1;
	p0 =	seq.s32 s7, s2  }
0x1e: {  	s7 =	smul.u32 @!p0 $0xF7A, s2;
	p2 =	seq.s32 @!p0 s5, $0x0  }
0x1f: {  	s9 =	smul.u32 $0xF7A, s1;
	s8 =	simm.s32 @!p0 $0x1BF5;
	p2 =	por !p2, p0  }
0x20: {  	[sflag:s8] =	ssyncset.s32 @!p0 $0xFFFFF086;
	s6 =	sadd.s32 @!p0 s3, s7;
	s7 =	simm.s32 @!p0 $0x108  }
0x21: {  	s3 =	sadd.s32 s3, s9;
	s6 =	sadd.s32 @!p0 $0x88, s6;
	s7 =	simm.s32 @p2 $0x1082  }
0x22: {  	[simem:s7], [sflag:s8] =	dma.local @!p0 [hbm:s6], $0xF7A  }
0x23: {  	s9 =	sor.u32 $0xD0000000, s2;
	s6 =	simm.s32 $0x108;
	_ =	swait.ge @!p0 [sflag:s8], $0x0  }
0x24: {  	s3 =	sadd.s32 $0x88, s3;
	s6 =	simm.s32 @!p1 $0x1082;
	[sflag:s4] =	ssyncset.s32 $0xFFFFF086  }
0x25: {  	[simem:s6], [sflag:s4] =	dma.local [hbm:s3], $0xF7A  }
0x26: {  	[smem:$0x3F9F] =	sst s1;
	(tag) =	ssettag s2;
	_ =	strace s9  }
0x27: {  	s1 =	sld [smem:$0x3FAF]  }
0x28: {  	s2 =	sld [smem:$0x3FB0]  }
0x29: {  	s4 =	sld [smem:$0x3FB2]  }
0x2a: {  	p0 =	seq.s32 s5, $0x0;
	s5 =	sld [smem:$0x3FB3]  }
0x2b: {  	s6 =	sld [smem:$0x3FB4]  }
0x2c: {  	s7 =	sld [smem:$0x3FB5]  }
0x2d: {  	s3 =	simm.s32 $0x108;
	s8 =	sld [smem:$0x3FB6]  }
0x2e: {  	s3 =	simm.s32 @!p0 $0x1082;
	s9 =	sld [smem:$0x3FB7]  }
0x2f: {  	lr =	sadd.s32 s0, s3;
	s0 =	sld [smem:$0x3FAE]  }
0x30: {  	s3 =	sld [smem:$0x3FB1]  }
0x31: {  	[smem:$0x3FBA] =	sst s10  }
0x32: {  	s10 =	sld [smem:$0x3FB8];
	_ =	sdelay $0x3  }
0x33: {  	p0 =	seq.s32 s10, $0x1;
	s10 =	sld [smem:$0x3FBA];
	_ =	sdelay $0x3  }
0x34: {  	[smem:$0x3FBA] =	sst s10  }
0x35: {  	s10 =	sld [smem:$0x3FB9];
	_ =	sdelay $0x3  }
0x36: {  	p1 =	seq.s32 s10, $0x1;
	s10 =	sld [smem:$0x3FBA];
	_ =	sdelay $0x3  }
0x37: {  	[smem:$0x3FBA] =	sst s10  }
0x38: {  	s10 =	sld [smem:$0x3FBB]  }
0x39: {  	_ = 	snop;
	(pc) =	sbr.ind lr, $3  }
0x3a: {  	_ = 	snop  }
0x3b: {  	_ = 	snop  }
0x3c: {  	p2 =	seq.s32 s10, $0x1;
	s10 =	sld [smem:$0x3FBA]  }
0x3d: {  	_ =	shalt  }
0x3e: {  	_ =	shalt  }
0x3f: {  	_ =	shalt  }
0x40: {  	_ =	shalt  }
0x41: {  	_ =	shalt  }
0x42: {  	_ =	shalt  }
0x43: {  	_ =	shalt  }
0x44: {  	_ =	shalt  }
0x45: {  	_ =	shalt  }
0x46: {  	_ =	shalt  }
0x47: {  	_ =	shalt  }
0x48: {  	_ =	shalt  }
0x49: {  	_ =	shalt  }
0x4a: {  	_ =	shalt  }
0x4b: {  	_ =	shalt  }
0x4c: {  	_ =	shalt  }
0x4d: {  	_ =	shalt  }
0x4e: {  	_ =	shalt  }
0x4f: {  	_ =	shalt  }
0x50: {  	_ =	shalt  }
0x51: {  	_ =	shalt  }
0x52: {  	_ =	shalt  }
0x53: {  	_ =	shalt  }
0x54: {  	_ =	shalt  }
0x55: {  	_ =	shalt  }
0x56: {  	_ =	shalt  }
0x57: {  	_ =	shalt  }
0x58: {  	_ =	shalt  }
0x59: {  	_ =	shalt  }
0x5a: {  	_ =	shalt  }
0x5b: {  	_ =	shalt  }
0x5c: {  	_ =	shalt  }
0x5d: {  	_ =	shalt  }
0x5e: {  	_ =	shalt  }
0x5f: {  	_ =	shalt  }
0x60: {  	_ =	shalt  }
0x61: {  	_ =	shalt  }
0x62: {  	_ =	shalt  }
0x63: {  	_ =	shalt  }
0x64: {  	_ =	shalt  }
0x65: {  	_ =	shalt  }
0x66: {  	_ =	shalt  }
0x67: {  	_ =	shalt  }
0x68: {  	_ =	shalt  }
0x69: {  	_ =	shalt  }
0x6a: {  	_ =	shalt  }
0x6b: {  	_ =	shalt  }
0x6c: {  	_ =	shalt  }
0x6d: {  	_ =	shalt  }
0x6e: {  	_ =	shalt  }
0x6f: {  	_ =	shalt  }
0x70: {  	_ =	shalt  }
0x71: {  	_ =	shalt  }
0x72: {  	_ =	shalt  }
0x73: {  	_ =	shalt  }
0x74: {  	_ =	shalt  }
0x75: {  	_ =	shalt  }
0x76: {  	_ =	shalt  }
0x77: {  	_ =	shalt  }
0x78: {  	_ =	shalt  }
0x79: {  	_ =	shalt  }
0x7a: {  	_ =	shalt  }
0x7b: {  	_ =	shalt  }
0x7c: {  	_ =	shalt  }
0x7d: {  	_ =	shalt  }
0x7e: {  	_ =	shalt  }
0x7f: {  	_ =	shalt  }
0x80: {  	_ =	shalt  }
0x81: {  	_ =	shalt  }
0x82: {  	_ =	shalt  }
0x83: {  	_ =	shalt  }
0x84: {  	_ =	shalt  }
0x85: {  	_ =	shalt  }
0x86: {  	_ =	shalt  }
0x87: {  	_ =	shalt  }
.Lfunc_end0:
.L_simem_size_0:
called_computation_lowered:
.L_overlay_start_0:
0x88: {  	s2 =	sld [smem:$0x3FD9]  }
0x89: {  	s3 =	sld [smem:$0x3FFE];
	_ =	sdelay $0x1  }
0x8a: {  	s1 =	srdreg.scid  }
0x8b: {  	s0 =	sand.u32 $0x1, s1  }
0x8c: {  	s17 =	sshll.u32 s0, $0xA;
	s2 =	sadd.s32 s3, s2  }
0x8d: {  	s2 =	sadd.s32 s2, s17  }
0x8e: {  	[smem:$0x3FC6] =	sst s2  }
0x8f: {  	_ = 	snop  }
0x90: {  	(tm) =	ssettm $0x1  }
0x91: {  	s18 =	sld [smem:$0x3FFB];
	_ =	sdelay $0x3  }
0x92: {  	_ =	strace s18  }
0x93: {  	s2 =	sld [smem:$0x3FFC];
	_ =	sdelay $0x3  }
0x94: {  	_ =	strace s2  }
0x95: {  	s2 =	sld [smem:$0x3FFD];
	_ =	sdelay $0x3  }
0x96: {  	_ =	strace s2  }
0x97: {  	_ =	strace $0x8FFFFFFF  }
0x98: {  	s19 =	sld [smem:$0x3FDB];
	_ =	sdelay $0x1  }
0x99: {  	s20 =	simm.s32 $_scs_section_size  }
0x9a: {  	s4 =	simm.s32 $_size__tile_overlayer_lowered;
	s5 =	simm.s32 $_tile_overlayer_lowered  }
0x9b: {  	s6 =	simm.s32 $0x1BFF;
	s21 =	sshll.u32 s5, $0x1;
	s3 =	sadd.s32 s20, s19  }
0x9c: {  	s22 =	simm.s32 $0x0;
	s4 =	sshll.u32 s4, $0x1;
	s5 =	sadd.s32 s21, s3  }
0x9d: {  	[timem:s22], [sflag:s6] =	dma.local [hbm:s5], s4  }
0x9e: {  	_ =	swait.ge [sflag:s6], s4  }
0x9f: {  	s4 =	ssub.s32 $0x0, s4;
	[sflag:s6] =	ssyncset.done $0x0  }
0xa0: {  	[sflag:s6] =	ssyncadd.s32 s4;
	_ =	sdelay $0x1  }
0xa1: {  	s23 =	simm.s32 $0x1B8B  }
0xa2: {  	_ =	swait.ge [sflag:s23], $0x1  }
0xa3: {  	[sflag:s23] =	ssyncset.done $0x0  }
0xa4: {  	[sflag:s23] =	ssyncadd.s32 $0xFFFFFFFF  }
0xa5: {  	s4 =	sld [smem:$0x0]  }
0xa6: {  	s5 =	sand.u32 $0xFFFFFFFE, s1  }
0xa7: {  	p0 =	sne.s32 s1, s5  }
0xa8: {  	s5 =	sshll.u32 @p0 s5, $0xE  }
0xa9: {  	s5 =	sadd.s32 @p0 $0x11B8D, s5;
	s6 =	sshll.u32 @p0 s4, $0x11  }
0xaa: {  	s5 =	sor.u32 @p0 s6, s5  }
0xab: {  	[sflag:s5] =	ssyncadd.remote.s32 @p0 $0x1;
	_ =	sdelay $0x1  }
0xac: {  	s5 =	simm.s32 @p0 $0x1B8D  }
0xad: {  	_ =	swait.eq @p0 [sflag:s5], $0x1  }
0xae: {  	[sflag:s5] =	ssyncadd.s32 @p0 $0xFFFFFFFF  }
0xaf: {  	s6 =	sshll.u32 @!p0 s1, $0xE  }
0xb0: {  	s6 =	sor.u32 @!p0 $0x4000, s6;
	s5 =	simm.s32 @!p0 $0x1B8D  }
0xb1: {  	s4 =	sshll.u32 @!p0 s4, $0x11;
	s6 =	sadd.s32 @!p0 $0x11B8D, s6;
	_ =	swait.eq @!p0 [sflag:s5], $0x1  }
0xb2: {  	s4 =	sor.u32 @!p0 s4, s6;
	[sflag:s5] =	ssyncadd.s32 @!p0 $0xFFFFFFFF  }
0xb3: {  	s25 =	simm.s32 $0x1B8E;
	s24 =	sld [smem:$0x3FFE];
	[sflag:s4] =	ssyncadd.remote.s32 @!p0 $0x1  }
0xb4: {  	s26 =	simm.s32 $execute0_lowered;
	[smem:$0x3FD2] =	sst s25  }
0xb5: {  	s5 =	sshll.u32 s26, $0x1;
	_ =	strace $0x80000049;
	[dreg:$0x1] =	wrdreg $0xFFFFFFFF  }
0xb6: {  	s28 =	simm.s32 $_size_execute0_lowered;
	s3 =	sadd.s32 s3, s5;
	[dreg:$0x0] =	wrdreg $0x0  }
0xb7: {  	s5 =	sshll.u32 s28, $0x1;
	[dreg:$0x2] =	wrdreg s3  }
0xb8: {  	[dreg:$0x3] =	wrdreg s5  }
0xb9: {  	[dreg:$0x4] =	wrdreg $0xC0  }
0xba: {  	_ =	task [dreg:s22], $0x5FFFF  }
0xbb: {  	[dreg:$0x1] =	wrdreg $0xFFFFFFFF  }
0xbc: {  	[dreg:$0x0] =	wrdreg $0x60  }
0xbd: {  	[dreg:$0x2] =	wrdreg s24  }
0xbe: {  	[dreg:$0x3] =	wrdreg $0x9  }
0xbf: {  	_ =	task.clear_ibuf [dreg:s22], $0x4FFFF;
	_ =	strace $0x90000049  }
0xc0: {  	s29 =	simm.s32 $0x9;
	_ =	strace $0x8000004B  }
0xc1: {  	_ =	swait.ge [sflag:s29], $0x1  }
0xc2: {  	[sflag:s29] =	ssyncadd.s32 $0xFFFFFFFF  }
0xc3: {  	_ =	strace $0x9000004B  }
0xc4: {  	_ =	sfence  }
0xc5: {  	s30 =	sld [smem:$0x0];
	_ =	sdelay $0x2  }
0xc6: {  	s31 =	sshll.u32 s1, $0xD;
	s1 =	sshrl.u32 s1, $0x2  }
0xc7: {  	s4 =	sand.u32 $0x4000, s31;
	s1 =	sadd.s32 s1, s30  }
0xc8: {  	s0 =	sor.u32 s4, s0;
	s1 =	sshll.u32 s1, $0x11  }
0xc9: {  	s0 =	sor.u32 s1, s0  }
0xca: {  	s0 =	sadd.s32 $0x8F2B, s0  }
0xcb: {  	[sflag:s0] =	ssyncadd.remote.s32 $0x1  }
0xcc: {  	_ =	sfence.sel $0xFFFF  }
0xcd: {  	[dreg:$0x0] =	wrdreg $0xFFFFFFFF;
	(pc) =	sbr.abs _section_cstart, $3  }
0xce: {  	[dreg:$0x1] =	wrdreg $0xFFFFFFFF  }
0xcf: {  	_ =	task.clear_ibuf [dreg:s22], $0x2FFFF;
	_ =	strace $0x9FFFFFFF  }
0xd0: {  	(tm) =	ssettm $0x7FFFFFFF  }
0xd1: {  	_ =	shalt  }
tec
execute0_lowered:
.L_overlay_start_1:
0x0: {  	(tag) =	ssettag $0x1  }
0x1: {  	s1 =	srdreg.scid;
	s0 =	stileid.u32  }
0x2: {  	s3 =	rddreg [dreg:$0x0];
	s2 =	simm.s32 $0x0;
	s11 =	simm.s32 $0x4000  }
0x3: {  	s12 =	simm.s32 $0x2;
	s13 =	simm.s32 $0x3;
	s14 =	simm.s32 $0x0  }
0x4: {  	s4 =	sand.u32 $0x1, s1;
	s5 =	sshll.u32 s0, $0x1;
	s1 =	rddreg [dreg:$0x1]  }
0x5: {  	[smem:$0x7FF] =	sst s2;
	s5 =	sor.u32 s4, s5;
	s4 =	ssub.s32 $0x2, s4  }
0x6: {  	s6 =	smul.u32 $0x480, s5;
	s5 =	sshll.u32 s5, $0xC;
	s7 =	sshrl.u32 s4, $0x1  }
0x7: {  	_ =	strace $0x8000004A;
	s8 =	sadd.s32 s5, s3;
	s10 =	ssub.s32 s4, s7  }
0x8: {  	s9 =	sadd.s32 s6, s3;
	s3 =	sadd.s32 $0x2A400, s8;
	s4 =	sadd.s32 $0x2A800, s8  }
0x9: {  	s5 =	sadd.s32 $0x2AC00, s8;
	s6 =	sadd.s32 $0x2B000, s8;
	s8 =	smax.u32 s10, $0x1  }
0xa: {  	v0 =	vimm.f32 $0.0e+00;
	s10 =	simm.s32 $0x1;
	s7 =	sadd.s32 $0x4A400, s9;
	s9 =	simm.s32 $0x2000  }
.LBB2_1:
0xb: {  	[tilespmem:s2], [sflag:$0x1] =	stream.linear.gather [hbm4b:s3+s2], $0x2000, $0x38;
	[tilespmem:$0x6400] =	vst v63  }
0xc: {  	s15 =	simm.s32 $0x40;
	s16 =	simm.s32 $0x0  }
0xd: {  	[tilespmem:s9], [sflag:$0x2] =	stream.linear.gather [hbm4b:s4+s2], $0x2000, $0x38;
	[tilespmem:$0x6400] =	vst v63  }
.LBB2_2:
0xe: {  	p0 =	sne.s32 s15, $0x8FC0;
	[tilespmem:s16+$0x4000] =	vst v0;
	s16 =	smov.u32 s15;
	s15 =	sadd.s32 $0x40, s15  }
.Ltmp0:
0xf: {  	(pc) =	sbr.rel @p0 .LBB2_2-.Ltmp0, $2  }
0x10: {  	_ =	sdelay $0x2  }
0x11: {  	s16 =	sshra.s32 s16, $0x2  }
0x12: {  	[tilespmem:s16+$0x4000] =	vst v0  }
0x13: {  	_ =	swait.ge [sflag:s10], $0x2000  }
0x14: {  	[sflag:s10] =	ssyncset.done $0x0  }
0x15: {  	s15 =	simm.s32 $0x0;
	[sflag:s10] =	ssyncadd.s32 $0xFFFFE000  }
0x16: {  	v1 =	vld [tilespmem:s15+$0x0];
	_ =	sdelay $0x4  }
0x17: {  	v2 =	vand.u32 $0x1FFFF, v1  }
0x18: {  	v2 =	vcvt.s32.f32 v2  }
0x19: {  	v1 =	vshrl.u32 v1, $0x11  }
0x1a: {  	v2 =	vmul.f32 $1.525878910e-05, v2;
	_ =	sdelay $0x1  }
0x1b: {  	v2 =	vadd.f32 $4.096000000e+03, v2;
	_ =	sdelay $0x1  }
0x1c: {  	[tilespmem:v1+s11+$0x0] =	vst.idx.add.f32.msk $0xffff, v2  }
0x1d: {  	v1 =	vld [tilespmem:s15+$0x10];
	_ =	sdelay $0x4  }
0x1e: {  	v2 =	vand.u32 $0x1FFFF, v1  }
0x1f: {  	v2 =	vcvt.s32.f32 v2  }
0x20: {  	v1 =	vshrl.u32 v1, $0x11  }
0x21: {  	v2 =	vmul.f32 $1.525878910e-05, v2;
	_ =	sdelay $0x1  }
0x22: {  	v2 =	vadd.f32 $4.096000000e+03, v2;
	_ =	sdelay $0x1  }
0x23: {  	[tilespmem:v1+s11+$0x0] =	vst.idx.add.f32.msk $0xffff, v2  }
0x24: {  	v1 =	vld [tilespmem:s15+$0x20];
	_ =	sdelay $0x4  }
0x25: {  	v2 =	vand.u32 $0x1FFFF, v1  }
0x26: {  	v2 =	vcvt.s32.f32 v2  }
0x27: {  	v1 =	vshrl.u32 v1, $0x11  }
0x28: {  	v2 =	vmul.f32 $1.525878910e-05, v2;
	_ =	sdelay $0x1  }
0x29: {  	v2 =	vadd.f32 $4.096000000e+03, v2;
	_ =	sdelay $0x1  }
0x2a: {  	[tilespmem:v1+s11+$0x0] =	vst.idx.add.f32.msk $0xffff, v2  }
0x2b: {  	v1 =	vld [tilespmem:s15+$0x30];
	_ =	sdelay $0x4  }
0x2c: {  	v2 =	vand.u32 $0x1FFFF, v1  }
0x2d: {  	v2 =	vcvt.s32.f32 v2  }
0x2e: {  	v1 =	vshrl.u32 v1, $0x11  }
0x2f: {  	v2 =	vmul.f32 $1.525878910e-05, v2;
	_ =	sdelay $0x1  }
0x30: {  	s16 =	simm.s32 $0x200;
	s15 =	simm.s32 $0x100;
	v2 =	vadd.f32 $4.096000000e+03, v2  }
.LBB2_4:
0x31: {  	p0 =	sne.s32 s16, $0x7F00  }
0x32: {  	s17 =	sshra.s32 s15, $0x2;
	s15 =	smov.u32 s16;
	s16 =	sadd.s32 $0x100, s16;
	[tilespmem:v1+s11+$0x0] =	vst.idx.add.f32.msk $0xffff, v2  }
0x33: {  	v1 =	vld [tilespmem:s17+$0x0];
	_ =	sdelay $0x4  }
0x34: {  	v2 =	vand.u32 $0x1FFFF, v1  }
0x35: {  	v2 =	vcvt.s32.f32 v2  }
0x36: {  	v1 =	vshrl.u32 v1, $0x11  }
0x37: {  	v2 =	vmul.f32 $1.525878910e-05, v2;
	_ =	sdelay $0x1  }
0x38: {  	v2 =	vadd.f32 $4.096000000e+03, v2;
	_ =	sdelay $0x1  }
0x39: {  	[tilespmem:v1+s11+$0x0] =	vst.idx.add.f32.msk $0xffff, v2  }
0x3a: {  	v1 =	vld [tilespmem:s17+$0x10];
	_ =	sdelay $0x4  }
0x3b: {  	v2 =	vand.u32 $0x1FFFF, v1  }
0x3c: {  	v2 =	vcvt.s32.f32 v2  }
0x3d: {  	v1 =	vshrl.u32 v1, $0x11  }
0x3e: {  	v2 =	vmul.f32 $1.525878910e-05, v2;
	_ =	sdelay $0x1  }
0x3f: {  	v2 =	vadd.f32 $4.096000000e+03, v2;
	_ =	sdelay $0x1  }
0x40: {  	[tilespmem:v1+s11+$0x0] =	vst.idx.add.f32.msk $0xffff, v2  }
0x41: {  	v1 =	vld [tilespmem:s17+$0x20];
	_ =	sdelay $0x4  }
0x42: {  	v2 =	vand.u32 $0x1FFFF, v1  }
0x43: {  	v2 =	vcvt.s32.f32 v2  }
0x44: {  	v1 =	vshrl.u32 v1, $0x11  }
0x45: {  	v2 =	vmul.f32 $1.525878910e-05, v2;
	_ =	sdelay $0x1  }
0x46: {  	v2 =	vadd.f32 $4.096000000e+03, v2;
	_ =	sdelay $0x1  }
0x47: {  	[tilespmem:v1+s11+$0x0] =	vst.idx.add.f32.msk $0xffff, v2  }
0x48: {  	v1 =	vld [tilespmem:s17+$0x30];
	_ =	sdelay $0x4  }
0x49: {  	v2 =	vand.u32 $0x1FFFF, v1  }
.Ltmp1:
0x4a: {  	v2 =	vcvt.s32.f32 v2;
	(pc) =	sbr.rel @p0 .LBB2_4-.Ltmp1, $3  }
0x4b: {  	v1 =	vshrl.u32 v1, $0x11  }
0x4c: {  	v2 =	vmul.f32 $1.525878910e-05, v2;
	_ =	sdelay $0x1  }
0x4d: {  	v2 =	vadd.f32 $4.096000000e+03, v2  }
0x4e: {  	_ =	sdelay $0x3  }
0x4f: {  	s15 =	sshra.s32 s15, $0x2;
	[tilespmem:v1+s11+$0x0] =	vst.idx.add.f32.msk $0xffff, v2  }
0x50: {  	v1 =	vld [tilespmem:s15+$0x0];
	_ =	sdelay $0x4  }
0x51: {  	v2 =	vand.u32 $0x1FFFF, v1  }
0x52: {  	v2 =	vcvt.s32.f32 v2  }
0x53: {  	v1 =	vshrl.u32 v1, $0x11  }
0x54: {  	v2 =	vmul.f32 $1.525878910e-05, v2;
	_ =	sdelay $0x1  }
0x55: {  	v2 =	vadd.f32 $4.096000000e+03, v2;
	_ =	sdelay $0x1  }
0x56: {  	[tilespmem:v1+s11+$0x0] =	vst.idx.add.f32.msk $0xffff, v2  }
0x57: {  	v1 =	vld [tilespmem:s15+$0x10];
	_ =	sdelay $0x4  }
0x58: {  	v2 =	vand.u32 $0x1FFFF, v1  }
0x59: {  	v2 =	vcvt.s32.f32 v2  }
0x5a: {  	v1 =	vshrl.u32 v1, $0x11  }
0x5b: {  	v2 =	vmul.f32 $1.525878910e-05, v2;
	_ =	sdelay $0x1  }
0x5c: {  	v2 =	vadd.f32 $4.096000000e+03, v2;
	_ =	sdelay $0x1  }
0x5d: {  	[tilespmem:v1+s11+$0x0] =	vst.idx.add.f32.msk $0xffff, v2  }
0x5e: {  	v1 =	vld [tilespmem:s15+$0x20];
	_ =	sdelay $0x4  }
0x5f: {  	v2 =	vand.u32 $0x1FFFF, v1  }
0x60: {  	v2 =	vcvt.s32.f32 v2  }
0x61: {  	v1 =	vshrl.u32 v1, $0x11  }
0x62: {  	v2 =	vmul.f32 $1.525878910e-05, v2;
	_ =	sdelay $0x1  }
0x63: {  	v2 =	vadd.f32 $4.096000000e+03, v2;
	_ =	sdelay $0x1  }
0x64: {  	[tilespmem:v1+s11+$0x0] =	vst.idx.add.f32.msk $0xffff, v2  }
0x65: {  	v1 =	vld [tilespmem:s15+$0x30];
	_ =	sdelay $0x4  }
0x66: {  	v2 =	vand.u32 $0x1FFFF, v1  }
0x67: {  	v2 =	vcvt.s32.f32 v2  }
0x68: {  	v1 =	vshrl.u32 v1, $0x11  }
0x69: {  	v2 =	vmul.f32 $1.525878910e-05, v2;
	_ =	sdelay $0x1  }
0x6a: {  	v2 =	vadd.f32 $4.096000000e+03, v2;
	_ =	sdelay $0x1  }
0x6b: {  	s30 =	simm.s32 $0x0;
	[tilespmem:v1+s11+$0x0] =	vst.idx.add.f32.msk $0xffff, v2  }
0x6c: {  	[tilespmem:s30], [sflag:$0x1] =	stream.linear.gather [hbm4b:s5+s30], $0x2000, $0x38;
	[tilespmem:$0x6400] =	vst v63  }
0x6d: {  	_ =	swait.ge [sflag:s12], $0x2000  }
0x6e: {  	[sflag:s12] =	ssyncset.done $0x0  }
0x6f: {  	s31 =	simm.s32 $0x0;
	[sflag:s12] =	ssyncadd.s32 $0xFFFFE000  }
0x70: {  	v1 =	vld [tilespmem:s31+$0x2000];
	_ =	sdelay $0x4  }
0x71: {  	v2 =	vand.u32 $0x1FFFF, v1  }
0x72: {  	v2 =	vcvt.s32.f32 v2  }
0x73: {  	v1 =	vshrl.u32 v1, $0x11  }
0x74: {  	v2 =	vmul.f32 $1.525878910e-05, v2;
	_ =	sdelay $0x1  }
0x75: {  	v2 =	vadd.f32 $4.096000000e+03, v2;
	_ =	sdelay $0x1  }
0x76: {  	[tilespmem:v1+s11+$0x0] =	vst.idx.add.f32.msk $0xffff, v2  }
0x77: {  	v1 =	vld [tilespmem:s31+$0x2010];
	_ =	sdelay $0x4  }
0x78: {  	v2 =	vand.u32 $0x1FFFF, v1  }
0x79: {  	v2 =	vcvt.s32.f32 v2  }
0x7a: {  	v1 =	vshrl.u32 v1, $0x11  }
0x7b: {  	v2 =	vmul.f32 $1.525878910e-05, v2;
	_ =	sdelay $0x1  }
0x7c: {  	v2 =	vadd.f32 $4.096000000e+03, v2;
	_ =	sdelay $0x1  }
0x7d: {  	[tilespmem:v1+s11+$0x0] =	vst.idx.add.f32.msk $0xffff, v2  }
0x7e: {  	v1 =	vld [tilespmem:s31+$0x2020];
	_ =	sdelay $0x4  }
0x7f: {  	v2 =	vand.u32 $0x1FFFF, v1  }
0x80: {  	v2 =	vcvt.s32.f32 v2  }
0x81: {  	v1 =	vshrl.u32 v1, $0x11  }
0x82: {  	v2 =	vmul.f32 $1.525878910e-05, v2;
	_ =	sdelay $0x1  }
0x83: {  	v2 =	vadd.f32 $4.096000000e+03, v2;
	_ =	sdelay $0x1  }
0x84: {  	[tilespmem:v1+s11+$0x0] =	vst.idx.add.f32.msk $0xffff, v2  }
0x85: {  	v1 =	vld [tilespmem:s31+$0x2030];
	_ =	sdelay $0x4  }
0x86: {  	v2 =	vand.u32 $0x1FFFF, v1  }
0x87: {  	v2 =	vcvt.s32.f32 v2  }
0x88: {  	v1 =	vshrl.u32 v1, $0x11  }
0x89: {  	v2 =	vmul.f32 $1.525878910e-05, v2;
	_ =	sdelay $0x1  }
0x8a: {  	s16 =	simm.s32 $0x200;
	s15 =	simm.s32 $0x100;
	v2 =	vadd.f32 $4.096000000e+03, v2  }
.LBB2_6:
0x8b: {  	p0 =	sne.s32 s16, $0x7F00  }
0x8c: {  	s17 =	sshra.s32 s15, $0x2;
	s15 =	smov.u32 s16;
	s16 =	sadd.s32 $0x100, s16;
	[tilespmem:v1+s11+$0x0] =	vst.idx.add.f32.msk $0xffff, v2  }
0x8d: {  	v1 =	vld [tilespmem:s17+$0x2000];
	_ =	sdelay $0x4  }
0x8e: {  	v2 =	vand.u32 $0x1FFFF, v1  }
0x8f: {  	v2 =	vcvt.s32.f32 v2  }
0x90: {  	v1 =	vshrl.u32 v1, $0x11  }
0x91: {  	v2 =	vmul.f32 $1.525878910e-05, v2;
	_ =	sdelay $0x1  }
0x92: {  	v2 =	vadd.f32 $4.096000000e+03, v2;
	_ =	sdelay $0x1  }
0x93: {  	[tilespmem:v1+s11+$0x0] =	vst.idx.add.f32.msk $0xffff, v2  }
0x94: {  	v1 =	vld [tilespmem:s17+$0x2010];
	_ =	sdelay $0x4  }
0x95: {  	v2 =	vand.u32 $0x1FFFF, v1  }
0x96: {  	v2 =	vcvt.s32.f32 v2  }
0x97: {  	v1 =	vshrl.u32 v1, $0x11  }
0x98: {  	v2 =	vmul.f32 $1.525878910e-05, v2;
	_ =	sdelay $0x1  }
0x99: {  	v2 =	vadd.f32 $4.096000000e+03, v2;
	_ =	sdelay $0x1  }
0x9a: {  	[tilespmem:v1+s11+$0x0] =	vst.idx.add.f32.msk $0xffff, v2  }
0x9b: {  	v1 =	vld [tilespmem:s17+$0x2020];
	_ =	sdelay $0x4  }
0x9c: {  	v2 =	vand.u32 $0x1FFFF, v1  }
0x9d: {  	v2 =	vcvt.s32.f32 v2  }
0x9e: {  	v1 =	vshrl.u32 v1, $0x11  }
0x9f: {  	v2 =	vmul.f32 $1.525878910e-05, v2;
	_ =	sdelay $0x1  }
0xa0: {  	v2 =	vadd.f32 $4.096000000e+03, v2;
	_ =	sdelay $0x1  }
0xa1: {  	[tilespmem:v1+s11+$0x0] =	vst.idx.add.f32.msk $0xffff, v2  }
0xa2: {  	v1 =	vld [tilespmem:s17+$0x2030];
	_ =	sdelay $0x4  }
0xa3: {  	v2 =	vand.u32 $0x1FFFF, v1  }
.Ltmp2:
0xa4: {  	v2 =	vcvt.s32.f32 v2;
	(pc) =	sbr.rel @p0 .LBB2_6-.Ltmp2, $3  }
0xa5: {  	v1 =	vshrl.u32 v1, $0x11  }
0xa6: {  	v2 =	vmul.f32 $1.525878910e-05, v2;
	_ =	sdelay $0x1  }
0xa7: {  	v2 =	vadd.f32 $4.096000000e+03, v2  }
0xa8: {  	_ =	sdelay $0x3  }
0xa9: {  	s15 =	sshra.s32 s15, $0x2;
	[tilespmem:v1+s11+$0x0] =	vst.idx.add.f32.msk $0xffff, v2  }
0xaa: {  	v1 =	vld [tilespmem:s15+$0x2000];
	_ =	sdelay $0x4  }
0xab: {  	v2 =	vand.u32 $0x1FFFF, v1  }
0xac: {  	v2 =	vcvt.s32.f32 v2  }
0xad: {  	v1 =	vshrl.u32 v1, $0x11  }
0xae: {  	v2 =	vmul.f32 $1.525878910e-05, v2;
	_ =	sdelay $0x1  }
0xaf: {  	v2 =	vadd.f32 $4.096000000e+03, v2;
	_ =	sdelay $0x1  }
0xb0: {  	[tilespmem:v1+s11+$0x0] =	vst.idx.add.f32.msk $0xffff, v2  }
0xb1: {  	v1 =	vld [tilespmem:s15+$0x2010];
	_ =	sdelay $0x4  }
0xb2: {  	v2 =	vand.u32 $0x1FFFF, v1  }
0xb3: {  	v2 =	vcvt.s32.f32 v2  }
0xb4: {  	v1 =	vshrl.u32 v1, $0x11  }
0xb5: {  	v2 =	vmul.f32 $1.525878910e-05, v2;
	_ =	sdelay $0x1  }
0xb6: {  	v2 =	vadd.f32 $4.096000000e+03, v2;
	_ =	sdelay $0x1  }
0xb7: {  	[tilespmem:v1+s11+$0x0] =	vst.idx.add.f32.msk $0xffff, v2  }
0xb8: {  	v1 =	vld [tilespmem:s15+$0x2020];
	_ =	sdelay $0x4  }
0xb9: {  	v2 =	vand.u32 $0x1FFFF, v1  }
0xba: {  	v2 =	vcvt.s32.f32 v2  }
0xbb: {  	v1 =	vshrl.u32 v1, $0x11  }
0xbc: {  	v2 =	vmul.f32 $1.525878910e-05, v2;
	_ =	sdelay $0x1  }
0xbd: {  	v2 =	vadd.f32 $4.096000000e+03, v2;
	_ =	sdelay $0x1  }
0xbe: {  	[tilespmem:v1+s11+$0x0] =	vst.idx.add.f32.msk $0xffff, v2  }
0xbf: {  	v1 =	vld [tilespmem:s15+$0x2030];
	_ =	sdelay $0x4  }
0xc0: {  	v2 =	vand.u32 $0x1FFFF, v1  }
0xc1: {  	v2 =	vcvt.s32.f32 v2  }
0xc2: {  	v1 =	vshrl.u32 v1, $0x11  }
0xc3: {  	v2 =	vmul.f32 $1.525878910e-05, v2;
	_ =	sdelay $0x1  }
0xc4: {  	v2 =	vadd.f32 $4.096000000e+03, v2;
	_ =	sdelay $0x1  }
0xc5: {  	s30 =	simm.s32 $0x0;
	[tilespmem:v1+s11+$0x0] =	vst.idx.add.f32.msk $0xffff, v2  }
0xc6: {  	[tilespmem:s9], [sflag:$0x2] =	stream.linear.gather [hbm4b:s6+s30], $0x2000, $0x38;
	[tilespmem:$0x6400] =	vst v63  }
0xc7: {  	_ =	swait.ge [sflag:s10], $0x2000  }
0xc8: {  	[sflag:s10] =	ssyncset.done $0x0  }
0xc9: {  	s31 =	simm.s32 $0x0;
	[sflag:s10] =	ssyncadd.s32 $0xFFFFE000  }
0xca: {  	v1 =	vld [tilespmem:s31+$0x0];
	_ =	sdelay $0x4  }
0xcb: {  	v2 =	vand.u32 $0x1FFFF, v1  }
0xcc: {  	v2 =	vcvt.s32.f32 v2  }
0xcd: {  	v1 =	vshrl.u32 v1, $0x11  }
0xce: {  	v2 =	vmul.f32 $1.525878910e-05, v2;
	_ =	sdelay $0x1  }
0xcf: {  	v2 =	vadd.f32 $4.096000000e+03, v2;
	_ =	sdelay $0x1  }
0xd0: {  	[tilespmem:v1+s11+$0x0] =	vst.idx.add.f32.msk $0xffff, v2  }
0xd1: {  	v1 =	vld [tilespmem:s31+$0x10];
	_ =	sdelay $0x4  }
0xd2: {  	v2 =	vand.u32 $0x1FFFF, v1  }
0xd3: {  	v2 =	vcvt.s32.f32 v2  }
0xd4: {  	v1 =	vshrl.u32 v1, $0x11  }
0xd5: {  	v2 =	vmul.f32 $1.525878910e-05, v2;
	_ =	sdelay $0x1  }
0xd6: {  	v2 =	vadd.f32 $4.096000000e+03, v2;
	_ =	sdelay $0x1  }
0xd7: {  	[tilespmem:v1+s11+$0x0] =	vst.idx.add.f32.msk $0xffff, v2  }
0xd8: {  	v1 =	vld [tilespmem:s31+$0x20];
	_ =	sdelay $0x4  }
0xd9: {  	v2 =	vand.u32 $0x1FFFF, v1  }
0xda: {  	v2 =	vcvt.s32.f32 v2  }
0xdb: {  	v1 =	vshrl.u32 v1, $0x11  }
0xdc: {  	v2 =	vmul.f32 $1.525878910e-05, v2;
	_ =	sdelay $0x1  }
0xdd: {  	v2 =	vadd.f32 $4.096000000e+03, v2;
	_ =	sdelay $0x1  }
0xde: {  	[tilespmem:v1+s11+$0x0] =	vst.idx.add.f32.msk $0xffff, v2  }
0xdf: {  	v1 =	vld [tilespmem:s31+$0x30];
	_ =	sdelay $0x4  }
0xe0: {  	v2 =	vand.u32 $0x1FFFF, v1  }
0xe1: {  	v2 =	vcvt.s32.f32 v2  }
0xe2: {  	v1 =	vshrl.u32 v1, $0x11  }
0xe3: {  	v2 =	vmul.f32 $1.525878910e-05, v2;
	_ =	sdelay $0x1  }
0xe4: {  	s16 =	simm.s32 $0x200;
	s15 =	simm.s32 $0x100;
	v2 =	vadd.f32 $4.096000000e+03, v2  }
.LBB2_8:
0xe5: {  	p0 =	sne.s32 s16, $0x7F00  }
0xe6: {  	s17 =	sshra.s32 s15, $0x2;
	s15 =	smov.u32 s16;
	s16 =	sadd.s32 $0x100, s16;
	[tilespmem:v1+s11+$0x0] =	vst.idx.add.f32.msk $0xffff, v2  }
0xe7: {  	v1 =	vld [tilespmem:s17+$0x0];
	_ =	sdelay $0x4  }
0xe8: {  	v2 =	vand.u32 $0x1FFFF, v1  }
0xe9: {  	v2 =	vcvt.s32.f32 v2  }
0xea: {  	v1 =	vshrl.u32 v1, $0x11  }
0xeb: {  	v2 =	vmul.f32 $1.525878910e-05, v2;
	_ =	sdelay $0x1  }
0xec: {  	v2 =	vadd.f32 $4.096000000e+03, v2;
	_ =	sdelay $0x1  }
0xed: {  	[tilespmem:v1+s11+$0x0] =	vst.idx.add.f32.msk $0xffff, v2  }
0xee: {  	v1 =	vld [tilespmem:s17+$0x10];
	_ =	sdelay $0x4  }
0xef: {  	v2 =	vand.u32 $0x1FFFF, v1  }
0xf0: {  	v2 =	vcvt.s32.f32 v2  }
0xf1: {  	v1 =	vshrl.u32 v1, $0x11  }
0xf2: {  	v2 =	vmul.f32 $1.525878910e-05, v2;
	_ =	sdelay $0x1  }
0xf3: {  	v2 =	vadd.f32 $4.096000000e+03, v2;
	_ =	sdelay $0x1  }
0xf4: {  	[tilespmem:v1+s11+$0x0] =	vst.idx.add.f32.msk $0xffff, v2  }
0xf5: {  	v1 =	vld [tilespmem:s17+$0x20];
	_ =	sdelay $0x4  }
0xf6: {  	v2 =	vand.u32 $0x1FFFF, v1  }
0xf7: {  	v2 =	vcvt.s32.f32 v2  }
0xf8: {  	v1 =	vshrl.u32 v1, $0x11  }
0xf9: {  	v2 =	vmul.f32 $1.525878910e-05, v2;
	_ =	sdelay $0x1  }
0xfa: {  	v2 =	vadd.f32 $4.096000000e+03, v2;
	_ =	sdelay $0x1  }
0xfb: {  	[tilespmem:v1+s11+$0x0] =	vst.idx.add.f32.msk $0xffff, v2  }
0xfc: {  	v1 =	vld [tilespmem:s17+$0x30];
	_ =	sdelay $0x4  }
0xfd: {  	v2 =	vand.u32 $0x1FFFF, v1  }
.Ltmp3:
0xfe: {  	v2 =	vcvt.s32.f32 v2;
	(pc) =	sbr.rel @p0 .LBB2_8-.Ltmp3, $3  }
0xff: {  	v1 =	vshrl.u32 v1, $0x11  }
0x100: {  	v2 =	vmul.f32 $1.525878910e-05, v2;
	_ =	sdelay $0x1  }
0x101: {  	v2 =	vadd.f32 $4.096000000e+03, v2  }
0x102: {  	_ =	sdelay $0x3  }
0x103: {  	s15 =	sshra.s32 s15, $0x2;
	[tilespmem:v1+s11+$0x0] =	vst.idx.add.f32.msk $0xffff, v2  }
0x104: {  	v1 =	vld [tilespmem:s15+$0x0];
	_ =	sdelay $0x4  }
0x105: {  	v2 =	vand.u32 $0x1FFFF, v1  }
0x106: {  	v2 =	vcvt.s32.f32 v2  }
0x107: {  	v1 =	vshrl.u32 v1, $0x11  }
0x108: {  	v2 =	vmul.f32 $1.525878910e-05, v2;
	_ =	sdelay $0x1  }
0x109: {  	v2 =	vadd.f32 $4.096000000e+03, v2;
	_ =	sdelay $0x1  }
0x10a: {  	[tilespmem:v1+s11+$0x0] =	vst.idx.add.f32.msk $0xffff, v2  }
0x10b: {  	v1 =	vld [tilespmem:s15+$0x10];
	_ =	sdelay $0x4  }
0x10c: {  	v2 =	vand.u32 $0x1FFFF, v1  }
0x10d: {  	v2 =	vcvt.s32.f32 v2  }
0x10e: {  	v1 =	vshrl.u32 v1, $0x11  }
0x10f: {  	v2 =	vmul.f32 $1.525878910e-05, v2;
	_ =	sdelay $0x1  }
0x110: {  	v2 =	vadd.f32 $4.096000000e+03, v2;
	_ =	sdelay $0x1  }
0x111: {  	[tilespmem:v1+s11+$0x0] =	vst.idx.add.f32.msk $0xffff, v2  }
0x112: {  	v1 =	vld [tilespmem:s15+$0x20];
	_ =	sdelay $0x4  }
0x113: {  	v2 =	vand.u32 $0x1FFFF, v1  }
0x114: {  	v2 =	vcvt.s32.f32 v2  }
0x115: {  	v1 =	vshrl.u32 v1, $0x11  }
0x116: {  	v2 =	vmul.f32 $1.525878910e-05, v2;
	_ =	sdelay $0x1  }
0x117: {  	v2 =	vadd.f32 $4.096000000e+03, v2;
	_ =	sdelay $0x1  }
0x118: {  	[tilespmem:v1+s11+$0x0] =	vst.idx.add.f32.msk $0xffff, v2  }
0x119: {  	v1 =	vld [tilespmem:s15+$0x30];
	_ =	sdelay $0x4  }
0x11a: {  	v2 =	vand.u32 $0x1FFFF, v1  }
0x11b: {  	v2 =	vcvt.s32.f32 v2  }
0x11c: {  	v1 =	vshrl.u32 v1, $0x11  }
0x11d: {  	v2 =	vmul.f32 $1.525878910e-05, v2;
	_ =	sdelay $0x1  }
0x11e: {  	v2 =	vadd.f32 $4.096000000e+03, v2;
	_ =	sdelay $0x1  }
0x11f: {  	[tilespmem:v1+s11+$0x0] =	vst.idx.add.f32.msk $0xffff, v2  }
0x120: {  	_ =	swait.ge [sflag:s12], $0x2000  }
0x121: {  	[sflag:s12] =	ssyncset.done $0x0  }
0x122: {  	s31 =	simm.s32 $0x0;
	[sflag:s12] =	ssyncadd.s32 $0xFFFFE000  }
0x123: {  	v1 =	vld [tilespmem:s31+$0x2000];
	_ =	sdelay $0x4  }
0x124: {  	v2 =	vand.u32 $0x1FFFF, v1  }
0x125: {  	v2 =	vcvt.s32.f32 v2  }
0x126: {  	v1 =	vshrl.u32 v1, $0x11  }
0x127: {  	v2 =	vmul.f32 $1.525878910e-05, v2;
	_ =	sdelay $0x1  }
0x128: {  	v2 =	vadd.f32 $4.096000000e+03, v2;
	_ =	sdelay $0x1  }
0x129: {  	[tilespmem:v1+s11+$0x0] =	vst.idx.add.f32.msk $0xffff, v2  }
0x12a: {  	v1 =	vld [tilespmem:s31+$0x2010];
	_ =	sdelay $0x4  }
0x12b: {  	v2 =	vand.u32 $0x1FFFF, v1  }
0x12c: {  	v2 =	vcvt.s32.f32 v2  }
0x12d: {  	v1 =	vshrl.u32 v1, $0x11  }
0x12e: {  	v2 =	vmul.f32 $1.525878910e-05, v2;
	_ =	sdelay $0x1  }
0x12f: {  	v2 =	vadd.f32 $4.096000000e+03, v2;
	_ =	sdelay $0x1  }
0x130: {  	[tilespmem:v1+s11+$0x0] =	vst.idx.add.f32.msk $0xffff, v2  }
0x131: {  	v1 =	vld [tilespmem:s31+$0x2020];
	_ =	sdelay $0x4  }
0x132: {  	v2 =	vand.u32 $0x1FFFF, v1  }
0x133: {  	v2 =	vcvt.s32.f32 v2  }
0x134: {  	v1 =	vshrl.u32 v1, $0x11  }
0x135: {  	v2 =	vmul.f32 $1.525878910e-05, v2;
	_ =	sdelay $0x1  }
0x136: {  	v2 =	vadd.f32 $4.096000000e+03, v2;
	_ =	sdelay $0x1  }
0x137: {  	[tilespmem:v1+s11+$0x0] =	vst.idx.add.f32.msk $0xffff, v2  }
0x138: {  	v1 =	vld [tilespmem:s31+$0x2030];
	_ =	sdelay $0x4  }
0x139: {  	v2 =	vand.u32 $0x1FFFF, v1  }
0x13a: {  	v2 =	vcvt.s32.f32 v2  }
0x13b: {  	v1 =	vshrl.u32 v1, $0x11  }
0x13c: {  	v2 =	vmul.f32 $1.525878910e-05, v2;
	_ =	sdelay $0x1  }
0x13d: {  	s16 =	simm.s32 $0x200;
	s15 =	simm.s32 $0x100;
	v2 =	vadd.f32 $4.096000000e+03, v2  }
.LBB2_10:
0x13e: {  	p0 =	sne.s32 s16, $0x7F00  }
0x13f: {  	s17 =	sshra.s32 s15, $0x2;
	s15 =	smov.u32 s16;
	s16 =	sadd.s32 $0x100, s16;
	[tilespmem:v1+s11+$0x0] =	vst.idx.add.f32.msk $0xffff, v2  }
0x140: {  	v1 =	vld [tilespmem:s17+$0x2000];
	_ =	sdelay $0x4  }
0x141: {  	v2 =	vand.u32 $0x1FFFF, v1  }
0x142: {  	v2 =	vcvt.s32.f32 v2  }
0x143: {  	v1 =	vshrl.u32 v1, $0x11  }
0x144: {  	v2 =	vmul.f32 $1.525878910e-05, v2;
	_ =	sdelay $0x1  }
0x145: {  	v2 =	vadd.f32 $4.096000000e+03, v2;
	_ =	sdelay $0x1  }
0x146: {  	[tilespmem:v1+s11+$0x0] =	vst.idx.add.f32.msk $0xffff, v2  }
0x147: {  	v1 =	vld [tilespmem:s17+$0x2010];
	_ =	sdelay $0x4  }
0x148: {  	v2 =	vand.u32 $0x1FFFF, v1  }
0x149: {  	v2 =	vcvt.s32.f32 v2  }
0x14a: {  	v1 =	vshrl.u32 v1, $0x11  }
0x14b: {  	v2 =	vmul.f32 $1.525878910e-05, v2;
	_ =	sdelay $0x1  }
0x14c: {  	v2 =	vadd.f32 $4.096000000e+03, v2;
	_ =	sdelay $0x1  }
0x14d: {  	[tilespmem:v1+s11+$0x0] =	vst.idx.add.f32.msk $0xffff, v2  }
0x14e: {  	v1 =	vld [tilespmem:s17+$0x2020];
	_ =	sdelay $0x4  }
0x14f: {  	v2 =	vand.u32 $0x1FFFF, v1  }
0x150: {  	v2 =	vcvt.s32.f32 v2  }
0x151: {  	v1 =	vshrl.u32 v1, $0x11  }
0x152: {  	v2 =	vmul.f32 $1.525878910e-05, v2;
	_ =	sdelay $0x1  }
0x153: {  	v2 =	vadd.f32 $4.096000000e+03, v2;
	_ =	sdelay $0x1  }
0x154: {  	[tilespmem:v1+s11+$0x0] =	vst.idx.add.f32.msk $0xffff, v2  }
0x155: {  	v1 =	vld [tilespmem:s17+$0x2030];
	_ =	sdelay $0x4  }
0x156: {  	v2 =	vand.u32 $0x1FFFF, v1  }
.Ltmp4:
0x157: {  	v2 =	vcvt.s32.f32 v2;
	(pc) =	sbr.rel @p0 .LBB2_10-.Ltmp4, $3  }
0x158: {  	v1 =	vshrl.u32 v1, $0x11  }
0x159: {  	v2 =	vmul.f32 $1.525878910e-05, v2;
	_ =	sdelay $0x1  }
0x15a: {  	v2 =	vadd.f32 $4.096000000e+03, v2  }
0x15b: {  	_ =	sdelay $0x3  }
0x15c: {  	s15 =	sshra.s32 s15, $0x2;
	[tilespmem:v1+s11+$0x0] =	vst.idx.add.f32.msk $0xffff, v2  }
0x15d: {  	v1 =	vld [tilespmem:s15+$0x2000];
	_ =	sdelay $0x4  }
0x15e: {  	v2 =	vand.u32 $0x1FFFF, v1  }
0x15f: {  	v2 =	vcvt.s32.f32 v2  }
0x160: {  	v1 =	vshrl.u32 v1, $0x11  }
0x161: {  	v2 =	vmul.f32 $1.525878910e-05, v2;
	_ =	sdelay $0x1  }
0x162: {  	v2 =	vadd.f32 $4.096000000e+03, v2;
	_ =	sdelay $0x1  }
0x163: {  	[tilespmem:v1+s11+$0x0] =	vst.idx.add.f32.msk $0xffff, v2  }
0x164: {  	v1 =	vld [tilespmem:s15+$0x2010];
	_ =	sdelay $0x4  }
0x165: {  	v2 =	vand.u32 $0x1FFFF, v1  }
0x166: {  	v2 =	vcvt.s32.f32 v2  }
0x167: {  	v1 =	vshrl.u32 v1, $0x11  }
0x168: {  	v2 =	vmul.f32 $1.525878910e-05, v2;
	_ =	sdelay $0x1  }
0x169: {  	v2 =	vadd.f32 $4.096000000e+03, v2;
	_ =	sdelay $0x1  }
0x16a: {  	[tilespmem:v1+s11+$0x0] =	vst.idx.add.f32.msk $0xffff, v2  }
0x16b: {  	v1 =	vld [tilespmem:s15+$0x2020];
	_ =	sdelay $0x4  }
0x16c: {  	v2 =	vand.u32 $0x1FFFF, v1  }
0x16d: {  	v2 =	vcvt.s32.f32 v2  }
0x16e: {  	v1 =	vshrl.u32 v1, $0x11  }
0x16f: {  	v2 =	vmul.f32 $1.525878910e-05, v2;
	_ =	sdelay $0x1  }
0x170: {  	v2 =	vadd.f32 $4.096000000e+03, v2;
	_ =	sdelay $0x1  }
0x171: {  	[tilespmem:v1+s11+$0x0] =	vst.idx.add.f32.msk $0xffff, v2  }
0x172: {  	v1 =	vld [tilespmem:s15+$0x2030];
	_ =	sdelay $0x4  }
0x173: {  	v2 =	vand.u32 $0x1FFFF, v1  }
0x174: {  	v2 =	vcvt.s32.f32 v2  }
0x175: {  	v1 =	vshrl.u32 v1, $0x11  }
0x176: {  	v2 =	vmul.f32 $1.525878910e-05, v2;
	_ =	sdelay $0x1  }
0x177: {  	s14 =	sadd.s32 $0x1, s14;
	v2 =	vadd.f32 $4.096000000e+03, v2  }
0x178: {  	p0 =	sne.s32 s14, s8  }
.Ltmp5:
0x179: {  	[tilespmem:v1+s11+$0x0] =	vst.idx.add.f32.msk $0xffff, v2;
	(pc) =	sbr.rel @p0 .LBB2_1-.Ltmp5, $4  }
0x17a: {  	[hbm4b:s7+s2] =	stream.linear.scatter [tilespmem:s11], [sflag:$0x3], $0x2400, $0x38;
	[tilespmem:$0x6400] =	vst v63  }
0x17b: {  	_ =	swait.ge [sflag:s13], $0x2400  }
0x17c: {  	[sflag:s13] =	ssyncset.done $0x0  }
0x17d: {  	[sflag:s13] =	ssyncadd.s32 $0xFFFFDC00  }
0x17e: {  	_ =	sfence.sel $0x180000  }
0x17f: {  	[bflag:$0x0] =	sbarrier.arrive $0xFFFF  }
0x180: {  	p0 =	sne.s32 s0, $0x0;
	_ =	strace $0x9000004A  }
0x181: {  	s0 =	sadd.s32 @!p0 $0x100000, s1;
	[bflag:$0x2] =	sbarrier.arrive $0xFFFF  }
0x182: {  	[sflag:s0] =	ssyncadd.tile.s32 @!p0 $0x1;
	_ =	shalt  }
.Lfunc_end2:
_tile_overlayer_lowered:
.L_overlay_start_2:
0x183: {  	(tag) =	ssettag $0x2  }
0x184: {  	s0 =	rddreg [dreg:$0x0];
	s2 =	stileid.u32  }
0x185: {  	s1 =	rddreg [dreg:$0x1];
	p0 =	sne.s32 s2, $0x0  }
0x186: {  	s3 =	rddreg [dreg:$0x2];
	[bflag:$0x3] =	sbarrier.arrive $0xFFFF;
	s2 =	simm.s32 @!p0 $0x1C03  }
0x187: {  	[timem:s3], [sflag:s2] =	dma.local @!p0 [hbm:s0], s1  }
0x188: {  	s0 =	simm.s32 @!p0 $0x3  }
0x189: {  	_ =	swait.ge @!p0 [sflag:s0], s1  }
0x18a: {  	s1 =	ssub.s32 @!p0 $0x0, s1;
	[sflag:s0] =	ssyncset.done @!p0 $0x0  }
0x18b: {  	[sflag:s0] =	ssyncadd.s32 @!p0 s1  }
0x18c: {  	[bflag:$0x3] =	sbarrier.arrive $0xFFFF  }
0x18d: {  	_ =	shalt  }

</sc_bundles>
